<compile_context>
chip_gen: v7x
topology: tpu7x:2x2x1
jax: 0.10.2.dev20260603
libtpu: 0.0.44.dev20260713+nightly
codegen_flags: <defaults>
</compile_context>

<pallas_src>
import functools

import jax
import jax.numpy as jnp
from jax import lax
from jax.experimental import pallas as pl
from jax.experimental.pallas import tpu as pltpu
from jax.experimental.pallas import tpu_sc as plsc

_SPACING = 0.001
_SHIFT = _SPACING / 2.0

_N_IN = 4096
_C = 128
_N_NEW = 4096

_NG = 4
_UNROLL = 32


def _argmin_body(qx_ref, qy_ref, c_ref, idx_ref):
    shape = (8, 128)
    qx = [qx_ref[g] for g in range(_NG)]
    qy = [qy_ref[g] for g in range(_NG)]
    inf = jnp.full(shape, jnp.inf, jnp.float32)
    zero = jnp.zeros(shape, jnp.int32)
    ns = 2
    state = tuple([inf] * _NG for _ in range(ns)) + tuple(
        [zero] * _NG for _ in range(ns)
    )

    def body(k, st):
        best = [list(b) for b in st[:ns]]
        bidx = [list(b) for b in st[ns:]]
        j0 = k * _UNROLL
        for u in range(_UNROLL):
            s = u % ns
            j = j0 + u
            cx = jnp.full(shape, c_ref[0, j])
            cy = jnp.full(shape, c_ref[1, j])
            for g in range(_NG):
                dx = qx[g] - cx
                dy = qy[g] - cy
                d2 = dx * dx + dy * dy
                lt = d2 < best[s][g]
                best[s][g] = jnp.where(lt, d2, best[s][g])
                bidx[s][g] = jnp.where(lt, j, bidx[s][g])
        return tuple(best) + tuple(bidx)

    st = lax.fori_loop(0, _N_IN // _UNROLL, body, state)
    best, bidx = st[:ns], st[ns:]
    for g in range(_NG):
        bv, bi = best[0][g], bidx[0][g]
        for s in range(1, ns):
            v, i = best[s][g], bidx[s][g]
            take = (v < bv) | ((v == bv) & (i < bi))
            bv = jnp.where(take, v, bv)
            bi = jnp.where(take, i, bi)
        idx_ref[g] = bi


def _nn_argmin(qx, qy, coords_t, interpret=False):
    return pl.pallas_call(
        _argmin_body,
        in_specs=[
            pl.BlockSpec(memory_space=pltpu.VMEM),
            pl.BlockSpec(memory_space=pltpu.VMEM),
            pl.BlockSpec(memory_space=pltpu.SMEM),
        ],
        out_specs=pl.BlockSpec(memory_space=pltpu.VMEM),
        out_shape=jax.ShapeDtypeStruct((_NG, 8, 128), jnp.int32),
        interpret=interpret,
    )(qx, qy, coords_t).reshape(_N_NEW)


_NC, _NS = 2, 16
_NW = _NC * _NS
_R_PER_W = _C // _NW
_L = 16


def _gather_body(values_hbm, idx_hbm, out_hbm, idx_v, rows_v, new_v, sem, lsem):
    wid = lax.axis_index("s") * _NC + lax.axis_index("c")
    row0 = wid * _R_PER_W
    copies = [pltpu.make_async_copy(idx_hbm, idx_v, sem)]
    copies += [
        pltpu.make_async_copy(
            values_hbm.at[row0 + r], rows_v.at[pl.ds(r * _N_IN, _N_IN)], sem
        )
        for r in range(_R_PER_W)
    ]
    for cp in copies:
        cp.start()
    for cp in copies:
        cp.wait()

    left = [
        pltpu.make_async_copy(
            rows_v.at[pl.ds(r * _N_IN, _N_IN)],
            out_hbm.at[row0 + r, pl.ds(0, _N_IN)],
            lsem,
        )
        for r in range(_R_PER_W)
    ]
    for cp in left:
        cp.start()

    gunroll = 4

    def body(k, carry):
        for u in range(gunroll):
            off = (k * gunroll + u) * _L
            ich = idx_v[pl.ds(off, _L)]
            for r in range(_R_PER_W):
                g = plsc.load_gather(rows_v, [ich + (r * _N_IN)])
                new_v[pl.ds(r * _N_IN + off, _L)] = g
        return carry

    lax.fori_loop(0, _N_IN // (_L * gunroll), body, 0)

    outs = [
        pltpu.make_async_copy(
            new_v.at[pl.ds(r * _N_IN, _N_IN)],
            out_hbm.at[row0 + r, pl.ds(_N_IN, _N_IN)],
            sem,
        )
        for r in range(_R_PER_W)
    ]
    for cp in outs:
        cp.start()
    for cp in outs:
        cp.wait()
    for cp in left:
        cp.wait()


@functools.cache
def _make_gather():
    return pl.kernel(
        _gather_body,
        out_type=jax.ShapeDtypeStruct((_C, 2 * _N_IN), jnp.float32),
        mesh=plsc.VectorSubcoreMesh(
            core_axis_name="c", subcore_axis_name="s", num_cores=_NC
        ),
        scratch_types=[
            pltpu.VMEM((_N_NEW,), jnp.int32),
            pltpu.VMEM((_R_PER_W * _N_IN,), jnp.float32),
            pltpu.VMEM((_R_PER_W * _N_IN,), jnp.float32),
            pltpu.SemaphoreType.DMA,
            pltpu.SemaphoreType.DMA,
        ],
        compiler_params=pltpu.CompilerParams(needs_layout_passes=False),
    )


@jax.jit
def kernel(coords, values, dropped_coords):
    q = dropped_coords - _SHIFT
    qx = q[:, 0].reshape(_NG, 8, 128)
    qy = q[:, 1].reshape(_NG, 8, 128)
    nn_idx = _nn_argmin(qx, qy, coords.T)
    return _make_gather()(values, nn_idx)

# --- scband reference (transcript-rebuilt; emitter-appended) ---
"""Pipeline reference for scband-upsample-6554120094013 (READ-ONLY COPY).

The authoritative reference and input builder live on the scoring server;
editing this copy changes nothing except your own understanding.
"""

import jax, jax.numpy as jnp
import numpy as np

SCALE = 2
SPACING = 0.001
SHIFT = SPACING / 2.0  # layer.shift = spacing / 2

N_IN = 4096
D = 2
C = 128
N_NEW = N_IN * (SCALE - 1)


def setup_inputs(seed: int = 0) -> dict:
    key = jax.random.key(seed)
    k1, k2, k3 = jax.random.split(key, 3)
    coords = jax.random.uniform(k1, (N_IN, D), dtype=jnp.float32)
    values = jax.random.normal(k2, (C, N_IN), dtype=jnp.float32)
    dropped_coords = jax.random.uniform(k3, (N_NEW, D), dtype=jnp.float32)
    return {"coords": coords, "values": values, "dropped_coords": dropped_coords}


def reference(coords, values, dropped_coords):
    # get_new_coords: inr has dropped_coords, N_new = N_in * (scale - 1),
    # dropped_coords.size(0) == N_new so all of them are consumed.
    new_coords = dropped_coords
    all_coords = jnp.concatenate([coords, new_coords], axis=0)
    # upsample_nn, mode == 'nearest':
    # Diffs = ((new_coords - shift).unsqueeze(1) - coords.unsqueeze(0)).norm(dim=-1)
    diffs = jnp.linalg.norm(
        (new_coords - SHIFT)[:, None, :] - coords[None, :, :], axis=-1
    )  # [N_new, N_in]
    nn_idx = jnp.argmin(diffs, axis=1)  # Diffs.min(dim=1).indices
    new_values = jnp.take(values, nn_idx, axis=1)  # values[:, indices]
    out_values = jnp.concatenate([values, new_values], axis=1)  # [C, N_in + N_new]
    return out_values

if __name__ == "__main__":
    import jax
    _d = setup_inputs()
    print(jax.jit(kernel)(*tuple(_d.values())))

</pallas_src>

<mosaic_0001>
#map = affine_map<(d0, d1) -> (0, 0)>
#map1 = affine_map<(d0, d1) -> (0)>
module attributes {stable_mosaic.version = 14 : i64} {
  func.func @_gather_body(%arg0: i32, %arg1: i32, %arg2: memref<128x4096xf32, #tpu.memory_space<hbm>>, %arg3: memref<4096xi32, #tpu.memory_space<hbm>>, %arg4: memref<128x8192xf32, #tpu.memory_space<hbm>>, %arg5: memref<4096xi32, #tpu.memory_space<vmem>>, %arg6: memref<16384xf32, #tpu.memory_space<vmem>>, %arg7: memref<16384xf32, #tpu.memory_space<vmem>>, %arg8: memref<!tpu.dma_semaphore, #tpu.memory_space<semaphore_mem>>, %arg9: memref<!tpu.dma_semaphore, #tpu.memory_space<semaphore_mem>>) attributes {dimension_semantics = [#tpu.dimension_semantics<core_parallel>, #tpu.dimension_semantics<subcore_parallel>], iteration_bounds = array<i64: 2, 16>, scalar_prefetch = 0 : i64, scratch_operands = 5 : i64, tpu.core_type = #tpu.core_type<sc_vector_subcore>, window_params = [{transform_indices = #map}, {transform_indices = #map1}, {transform_indices = #map}]} {
    %mul3A = arith.constant 2 : i32
    %mul3A_0 = arith.muli %arg1, %mul3A : i32
    %add3A = arith.addi %mul3A_0, %arg0 : i32
    %mul3A_1 = arith.constant 4 : i32
    %mul3A_2 = arith.muli %add3A, %mul3A_1 : i32
    %add3A_3 = arith.constant 0 : i32
    %add3A_4 = arith.addi %mul3A_2, %add3A_3 : i32
    %add3A_5 = arith.constant 1 : i32
    %add3A_6 = arith.addi %mul3A_2, %add3A_5 : i32
    %add3A_7 = arith.constant 2 : i32
    %add3A_8 = arith.addi %mul3A_2, %add3A_7 : i32
    %add3A_9 = arith.constant 3 : i32
    %add3A_10 = arith.addi %mul3A_2, %add3A_9 : i32
    tpu.enqueue_dma source(%arg3 : memref<4096xi32, #tpu.memory_space<hbm>>) target(%arg5 : memref<4096xi32, #tpu.memory_space<vmem>>) target_semaphore(%arg8 : memref<!tpu.dma_semaphore, #tpu.memory_space<semaphore_mem>>)
    %dma_start3A = arith.constant 0 : i32
    %dma_start3A_11 = tpu.memref_slice %arg6[%dma_start3A] : memref<16384xf32, #tpu.memory_space<vmem>> -> memref<4096xf32, #tpu.memory_space<vmem>>
    %dma_start3A_12 = arith.constant 0 : i32
    %dma_start3A_13 = tpu.memref_slice %arg2[%add3A_4, %dma_start3A_12] : memref<128x4096xf32, #tpu.memory_space<hbm>> -> memref<1x4096xf32, #tpu.memory_space<hbm>>
    %dma_start3A_14 = tpu.memref_squeeze %dma_start3A_13 : memref<1x4096xf32, #tpu.memory_space<hbm>> -> memref<4096xf32, #tpu.memory_space<hbm>>
    %dma_start3A_15 = arith.constant 0 : i32
    %dma_start3A_16 = tpu.memref_slice %arg6[%dma_start3A_15] : memref<16384xf32, #tpu.memory_space<vmem>> -> memref<4096xf32, #tpu.memory_space<vmem>>
    %dma_start3A_17 = arith.constant 0 : i32
    %dma_start3A_18 = tpu.memref_slice %arg2[%add3A_4, %dma_start3A_17] : memref<128x4096xf32, #tpu.memory_space<hbm>> -> memref<1x4096xf32, #tpu.memory_space<hbm>>
    %dma_start3A_19 = tpu.memref_squeeze %dma_start3A_18 : memref<1x4096xf32, #tpu.memory_space<hbm>> -> memref<4096xf32, #tpu.memory_space<hbm>>
    tpu.enqueue_dma source(%dma_start3A_19 : memref<4096xf32, #tpu.memory_space<hbm>>) target(%dma_start3A_16 : memref<4096xf32, #tpu.memory_space<vmem>>) target_semaphore(%arg8 : memref<!tpu.dma_semaphore, #tpu.memory_space<semaphore_mem>>)
    %dma_start3A_20 = arith.constant 4096 : i32
    %dma_start3A_21 = tpu.memref_slice %arg6[%dma_start3A_20] : memref<16384xf32, #tpu.memory_space<vmem>> -> memref<4096xf32, #tpu.memory_space<vmem>>
    %dma_start3A_22 = arith.constant 0 : i32
    %dma_start3A_23 = tpu.memref_slice %arg2[%add3A_6, %dma_start3A_22] : memref<128x4096xf32, #tpu.memory_space<hbm>> -> memref<1x4096xf32, #tpu.memory_space<hbm>>
    %dma_start3A_24 = tpu.memref_squeeze %dma_start3A_23 : memref<1x4096xf32, #tpu.memory_space<hbm>> -> memref<4096xf32, #tpu.memory_space<hbm>>
    %dma_start3A_25 = arith.constant 4096 : i32
    %dma_start3A_26 = tpu.memref_slice %arg6[%dma_start3A_25] : memref<16384xf32, #tpu.memory_space<vmem>> -> memref<4096xf32, #tpu.memory_space<vmem>>
    %dma_start3A_27 = arith.constant 0 : i32
    %dma_start3A_28 = tpu.memref_slice %arg2[%add3A_6, %dma_start3A_27] : memref<128x4096xf32, #tpu.memory_space<hbm>> -> memref<1x4096xf32, #tpu.memory_space<hbm>>
    %dma_start3A_29 = tpu.memref_squeeze %dma_start3A_28 : memref<1x4096xf32, #tpu.memory_space<hbm>> -> memref<4096xf32, #tpu.memory_space<hbm>>
    tpu.enqueue_dma source(%dma_start3A_29 : memref<4096xf32, #tpu.memory_space<hbm>>) target(%dma_start3A_26 : memref<4096xf32, #tpu.memory_space<vmem>>) target_semaphore(%arg8 : memref<!tpu.dma_semaphore, #tpu.memory_space<semaphore_mem>>)
    %dma_start3A_30 = arith.constant 8192 : i32
    %dma_start3A_31 = tpu.memref_slice %arg6[%dma_start3A_30] : memref<16384xf32, #tpu.memory_space<vmem>> -> memref<4096xf32, #tpu.memory_space<vmem>>
    %dma_start3A_32 = arith.constant 0 : i32
    %dma_start3A_33 = tpu.memref_slice %arg2[%add3A_8, %dma_start3A_32] : memref<128x4096xf32, #tpu.memory_space<hbm>> -> memref<1x4096xf32, #tpu.memory_space<hbm>>
    %dma_start3A_34 = tpu.memref_squeeze %dma_start3A_33 : memref<1x4096xf32, #tpu.memory_space<hbm>> -> memref<4096xf32, #tpu.memory_space<hbm>>
    %dma_start3A_35 = arith.constant 8192 : i32
    %dma_start3A_36 = tpu.memref_slice %arg6[%dma_start3A_35] : memref<16384xf32, #tpu.memory_space<vmem>> -> memref<4096xf32, #tpu.memory_space<vmem>>
    %dma_start3A_37 = arith.constant 0 : i32
    %dma_start3A_38 = tpu.memref_slice %arg2[%add3A_8, %dma_start3A_37] : memref<128x4096xf32, #tpu.memory_space<hbm>> -> memref<1x4096xf32, #tpu.memory_space<hbm>>
    %dma_start3A_39 = tpu.memref_squeeze %dma_start3A_38 : memref<1x4096xf32, #tpu.memory_space<hbm>> -> memref<4096xf32, #tpu.memory_space<hbm>>
    tpu.enqueue_dma source(%dma_start3A_39 : memref<4096xf32, #tpu.memory_space<hbm>>) target(%dma_start3A_36 : memref<4096xf32, #tpu.memory_space<vmem>>) target_semaphore(%arg8 : memref<!tpu.dma_semaphore, #tpu.memory_space<semaphore_mem>>)
    %dma_start3A_40 = arith.constant 12288 : i32
    %dma_start3A_41 = tpu.memref_slice %arg6[%dma_start3A_40] : memref<16384xf32, #tpu.memory_space<vmem>> -> memref<4096xf32, #tpu.memory_space<vmem>>
    %dma_start3A_42 = arith.constant 0 : i32
    %dma_start3A_43 = tpu.memref_slice %arg2[%add3A_10, %dma_start3A_42] : memref<128x4096xf32, #tpu.memory_space<hbm>> -> memref<1x4096xf32, #tpu.memory_space<hbm>>
    %dma_start3A_44 = tpu.memref_squeeze %dma_start3A_43 : memref<1x4096xf32, #tpu.memory_space<hbm>> -> memref<4096xf32, #tpu.memory_space<hbm>>
    %dma_start3A_45 = arith.constant 12288 : i32
    %dma_start3A_46 = tpu.memref_slice %arg6[%dma_start3A_45] : memref<16384xf32, #tpu.memory_space<vmem>> -> memref<4096xf32, #tpu.memory_space<vmem>>
    %dma_start3A_47 = arith.constant 0 : i32
    %dma_start3A_48 = tpu.memref_slice %arg2[%add3A_10, %dma_start3A_47] : memref<128x4096xf32, #tpu.memory_space<hbm>> -> memref<1x4096xf32, #tpu.memory_space<hbm>>
    %dma_start3A_49 = tpu.memref_squeeze %dma_start3A_48 : memref<1x4096xf32, #tpu.memory_space<hbm>> -> memref<4096xf32, #tpu.memory_space<hbm>>
    tpu.enqueue_dma source(%dma_start3A_49 : memref<4096xf32, #tpu.memory_space<hbm>>) target(%dma_start3A_46 : memref<4096xf32, #tpu.memory_space<vmem>>) target_semaphore(%arg8 : memref<!tpu.dma_semaphore, #tpu.memory_space<semaphore_mem>>)
    tpu.wait_dma2 semaphore(%arg8 : memref<!tpu.dma_semaphore, #tpu.memory_space<semaphore_mem>>) src(%arg3 : memref<4096xi32, #tpu.memory_space<hbm>>) dst(%arg5 : memref<4096xi32, #tpu.memory_space<vmem>>)
    %dma_wait3A = arith.constant 0 : i32
    %dma_wait3A_50 = tpu.memref_slice %arg6[%dma_wait3A] : memref<16384xf32, #tpu.memory_space<vmem>> -> memref<4096xf32, #tpu.memory_space<vmem>>
    %dma_wait3A_51 = arith.constant 0 : i32
    %dma_wait3A_52 = tpu.memref_slice %arg2[%add3A_4, %dma_wait3A_51] : memref<128x4096xf32, #tpu.memory_space<hbm>> -> memref<1x4096xf32, #tpu.memory_space<hbm>>
    %dma_wait3A_53 = tpu.memref_squeeze %dma_wait3A_52 : memref<1x4096xf32, #tpu.memory_space<hbm>> -> memref<4096xf32, #tpu.memory_space<hbm>>
    %dma_wait3A_54 = arith.constant 0 : i32
    %dma_wait3A_55 = tpu.memref_slice %arg6[%dma_wait3A_54] : memref<16384xf32, #tpu.memory_space<vmem>> -> memref<4096xf32, #tpu.memory_space<vmem>>
    %dma_wait3A_56 = arith.constant 0 : i32
    %dma_wait3A_57 = tpu.memref_slice %arg2[%add3A_4, %dma_wait3A_56] : memref<128x4096xf32, #tpu.memory_space<hbm>> -> memref<1x4096xf32, #tpu.memory_space<hbm>>
    %dma_wait3A_58 = tpu.memref_squeeze %dma_wait3A_57 : memref<1x4096xf32, #tpu.memory_space<hbm>> -> memref<4096xf32, #tpu.memory_space<hbm>>
    tpu.wait_dma2 semaphore(%arg8 : memref<!tpu.dma_semaphore, #tpu.memory_space<semaphore_mem>>) src(%dma_wait3A_58 : memref<4096xf32, #tpu.memory_space<hbm>>) dst(%dma_wait3A_55 : memref<4096xf32, #tpu.memory_space<vmem>>)
    %dma_wait3A_59 = arith.constant 4096 : i32
    %dma_wait3A_60 = tpu.memref_slice %arg6[%dma_wait3A_59] : memref<16384xf32, #tpu.memory_space<vmem>> -> memref<4096xf32, #tpu.memory_space<vmem>>
    %dma_wait3A_61 = arith.constant 0 : i32
    %dma_wait3A_62 = tpu.memref_slice %arg2[%add3A_6, %dma_wait3A_61] : memref<128x4096xf32, #tpu.memory_space<hbm>> -> memref<1x4096xf32, #tpu.memory_space<hbm>>
    %dma_wait3A_63 = tpu.memref_squeeze %dma_wait3A_62 : memref<1x4096xf32, #tpu.memory_space<hbm>> -> memref<4096xf32, #tpu.memory_space<hbm>>
    %dma_wait3A_64 = arith.constant 4096 : i32
    %dma_wait3A_65 = tpu.memref_slice %arg6[%dma_wait3A_64] : memref<16384xf32, #tpu.memory_space<vmem>> -> memref<4096xf32, #tpu.memory_space<vmem>>
    %dma_wait3A_66 = arith.constant 0 : i32
    %dma_wait3A_67 = tpu.memref_slice %arg2[%add3A_6, %dma_wait3A_66] : memref<128x4096xf32, #tpu.memory_space<hbm>> -> memref<1x4096xf32, #tpu.memory_space<hbm>>
    %dma_wait3A_68 = tpu.memref_squeeze %dma_wait3A_67 : memref<1x4096xf32, #tpu.memory_space<hbm>> -> memref<4096xf32, #tpu.memory_space<hbm>>
    tpu.wait_dma2 semaphore(%arg8 : memref<!tpu.dma_semaphore, #tpu.memory_space<semaphore_mem>>) src(%dma_wait3A_68 : memref<4096xf32, #tpu.memory_space<hbm>>) dst(%dma_wait3A_65 : memref<4096xf32, #tpu.memory_space<vmem>>)
    %dma_wait3A_69 = arith.constant 8192 : i32
    %dma_wait3A_70 = tpu.memref_slice %arg6[%dma_wait3A_69] : memref<16384xf32, #tpu.memory_space<vmem>> -> memref<4096xf32, #tpu.memory_space<vmem>>
    %dma_wait3A_71 = arith.constant 0 : i32
    %dma_wait3A_72 = tpu.memref_slice %arg2[%add3A_8, %dma_wait3A_71] : memref<128x4096xf32, #tpu.memory_space<hbm>> -> memref<1x4096xf32, #tpu.memory_space<hbm>>
    %dma_wait3A_73 = tpu.memref_squeeze %dma_wait3A_72 : memref<1x4096xf32, #tpu.memory_space<hbm>> -> memref<4096xf32, #tpu.memory_space<hbm>>
    %dma_wait3A_74 = arith.constant 8192 : i32
    %dma_wait3A_75 = tpu.memref_slice %arg6[%dma_wait3A_74] : memref<16384xf32, #tpu.memory_space<vmem>> -> memref<4096xf32, #tpu.memory_space<vmem>>
    %dma_wait3A_76 = arith.constant 0 : i32
    %dma_wait3A_77 = tpu.memref_slice %arg2[%add3A_8, %dma_wait3A_76] : memref<128x4096xf32, #tpu.memory_space<hbm>> -> memref<1x4096xf32, #tpu.memory_space<hbm>>
    %dma_wait3A_78 = tpu.memref_squeeze %dma_wait3A_77 : memref<1x4096xf32, #tpu.memory_space<hbm>> -> memref<4096xf32, #tpu.memory_space<hbm>>
    tpu.wait_dma2 semaphore(%arg8 : memref<!tpu.dma_semaphore, #tpu.memory_space<semaphore_mem>>) src(%dma_wait3A_78 : memref<4096xf32, #tpu.memory_space<hbm>>) dst(%dma_wait3A_75 : memref<4096xf32, #tpu.memory_space<vmem>>)
    %dma_wait3A_79 = arith.constant 12288 : i32
    %dma_wait3A_80 = tpu.memref_slice %arg6[%dma_wait3A_79] : memref<16384xf32, #tpu.memory_space<vmem>> -> memref<4096xf32, #tpu.memory_space<vmem>>
    %dma_wait3A_81 = arith.constant 0 : i32
    %dma_wait3A_82 = tpu.memref_slice %arg2[%add3A_10, %dma_wait3A_81] : memref<128x4096xf32, #tpu.memory_space<hbm>> -> memref<1x4096xf32, #tpu.memory_space<hbm>>
    %dma_wait3A_83 = tpu.memref_squeeze %dma_wait3A_82 : memref<1x4096xf32, #tpu.memory_space<hbm>> -> memref<4096xf32, #tpu.memory_space<hbm>>
    %dma_wait3A_84 = arith.constant 12288 : i32
    %dma_wait3A_85 = tpu.memref_slice %arg6[%dma_wait3A_84] : memref<16384xf32, #tpu.memory_space<vmem>> -> memref<4096xf32, #tpu.memory_space<vmem>>
    %dma_wait3A_86 = arith.constant 0 : i32
    %dma_wait3A_87 = tpu.memref_slice %arg2[%add3A_10, %dma_wait3A_86] : memref<128x4096xf32, #tpu.memory_space<hbm>> -> memref<1x4096xf32, #tpu.memory_space<hbm>>
    %dma_wait3A_88 = tpu.memref_squeeze %dma_wait3A_87 : memref<1x4096xf32, #tpu.memory_space<hbm>> -> memref<4096xf32, #tpu.memory_space<hbm>>
    tpu.wait_dma2 semaphore(%arg8 : memref<!tpu.dma_semaphore, #tpu.memory_space<semaphore_mem>>) src(%dma_wait3A_88 : memref<4096xf32, #tpu.memory_space<hbm>>) dst(%dma_wait3A_85 : memref<4096xf32, #tpu.memory_space<vmem>>)
    %add3A_89 = arith.constant 0 : i32
    %add3A_90 = arith.addi %mul3A_2, %add3A_89 : i32
    %add3A_91 = arith.constant 1 : i32
    %add3A_92 = arith.addi %mul3A_2, %add3A_91 : i32
    %add3A_93 = arith.constant 2 : i32
    %add3A_94 = arith.addi %mul3A_2, %add3A_93 : i32
    %add3A_95 = arith.constant 3 : i32
    %add3A_96 = arith.addi %mul3A_2, %add3A_95 : i32
    %dma_start3A_97 = arith.constant 0 : i32
    %dma_start3A_98 = tpu.memref_slice %arg6[%dma_start3A_97] : memref<16384xf32, #tpu.memory_space<vmem>> -> memref<4096xf32, #tpu.memory_space<vmem>>
    %dma_start3A_99 = arith.constant 0 : i32
    %dma_start3A_100 = tpu.memref_slice %arg4[%add3A_90, %dma_start3A_99] : memref<128x8192xf32, #tpu.memory_space<hbm>> -> memref<1x4096xf32, #tpu.memory_space<hbm>>
    %dma_start3A_101 = tpu.memref_squeeze %dma_start3A_100 : memref<1x4096xf32, #tpu.memory_space<hbm>> -> memref<4096xf32, #tpu.memory_space<hbm>>
    %dma_start3A_102 = arith.constant 0 : i32
    %dma_start3A_103 = tpu.memref_slice %arg4[%add3A_90, %dma_start3A_102] : memref<128x8192xf32, #tpu.memory_space<hbm>> -> memref<1x4096xf32, #tpu.memory_space<hbm>>
    %dma_start3A_104 = tpu.memref_squeeze %dma_start3A_103 : memref<1x4096xf32, #tpu.memory_space<hbm>> -> memref<4096xf32, #tpu.memory_space<hbm>>
    %dma_start3A_105 = arith.constant 0 : i32
    %dma_start3A_106 = tpu.memref_slice %arg6[%dma_start3A_105] : memref<16384xf32, #tpu.memory_space<vmem>> -> memref<4096xf32, #tpu.memory_space<vmem>>
    tpu.enqueue_dma source(%dma_start3A_106 : memref<4096xf32, #tpu.memory_space<vmem>>) target(%dma_start3A_104 : memref<4096xf32, #tpu.memory_space<hbm>>) target_semaphore(%arg9 : memref<!tpu.dma_semaphore, #tpu.memory_space<semaphore_mem>>)
    %dma_start3A_107 = arith.constant 4096 : i32
    %dma_start3A_108 = tpu.memref_slice %arg6[%dma_start3A_107] : memref<16384xf32, #tpu.memory_space<vmem>> -> memref<4096xf32, #tpu.memory_space<vmem>>
    %dma_start3A_109 = arith.constant 0 : i32
    %dma_start3A_110 = tpu.memref_slice %arg4[%add3A_92, %dma_start3A_109] : memref<128x8192xf32, #tpu.memory_space<hbm>> -> memref<1x4096xf32, #tpu.memory_space<hbm>>
    %dma_start3A_111 = tpu.memref_squeeze %dma_start3A_110 : memref<1x4096xf32, #tpu.memory_space<hbm>> -> memref<4096xf32, #tpu.memory_space<hbm>>
    %dma_start3A_112 = arith.constant 0 : i32
    %dma_start3A_113 = tpu.memref_slice %arg4[%add3A_92, %dma_start3A_112] : memref<128x8192xf32, #tpu.memory_space<hbm>> -> memref<1x4096xf32, #tpu.memory_space<hbm>>
    %dma_start3A_114 = tpu.memref_squeeze %dma_start3A_113 : memref<1x4096xf32, #tpu.memory_space<hbm>> -> memref<4096xf32, #tpu.memory_space<hbm>>
    %dma_start3A_115 = arith.constant 4096 : i32
    %dma_start3A_116 = tpu.memref_slice %arg6[%dma_start3A_115] : memref<16384xf32, #tpu.memory_space<vmem>> -> memref<4096xf32, #tpu.memory_space<vmem>>
    tpu.enqueue_dma source(%dma_start3A_116 : memref<4096xf32, #tpu.memory_space<vmem>>) target(%dma_start3A_114 : memref<4096xf32, #tpu.memory_space<hbm>>) target_semaphore(%arg9 : memref<!tpu.dma_semaphore, #tpu.memory_space<semaphore_mem>>)
    %dma_start3A_117 = arith.constant 8192 : i32
    %dma_start3A_118 = tpu.memref_slice %arg6[%dma_start3A_117] : memref<16384xf32, #tpu.memory_space<vmem>> -> memref<4096xf32, #tpu.memory_space<vmem>>
    %dma_start3A_119 = arith.constant 0 : i32
    %dma_start3A_120 = tpu.memref_slice %arg4[%add3A_94, %dma_start3A_119] : memref<128x8192xf32, #tpu.memory_space<hbm>> -> memref<1x4096xf32, #tpu.memory_space<hbm>>
    %dma_start3A_121 = tpu.memref_squeeze %dma_start3A_120 : memref<1x4096xf32, #tpu.memory_space<hbm>> -> memref<4096xf32, #tpu.memory_space<hbm>>
    %dma_start3A_122 = arith.constant 0 : i32
    %dma_start3A_123 = tpu.memref_slice %arg4[%add3A_94, %dma_start3A_122] : memref<128x8192xf32, #tpu.memory_space<hbm>> -> memref<1x4096xf32, #tpu.memory_space<hbm>>
    %dma_start3A_124 = tpu.memref_squeeze %dma_start3A_123 : memref<1x4096xf32, #tpu.memory_space<hbm>> -> memref<4096xf32, #tpu.memory_space<hbm>>
    %dma_start3A_125 = arith.constant 8192 : i32
    %dma_start3A_126 = tpu.memref_slice %arg6[%dma_start3A_125] : memref<16384xf32, #tpu.memory_space<vmem>> -> memref<4096xf32, #tpu.memory_space<vmem>>
    tpu.enqueue_dma source(%dma_start3A_126 : memref<4096xf32, #tpu.memory_space<vmem>>) target(%dma_start3A_124 : memref<4096xf32, #tpu.memory_space<hbm>>) target_semaphore(%arg9 : memref<!tpu.dma_semaphore, #tpu.memory_space<semaphore_mem>>)
    %dma_start3A_127 = arith.constant 12288 : i32
    %dma_start3A_128 = tpu.memref_slice %arg6[%dma_start3A_127] : memref<16384xf32, #tpu.memory_space<vmem>> -> memref<4096xf32, #tpu.memory_space<vmem>>
    %dma_start3A_129 = arith.constant 0 : i32
    %dma_start3A_130 = tpu.memref_slice %arg4[%add3A_96, %dma_start3A_129] : memref<128x8192xf32, #tpu.memory_space<hbm>> -> memref<1x4096xf32, #tpu.memory_space<hbm>>
    %dma_start3A_131 = tpu.memref_squeeze %dma_start3A_130 : memref<1x4096xf32, #tpu.memory_space<hbm>> -> memref<4096xf32, #tpu.memory_space<hbm>>
    %dma_start3A_132 = arith.constant 0 : i32
    %dma_start3A_133 = tpu.memref_slice %arg4[%add3A_96, %dma_start3A_132] : memref<128x8192xf32, #tpu.memory_space<hbm>> -> memref<1x4096xf32, #tpu.memory_space<hbm>>
    %dma_start3A_134 = tpu.memref_squeeze %dma_start3A_133 : memref<1x4096xf32, #tpu.memory_space<hbm>> -> memref<4096xf32, #tpu.memory_space<hbm>>
    %dma_start3A_135 = arith.constant 12288 : i32
    %dma_start3A_136 = tpu.memref_slice %arg6[%dma_start3A_135] : memref<16384xf32, #tpu.memory_space<vmem>> -> memref<4096xf32, #tpu.memory_space<vmem>>
    tpu.enqueue_dma source(%dma_start3A_136 : memref<4096xf32, #tpu.memory_space<vmem>>) target(%dma_start3A_134 : memref<4096xf32, #tpu.memory_space<hbm>>) target_semaphore(%arg9 : memref<!tpu.dma_semaphore, #tpu.memory_space<semaphore_mem>>)
    %scan3A = arith.constant 0 : i32
    %scan3A_137 = arith.constant 0 : i32
    %scan3A_138 = arith.constant 64 : i32
    %scan3A_139 = arith.addi %scan3A_137, %scan3A_138 : i32
    %scan3A_140 = arith.constant 1 : i32
    scf.for %scan3A_270 = %scan3A_137 to %scan3A_139 step %scan3A_140  : i32 {
      %mul3A_271 = arith.constant 4 : i32
      %mul3A_272 = arith.muli %scan3A_270, %mul3A_271 : i32
      %add3A_273 = arith.constant 0 : i32
      %add3A_274 = arith.addi %mul3A_272, %add3A_273 : i32
      %mul3A_275 = arith.constant 16 : i32
      %mul3A_276 = arith.muli %add3A_274, %mul3A_275 : i32
      %get3A = arith.index_cast %mul3A_276 : i32 to index
      %get3A_277 = tpu.vector_load %arg5[%get3A] {strides = array<i32>} : memref<4096xi32, #tpu.memory_space<vmem>>, vector<16xi32>,
      %add3A_278 = arith.constant 0 : i32
      %add3A_279 = vector.broadcast %add3A_278 : i32 to vector<16xi32>
      %add3A_280 = arith.addi %get3A_277, %add3A_279 : vector<16xi32>
      %gather3A = tpu.vector_load_idx %arg6[%add3A_280] : memref<16384xf32, #tpu.memory_space<vmem>>[vector<16xi32>], vector<16xf32>,
      %add3A_281 = arith.constant 0 : i32
      %add3A_282 = arith.addi %add3A_281, %mul3A_276 : i32
      %swap3A = arith.index_cast %add3A_282 : i32 to index
      %swap3A_283 = tpu.vector_load %arg7[%swap3A] {strides = array<i32>} : memref<16384xf32, #tpu.memory_space<vmem>>, vector<16xf32>,
      tpu.vector_store %arg7[%swap3A], %gather3A {strides = array<i32>} : memref<16384xf32, #tpu.memory_space<vmem>>, vector<16xf32>,
      %add3A_284 = arith.constant 4096 : i32
      %add3A_285 = vector.broadcast %add3A_284 : i32 to vector<16xi32>
      %add3A_286 = arith.addi %get3A_277, %add3A_285 : vector<16xi32>
      %gather3A_287 = tpu.vector_load_idx %arg6[%add3A_286] : memref<16384xf32, #tpu.memory_space<vmem>>[vector<16xi32>], vector<16xf32>,
      %add3A_288 = arith.constant 4096 : i32
      %add3A_289 = arith.addi %add3A_288, %mul3A_276 : i32
      %swap3A_290 = arith.index_cast %add3A_289 : i32 to index
      %swap3A_291 = tpu.vector_load %arg7[%swap3A_290] {strides = array<i32>} : memref<16384xf32, #tpu.memory_space<vmem>>, vector<16xf32>,
      tpu.vector_store %arg7[%swap3A_290], %gather3A_287 {strides = array<i32>} : memref<16384xf32, #tpu.memory_space<vmem>>, vector<16xf32>,
      %add3A_292 = arith.constant 8192 : i32
      %add3A_293 = vector.broadcast %add3A_292 : i32 to vector<16xi32>
      %add3A_294 = arith.addi %get3A_277, %add3A_293 : vector<16xi32>
      %gather3A_295 = tpu.vector_load_idx %arg6[%add3A_294] : memref<16384xf32, #tpu.memory_space<vmem>>[vector<16xi32>], vector<16xf32>,
      %add3A_296 = arith.constant 8192 : i32
      %add3A_297 = arith.addi %add3A_296, %mul3A_276 : i32
      %swap3A_298 = arith.index_cast %add3A_297 : i32 to index
      %swap3A_299 = tpu.vector_load %arg7[%swap3A_298] {strides = array<i32>} : memref<16384xf32, #tpu.memory_space<vmem>>, vector<16xf32>,
      tpu.vector_store %arg7[%swap3A_298], %gather3A_295 {strides = array<i32>} : memref<16384xf32, #tpu.memory_space<vmem>>, vector<16xf32>,
      %add3A_300 = arith.constant 12288 : i32
      %add3A_301 = vector.broadcast %add3A_300 : i32 to vector<16xi32>
      %add3A_302 = arith.addi %get3A_277, %add3A_301 : vector<16xi32>
      %gather3A_303 = tpu.vector_load_idx %arg6[%add3A_302] : memref<16384xf32, #tpu.memory_space<vmem>>[vector<16xi32>], vector<16xf32>,
      %add3A_304 = arith.constant 12288 : i32
      %add3A_305 = arith.addi %add3A_304, %mul3A_276 : i32
      %swap3A_306 = arith.index_cast %add3A_305 : i32 to index
      %swap3A_307 = tpu.vector_load %arg7[%swap3A_306] {strides = array<i32>} : memref<16384xf32, #tpu.memory_space<vmem>>, vector<16xf32>,
      tpu.vector_store %arg7[%swap3A_306], %gather3A_303 {strides = array<i32>} : memref<16384xf32, #tpu.memory_space<vmem>>, vector<16xf32>,
      %mul3A_308 = arith.constant 4 : i32
      %mul3A_309 = arith.muli %scan3A_270, %mul3A_308 : i32
      %add3A_310 = arith.constant 1 : i32
      %add3A_311 = arith.addi %mul3A_309, %add3A_310 : i32
      %mul3A_312 = arith.constant 16 : i32
      %mul3A_313 = arith.muli %add3A_311, %mul3A_312 : i32
      %get3A_314 = arith.index_cast %mul3A_313 : i32 to index
      %get3A_315 = tpu.vector_load %arg5[%get3A_314] {strides = array<i32>} : memref<4096xi32, #tpu.memory_space<vmem>>, vector<16xi32>,
      %add3A_316 = arith.constant 0 : i32
      %add3A_317 = vector.broadcast %add3A_316 : i32 to vector<16xi32>
      %add3A_318 = arith.addi %get3A_315, %add3A_317 : vector<16xi32>
      %gather3A_319 = tpu.vector_load_idx %arg6[%add3A_318] : memref<16384xf32, #tpu.memory_space<vmem>>[vector<16xi32>], vector<16xf32>,
      %add3A_320 = arith.constant 0 : i32
      %add3A_321 = arith.addi %add3A_320, %mul3A_313 : i32
      %swap3A_322 = arith.index_cast %add3A_321 : i32 to index
      %swap3A_323 = tpu.vector_load %arg7[%swap3A_322] {strides = array<i32>} : memref<16384xf32, #tpu.memory_space<vmem>>, vector<16xf32>,
      tpu.vector_store %arg7[%swap3A_322], %gather3A_319 {strides = array<i32>} : memref<16384xf32, #tpu.memory_space<vmem>>, vector<16xf32>,
      %add3A_324 = arith.constant 4096 : i32
      %add3A_325 = vector.broadcast %add3A_324 : i32 to vector<16xi32>
      %add3A_326 = arith.addi %get3A_315, %add3A_325 : vector<16xi32>
      %gather3A_327 = tpu.vector_load_idx %arg6[%add3A_326] : memref<16384xf32, #tpu.memory_space<vmem>>[vector<16xi32>], vector<16xf32>,
      %add3A_328 = arith.constant 4096 : i32
      %add3A_329 = arith.addi %add3A_328, %mul3A_313 : i32
      %swap3A_330 = arith.index_cast %add3A_329 : i32 to index
      %swap3A_331 = tpu.vector_load %arg7[%swap3A_330] {strides = array<i32>} : memref<16384xf32, #tpu.memory_space<vmem>>, vector<16xf32>,
      tpu.vector_store %arg7[%swap3A_330], %gather3A_327 {strides = array<i32>} : memref<16384xf32, #tpu.memory_space<vmem>>, vector<16xf32>,
      %add3A_332 = arith.constant 8192 : i32
      %add3A_333 = vector.broadcast %add3A_332 : i32 to vector<16xi32>
      %add3A_334 = arith.addi %get3A_315, %add3A_333 : vector<16xi32>
      %gather3A_335 = tpu.vector_load_idx %arg6[%add3A_334] : memref<16384xf32, #tpu.memory_space<vmem>>[vector<16xi32>], vector<16xf32>,
      %add3A_336 = arith.constant 8192 : i32
      %add3A_337 = arith.addi %add3A_336, %mul3A_313 : i32
      %swap3A_338 = arith.index_cast %add3A_337 : i32 to index
      %swap3A_339 = tpu.vector_load %arg7[%swap3A_338] {strides = array<i32>} : memref<16384xf32, #tpu.memory_space<vmem>>, vector<16xf32>,
      tpu.vector_store %arg7[%swap3A_338], %gather3A_335 {strides = array<i32>} : memref<16384xf32, #tpu.memory_space<vmem>>, vector<16xf32>,
      %add3A_340 = arith.constant 12288 : i32
      %add3A_341 = vector.broadcast %add3A_340 : i32 to vector<16xi32>
      %add3A_342 = arith.addi %get3A_315, %add3A_341 : vector<16xi32>
      %gather3A_343 = tpu.vector_load_idx %arg6[%add3A_342] : memref<16384xf32, #tpu.memory_space<vmem>>[vector<16xi32>], vector<16xf32>,
      %add3A_344 = arith.constant 12288 : i32
      %add3A_345 = arith.addi %add3A_344, %mul3A_313 : i32
      %swap3A_346 = arith.index_cast %add3A_345 : i32 to index
      %swap3A_347 = tpu.vector_load %arg7[%swap3A_346] {strides = array<i32>} : memref<16384xf32, #tpu.memory_space<vmem>>, vector<16xf32>,
      tpu.vector_store %arg7[%swap3A_346], %gather3A_343 {strides = array<i32>} : memref<16384xf32, #tpu.memory_space<vmem>>, vector<16xf32>,
      %mul3A_348 = arith.constant 4 : i32
      %mul3A_349 = arith.muli %scan3A_270, %mul3A_348 : i32
      %add3A_350 = arith.constant 2 : i32
      %add3A_351 = arith.addi %mul3A_349, %add3A_350 : i32
      %mul3A_352 = arith.constant 16 : i32
      %mul3A_353 = arith.muli %add3A_351, %mul3A_352 : i32
      %get3A_354 = arith.index_cast %mul3A_353 : i32 to index
      %get3A_355 = tpu.vector_load %arg5[%get3A_354] {strides = array<i32>} : memref<4096xi32, #tpu.memory_space<vmem>>, vector<16xi32>,
      %add3A_356 = arith.constant 0 : i32
      %add3A_357 = vector.broadcast %add3A_356 : i32 to vector<16xi32>
      %add3A_358 = arith.addi %get3A_355, %add3A_357 : vector<16xi32>
      %gather3A_359 = tpu.vector_load_idx %arg6[%add3A_358] : memref<16384xf32, #tpu.memory_space<vmem>>[vector<16xi32>], vector<16xf32>,
      %add3A_360 = arith.constant 0 : i32
      %add3A_361 = arith.addi %add3A_360, %mul3A_353 : i32
      %swap3A_362 = arith.index_cast %add3A_361 : i32 to index
      %swap3A_363 = tpu.vector_load %arg7[%swap3A_362] {strides = array<i32>} : memref<16384xf32, #tpu.memory_space<vmem>>, vector<16xf32>,
      tpu.vector_store %arg7[%swap3A_362], %gather3A_359 {strides = array<i32>} : memref<16384xf32, #tpu.memory_space<vmem>>, vector<16xf32>,
      %add3A_364 = arith.constant 4096 : i32
      %add3A_365 = vector.broadcast %add3A_364 : i32 to vector<16xi32>
      %add3A_366 = arith.addi %get3A_355, %add3A_365 : vector<16xi32>
      %gather3A_367 = tpu.vector_load_idx %arg6[%add3A_366] : memref<16384xf32, #tpu.memory_space<vmem>>[vector<16xi32>], vector<16xf32>,
      %add3A_368 = arith.constant 4096 : i32
      %add3A_369 = arith.addi %add3A_368, %mul3A_353 : i32
      %swap3A_370 = arith.index_cast %add3A_369 : i32 to index
      %swap3A_371 = tpu.vector_load %arg7[%swap3A_370] {strides = array<i32>} : memref<16384xf32, #tpu.memory_space<vmem>>, vector<16xf32>,
      tpu.vector_store %arg7[%swap3A_370], %gather3A_367 {strides = array<i32>} : memref<16384xf32, #tpu.memory_space<vmem>>, vector<16xf32>,
      %add3A_372 = arith.constant 8192 : i32
      %add3A_373 = vector.broadcast %add3A_372 : i32 to vector<16xi32>
      %add3A_374 = arith.addi %get3A_355, %add3A_373 : vector<16xi32>
      %gather3A_375 = tpu.vector_load_idx %arg6[%add3A_374] : memref<16384xf32, #tpu.memory_space<vmem>>[vector<16xi32>], vector<16xf32>,
      %add3A_376 = arith.constant 8192 : i32
      %add3A_377 = arith.addi %add3A_376, %mul3A_353 : i32
      %swap3A_378 = arith.index_cast %add3A_377 : i32 to index
      %swap3A_379 = tpu.vector_load %arg7[%swap3A_378] {strides = array<i32>} : memref<16384xf32, #tpu.memory_space<vmem>>, vector<16xf32>,
      tpu.vector_store %arg7[%swap3A_378], %gather3A_375 {strides = array<i32>} : memref<16384xf32, #tpu.memory_space<vmem>>, vector<16xf32>,
      %add3A_380 = arith.constant 12288 : i32
      %add3A_381 = vector.broadcast %add3A_380 : i32 to vector<16xi32>
      %add3A_382 = arith.addi %get3A_355, %add3A_381 : vector<16xi32>
      %gather3A_383 = tpu.vector_load_idx %arg6[%add3A_382] : memref<16384xf32, #tpu.memory_space<vmem>>[vector<16xi32>], vector<16xf32>,
      %add3A_384 = arith.constant 12288 : i32
      %add3A_385 = arith.addi %add3A_384, %mul3A_353 : i32
      %swap3A_386 = arith.index_cast %add3A_385 : i32 to index
      %swap3A_387 = tpu.vector_load %arg7[%swap3A_386] {strides = array<i32>} : memref<16384xf32, #tpu.memory_space<vmem>>, vector<16xf32>,
      tpu.vector_store %arg7[%swap3A_386], %gather3A_383 {strides = array<i32>} : memref<16384xf32, #tpu.memory_space<vmem>>, vector<16xf32>,
      %mul3A_388 = arith.constant 4 : i32
      %mul3A_389 = arith.muli %scan3A_270, %mul3A_388 : i32
      %add3A_390 = arith.constant 3 : i32
      %add3A_391 = arith.addi %mul3A_389, %add3A_390 : i32
      %mul3A_392 = arith.constant 16 : i32
      %mul3A_393 = arith.muli %add3A_391, %mul3A_392 : i32
      %get3A_394 = arith.index_cast %mul3A_393 : i32 to index
      %get3A_395 = tpu.vector_load %arg5[%get3A_394] {strides = array<i32>} : memref<4096xi32, #tpu.memory_space<vmem>>, vector<16xi32>,
      %add3A_396 = arith.constant 0 : i32
      %add3A_397 = vector.broadcast %add3A_396 : i32 to vector<16xi32>
      %add3A_398 = arith.addi %get3A_395, %add3A_397 : vector<16xi32>
      %gather3A_399 = tpu.vector_load_idx %arg6[%add3A_398] : memref<16384xf32, #tpu.memory_space<vmem>>[vector<16xi32>], vector<16xf32>,
      %add3A_400 = arith.constant 0 : i32
      %add3A_401 = arith.addi %add3A_400, %mul3A_393 : i32
      %swap3A_402 = arith.index_cast %add3A_401 : i32 to index
      %swap3A_403 = tpu.vector_load %arg7[%swap3A_402] {strides = array<i32>} : memref<16384xf32, #tpu.memory_space<vmem>>, vector<16xf32>,
      tpu.vector_store %arg7[%swap3A_402], %gather3A_399 {strides = array<i32>} : memref<16384xf32, #tpu.memory_space<vmem>>, vector<16xf32>,
      %add3A_404 = arith.constant 4096 : i32
      %add3A_405 = vector.broadcast %add3A_404 : i32 to vector<16xi32>
      %add3A_406 = arith.addi %get3A_395, %add3A_405 : vector<16xi32>
      %gather3A_407 = tpu.vector_load_idx %arg6[%add3A_406] : memref<16384xf32, #tpu.memory_space<vmem>>[vector<16xi32>], vector<16xf32>,
      %add3A_408 = arith.constant 4096 : i32
      %add3A_409 = arith.addi %add3A_408, %mul3A_393 : i32
      %swap3A_410 = arith.index_cast %add3A_409 : i32 to index
      %swap3A_411 = tpu.vector_load %arg7[%swap3A_410] {strides = array<i32>} : memref<16384xf32, #tpu.memory_space<vmem>>, vector<16xf32>,
      tpu.vector_store %arg7[%swap3A_410], %gather3A_407 {strides = array<i32>} : memref<16384xf32, #tpu.memory_space<vmem>>, vector<16xf32>,
      %add3A_412 = arith.constant 8192 : i32
      %add3A_413 = vector.broadcast %add3A_412 : i32 to vector<16xi32>
      %add3A_414 = arith.addi %get3A_395, %add3A_413 : vector<16xi32>
      %gather3A_415 = tpu.vector_load_idx %arg6[%add3A_414] : memref<16384xf32, #tpu.memory_space<vmem>>[vector<16xi32>], vector<16xf32>,
      %add3A_416 = arith.constant 8192 : i32
      %add3A_417 = arith.addi %add3A_416, %mul3A_393 : i32
      %swap3A_418 = arith.index_cast %add3A_417 : i32 to index
      %swap3A_419 = tpu.vector_load %arg7[%swap3A_418] {strides = array<i32>} : memref<16384xf32, #tpu.memory_space<vmem>>, vector<16xf32>,
      tpu.vector_store %arg7[%swap3A_418], %gather3A_415 {strides = array<i32>} : memref<16384xf32, #tpu.memory_space<vmem>>, vector<16xf32>,
      %add3A_420 = arith.constant 12288 : i32
      %add3A_421 = vector.broadcast %add3A_420 : i32 to vector<16xi32>
      %add3A_422 = arith.addi %get3A_395, %add3A_421 : vector<16xi32>
      %gather3A_423 = tpu.vector_load_idx %arg6[%add3A_422] : memref<16384xf32, #tpu.memory_space<vmem>>[vector<16xi32>], vector<16xf32>,
      %add3A_424 = arith.constant 12288 : i32
      %add3A_425 = arith.addi %add3A_424, %mul3A_393 : i32
      %swap3A_426 = arith.index_cast %add3A_425 : i32 to index
      %swap3A_427 = tpu.vector_load %arg7[%swap3A_426] {strides = array<i32>} : memref<16384xf32, #tpu.memory_space<vmem>>, vector<16xf32>,
      tpu.vector_store %arg7[%swap3A_426], %gather3A_423 {strides = array<i32>} : memref<16384xf32, #tpu.memory_space<vmem>>, vector<16xf32>,
    }
    %scan3A_141 = arith.constant 64 : i32
    %add3A_142 = arith.constant 0 : i32
    %add3A_143 = arith.addi %mul3A_2, %add3A_142 : i32
    %add3A_144 = arith.constant 1 : i32
    %add3A_145 = arith.addi %mul3A_2, %add3A_144 : i32
    %add3A_146 = arith.constant 2 : i32
    %add3A_147 = arith.addi %mul3A_2, %add3A_146 : i32
    %add3A_148 = arith.constant 3 : i32
    %add3A_149 = arith.addi %mul3A_2, %add3A_148 : i32
    %dma_start3A_150 = arith.constant 0 : i32
    %dma_start3A_151 = tpu.memref_slice %arg7[%dma_start3A_150] : memref<16384xf32, #tpu.memory_space<vmem>> -> memref<4096xf32, #tpu.memory_space<vmem>>
    %dma_start3A_152 = arith.constant 4096 : i32
    %dma_start3A_153 = tpu.memref_slice %arg4[%add3A_143, %dma_start3A_152] : memref<128x8192xf32, #tpu.memory_space<hbm>> -> memref<1x4096xf32, #tpu.memory_space<hbm>>
    %dma_start3A_154 = tpu.memref_squeeze %dma_start3A_153 : memref<1x4096xf32, #tpu.memory_space<hbm>> -> memref<4096xf32, #tpu.memory_space<hbm>>
    %dma_start3A_155 = arith.constant 4096 : i32
    %dma_start3A_156 = tpu.memref_slice %arg4[%add3A_143, %dma_start3A_155] : memref<128x8192xf32, #tpu.memory_space<hbm>> -> memref<1x4096xf32, #tpu.memory_space<hbm>>
    %dma_start3A_157 = tpu.memref_squeeze %dma_start3A_156 : memref<1x4096xf32, #tpu.memory_space<hbm>> -> memref<4096xf32, #tpu.memory_space<hbm>>
    %dma_start3A_158 = arith.constant 0 : i32
    %dma_start3A_159 = tpu.memref_slice %arg7[%dma_start3A_158] : memref<16384xf32, #tpu.memory_space<vmem>> -> memref<4096xf32, #tpu.memory_space<vmem>>
    tpu.enqueue_dma source(%dma_start3A_159 : memref<4096xf32, #tpu.memory_space<vmem>>) target(%dma_start3A_157 : memref<4096xf32, #tpu.memory_space<hbm>>) target_semaphore(%arg8 : memref<!tpu.dma_semaphore, #tpu.memory_space<semaphore_mem>>)
    %dma_start3A_160 = arith.constant 4096 : i32
    %dma_start3A_161 = tpu.memref_slice %arg7[%dma_start3A_160] : memref<16384xf32, #tpu.memory_space<vmem>> -> memref<4096xf32, #tpu.memory_space<vmem>>
    %dma_start3A_162 = arith.constant 4096 : i32
    %dma_start3A_163 = tpu.memref_slice %arg4[%add3A_145, %dma_start3A_162] : memref<128x8192xf32, #tpu.memory_space<hbm>> -> memref<1x4096xf32, #tpu.memory_space<hbm>>
    %dma_start3A_164 = tpu.memref_squeeze %dma_start3A_163 : memref<1x4096xf32, #tpu.memory_space<hbm>> -> memref<4096xf32, #tpu.memory_space<hbm>>
    %dma_start3A_165 = arith.constant 4096 : i32
    %dma_start3A_166 = tpu.memref_slice %arg4[%add3A_145, %dma_start3A_165] : memref<128x8192xf32, #tpu.memory_space<hbm>> -> memref<1x4096xf32, #tpu.memory_space<hbm>>
    %dma_start3A_167 = tpu.memref_squeeze %dma_start3A_166 : memref<1x4096xf32, #tpu.memory_space<hbm>> -> memref<4096xf32, #tpu.memory_space<hbm>>
    %dma_start3A_168 = arith.constant 4096 : i32
    %dma_start3A_169 = tpu.memref_slice %arg7[%dma_start3A_168] : memref<16384xf32, #tpu.memory_space<vmem>> -> memref<4096xf32, #tpu.memory_space<vmem>>
    tpu.enqueue_dma source(%dma_start3A_169 : memref<4096xf32, #tpu.memory_space<vmem>>) target(%dma_start3A_167 : memref<4096xf32, #tpu.memory_space<hbm>>) target_semaphore(%arg8 : memref<!tpu.dma_semaphore, #tpu.memory_space<semaphore_mem>>)
    %dma_start3A_170 = arith.constant 8192 : i32
    %dma_start3A_171 = tpu.memref_slice %arg7[%dma_start3A_170] : memref<16384xf32, #tpu.memory_space<vmem>> -> memref<4096xf32, #tpu.memory_space<vmem>>
    %dma_start3A_172 = arith.constant 4096 : i32
    %dma_start3A_173 = tpu.memref_slice %arg4[%add3A_147, %dma_start3A_172] : memref<128x8192xf32, #tpu.memory_space<hbm>> -> memref<1x4096xf32, #tpu.memory_space<hbm>>
    %dma_start3A_174 = tpu.memref_squeeze %dma_start3A_173 : memref<1x4096xf32, #tpu.memory_space<hbm>> -> memref<4096xf32, #tpu.memory_space<hbm>>
    %dma_start3A_175 = arith.constant 4096 : i32
    %dma_start3A_176 = tpu.memref_slice %arg4[%add3A_147, %dma_start3A_175] : memref<128x8192xf32, #tpu.memory_space<hbm>> -> memref<1x4096xf32, #tpu.memory_space<hbm>>
    %dma_start3A_177 = tpu.memref_squeeze %dma_start3A_176 : memref<1x4096xf32, #tpu.memory_space<hbm>> -> memref<4096xf32, #tpu.memory_space<hbm>>
    %dma_start3A_178 = arith.constant 8192 : i32
    %dma_start3A_179 = tpu.memref_slice %arg7[%dma_start3A_178] : memref<16384xf32, #tpu.memory_space<vmem>> -> memref<4096xf32, #tpu.memory_space<vmem>>
    tpu.enqueue_dma source(%dma_start3A_179 : memref<4096xf32, #tpu.memory_space<vmem>>) target(%dma_start3A_177 : memref<4096xf32, #tpu.memory_space<hbm>>) target_semaphore(%arg8 : memref<!tpu.dma_semaphore, #tpu.memory_space<semaphore_mem>>)
    %dma_start3A_180 = arith.constant 12288 : i32
    %dma_start3A_181 = tpu.memref_slice %arg7[%dma_start3A_180] : memref<16384xf32, #tpu.memory_space<vmem>> -> memref<4096xf32, #tpu.memory_space<vmem>>
    %dma_start3A_182 = arith.constant 4096 : i32
    %dma_start3A_183 = tpu.memref_slice %arg4[%add3A_149, %dma_start3A_182] : memref<128x8192xf32, #tpu.memory_space<hbm>> -> memref<1x4096xf32, #tpu.memory_space<hbm>>
    %dma_start3A_184 = tpu.memref_squeeze %dma_start3A_183 : memref<1x4096xf32, #tpu.memory_space<hbm>> -> memref<4096xf32, #tpu.memory_space<hbm>>
    %dma_start3A_185 = arith.constant 4096 : i32
    %dma_start3A_186 = tpu.memref_slice %arg4[%add3A_149, %dma_start3A_185] : memref<128x8192xf32, #tpu.memory_space<hbm>> -> memref<1x4096xf32, #tpu.memory_space<hbm>>
    %dma_start3A_187 = tpu.memref_squeeze %dma_start3A_186 : memref<1x4096xf32, #tpu.memory_space<hbm>> -> memref<4096xf32, #tpu.memory_space<hbm>>
    %dma_start3A_188 = arith.constant 12288 : i32
    %dma_start3A_189 = tpu.memref_slice %arg7[%dma_start3A_188] : memref<16384xf32, #tpu.memory_space<vmem>> -> memref<4096xf32, #tpu.memory_space<vmem>>
    tpu.enqueue_dma source(%dma_start3A_189 : memref<4096xf32, #tpu.memory_space<vmem>>) target(%dma_start3A_187 : memref<4096xf32, #tpu.memory_space<hbm>>) target_semaphore(%arg8 : memref<!tpu.dma_semaphore, #tpu.memory_space<semaphore_mem>>)
    %dma_wait3A_190 = arith.constant 0 : i32
    %dma_wait3A_191 = tpu.memref_slice %arg7[%dma_wait3A_190] : memref<16384xf32, #tpu.memory_space<vmem>> -> memref<4096xf32, #tpu.memory_space<vmem>>
    %dma_wait3A_192 = arith.constant 4096 : i32
    %dma_wait3A_193 = tpu.memref_slice %arg4[%add3A_143, %dma_wait3A_192] : memref<128x8192xf32, #tpu.memory_space<hbm>> -> memref<1x4096xf32, #tpu.memory_space<hbm>>
    %dma_wait3A_194 = tpu.memref_squeeze %dma_wait3A_193 : memref<1x4096xf32, #tpu.memory_space<hbm>> -> memref<4096xf32, #tpu.memory_space<hbm>>
    %dma_wait3A_195 = arith.constant 4096 : i32
    %dma_wait3A_196 = tpu.memref_slice %arg4[%add3A_143, %dma_wait3A_195] : memref<128x8192xf32, #tpu.memory_space<hbm>> -> memref<1x4096xf32, #tpu.memory_space<hbm>>
    %dma_wait3A_197 = tpu.memref_squeeze %dma_wait3A_196 : memref<1x4096xf32, #tpu.memory_space<hbm>> -> memref<4096xf32, #tpu.memory_space<hbm>>
    %dma_wait3A_198 = arith.constant 0 : i32
    %dma_wait3A_199 = tpu.memref_slice %arg7[%dma_wait3A_198] : memref<16384xf32, #tpu.memory_space<vmem>> -> memref<4096xf32, #tpu.memory_space<vmem>>
    tpu.wait_dma2 semaphore(%arg8 : memref<!tpu.dma_semaphore, #tpu.memory_space<semaphore_mem>>) src(%dma_wait3A_199 : memref<4096xf32, #tpu.memory_space<vmem>>) dst(%dma_wait3A_197 : memref<4096xf32, #tpu.memory_space<hbm>>)
    %dma_wait3A_200 = arith.constant 4096 : i32
    %dma_wait3A_201 = tpu.memref_slice %arg7[%dma_wait3A_200] : memref<16384xf32, #tpu.memory_space<vmem>> -> memref<4096xf32, #tpu.memory_space<vmem>>
    %dma_wait3A_202 = arith.constant 4096 : i32
    %dma_wait3A_203 = tpu.memref_slice %arg4[%add3A_145, %dma_wait3A_202] : memref<128x8192xf32, #tpu.memory_space<hbm>> -> memref<1x4096xf32, #tpu.memory_space<hbm>>
    %dma_wait3A_204 = tpu.memref_squeeze %dma_wait3A_203 : memref<1x4096xf32, #tpu.memory_space<hbm>> -> memref<4096xf32, #tpu.memory_space<hbm>>
    %dma_wait3A_205 = arith.constant 4096 : i32
    %dma_wait3A_206 = tpu.memref_slice %arg4[%add3A_145, %dma_wait3A_205] : memref<128x8192xf32, #tpu.memory_space<hbm>> -> memref<1x4096xf32, #tpu.memory_space<hbm>>
    %dma_wait3A_207 = tpu.memref_squeeze %dma_wait3A_206 : memref<1x4096xf32, #tpu.memory_space<hbm>> -> memref<4096xf32, #tpu.memory_space<hbm>>
    %dma_wait3A_208 = arith.constant 4096 : i32
    %dma_wait3A_209 = tpu.memref_slice %arg7[%dma_wait3A_208] : memref<16384xf32, #tpu.memory_space<vmem>> -> memref<4096xf32, #tpu.memory_space<vmem>>
    tpu.wait_dma2 semaphore(%arg8 : memref<!tpu.dma_semaphore, #tpu.memory_space<semaphore_mem>>) src(%dma_wait3A_209 : memref<4096xf32, #tpu.memory_space<vmem>>) dst(%dma_wait3A_207 : memref<4096xf32, #tpu.memory_space<hbm>>)
    %dma_wait3A_210 = arith.constant 8192 : i32
    %dma_wait3A_211 = tpu.memref_slice %arg7[%dma_wait3A_210] : memref<16384xf32, #tpu.memory_space<vmem>> -> memref<4096xf32, #tpu.memory_space<vmem>>
    %dma_wait3A_212 = arith.constant 4096 : i32
    %dma_wait3A_213 = tpu.memref_slice %arg4[%add3A_147, %dma_wait3A_212] : memref<128x8192xf32, #tpu.memory_space<hbm>> -> memref<1x4096xf32, #tpu.memory_space<hbm>>
    %dma_wait3A_214 = tpu.memref_squeeze %dma_wait3A_213 : memref<1x4096xf32, #tpu.memory_space<hbm>> -> memref<4096xf32, #tpu.memory_space<hbm>>
    %dma_wait3A_215 = arith.constant 4096 : i32
    %dma_wait3A_216 = tpu.memref_slice %arg4[%add3A_147, %dma_wait3A_215] : memref<128x8192xf32, #tpu.memory_space<hbm>> -> memref<1x4096xf32, #tpu.memory_space<hbm>>
    %dma_wait3A_217 = tpu.memref_squeeze %dma_wait3A_216 : memref<1x4096xf32, #tpu.memory_space<hbm>> -> memref<4096xf32, #tpu.memory_space<hbm>>
    %dma_wait3A_218 = arith.constant 8192 : i32
    %dma_wait3A_219 = tpu.memref_slice %arg7[%dma_wait3A_218] : memref<16384xf32, #tpu.memory_space<vmem>> -> memref<4096xf32, #tpu.memory_space<vmem>>
    tpu.wait_dma2 semaphore(%arg8 : memref<!tpu.dma_semaphore, #tpu.memory_space<semaphore_mem>>) src(%dma_wait3A_219 : memref<4096xf32, #tpu.memory_space<vmem>>) dst(%dma_wait3A_217 : memref<4096xf32, #tpu.memory_space<hbm>>)
    %dma_wait3A_220 = arith.constant 12288 : i32
    %dma_wait3A_221 = tpu.memref_slice %arg7[%dma_wait3A_220] : memref<16384xf32, #tpu.memory_space<vmem>> -> memref<4096xf32, #tpu.memory_space<vmem>>
    %dma_wait3A_222 = arith.constant 4096 : i32
    %dma_wait3A_223 = tpu.memref_slice %arg4[%add3A_149, %dma_wait3A_222] : memref<128x8192xf32, #tpu.memory_space<hbm>> -> memref<1x4096xf32, #tpu.memory_space<hbm>>
    %dma_wait3A_224 = tpu.memref_squeeze %dma_wait3A_223 : memref<1x4096xf32, #tpu.memory_space<hbm>> -> memref<4096xf32, #tpu.memory_space<hbm>>
    %dma_wait3A_225 = arith.constant 4096 : i32
    %dma_wait3A_226 = tpu.memref_slice %arg4[%add3A_149, %dma_wait3A_225] : memref<128x8192xf32, #tpu.memory_space<hbm>> -> memref<1x4096xf32, #tpu.memory_space<hbm>>
    %dma_wait3A_227 = tpu.memref_squeeze %dma_wait3A_226 : memref<1x4096xf32, #tpu.memory_space<hbm>> -> memref<4096xf32, #tpu.memory_space<hbm>>
    %dma_wait3A_228 = arith.constant 12288 : i32
    %dma_wait3A_229 = tpu.memref_slice %arg7[%dma_wait3A_228] : memref<16384xf32, #tpu.memory_space<vmem>> -> memref<4096xf32, #tpu.memory_space<vmem>>
    tpu.wait_dma2 semaphore(%arg8 : memref<!tpu.dma_semaphore, #tpu.memory_space<semaphore_mem>>) src(%dma_wait3A_229 : memref<4096xf32, #tpu.memory_space<vmem>>) dst(%dma_wait3A_227 : memref<4096xf32, #tpu.memory_space<hbm>>)
    %dma_wait3A_230 = arith.constant 0 : i32
    %dma_wait3A_231 = tpu.memref_slice %arg6[%dma_wait3A_230] : memref<16384xf32, #tpu.memory_space<vmem>> -> memref<4096xf32, #tpu.memory_space<vmem>>
    %dma_wait3A_232 = arith.constant 0 : i32
    %dma_wait3A_233 = tpu.memref_slice %arg4[%add3A_90, %dma_wait3A_232] : memref<128x8192xf32, #tpu.memory_space<hbm>> -> memref<1x4096xf32, #tpu.memory_space<hbm>>
    %dma_wait3A_234 = tpu.memref_squeeze %dma_wait3A_233 : memref<1x4096xf32, #tpu.memory_space<hbm>> -> memref<4096xf32, #tpu.memory_space<hbm>>
    %dma_wait3A_235 = arith.constant 0 : i32
    %dma_wait3A_236 = tpu.memref_slice %arg4[%add3A_90, %dma_wait3A_235] : memref<128x8192xf32, #tpu.memory_space<hbm>> -> memref<1x4096xf32, #tpu.memory_space<hbm>>
    %dma_wait3A_237 = tpu.memref_squeeze %dma_wait3A_236 : memref<1x4096xf32, #tpu.memory_space<hbm>> -> memref<4096xf32, #tpu.memory_space<hbm>>
    %dma_wait3A_238 = arith.constant 0 : i32
    %dma_wait3A_239 = tpu.memref_slice %arg6[%dma_wait3A_238] : memref<16384xf32, #tpu.memory_space<vmem>> -> memref<4096xf32, #tpu.memory_space<vmem>>
    tpu.wait_dma2 semaphore(%arg9 : memref<!tpu.dma_semaphore, #tpu.memory_space<semaphore_mem>>) src(%dma_wait3A_239 : memref<4096xf32, #tpu.memory_space<vmem>>) dst(%dma_wait3A_237 : memref<4096xf32, #tpu.memory_space<hbm>>)
    %dma_wait3A_240 = arith.constant 4096 : i32
    %dma_wait3A_241 = tpu.memref_slice %arg6[%dma_wait3A_240] : memref<16384xf32, #tpu.memory_space<vmem>> -> memref<4096xf32, #tpu.memory_space<vmem>>
    %dma_wait3A_242 = arith.constant 0 : i32
    %dma_wait3A_243 = tpu.memref_slice %arg4[%add3A_92, %dma_wait3A_242] : memref<128x8192xf32, #tpu.memory_space<hbm>> -> memref<1x4096xf32, #tpu.memory_space<hbm>>
    %dma_wait3A_244 = tpu.memref_squeeze %dma_wait3A_243 : memref<1x4096xf32, #tpu.memory_space<hbm>> -> memref<4096xf32, #tpu.memory_space<hbm>>
    %dma_wait3A_245 = arith.constant 0 : i32
    %dma_wait3A_246 = tpu.memref_slice %arg4[%add3A_92, %dma_wait3A_245] : memref<128x8192xf32, #tpu.memory_space<hbm>> -> memref<1x4096xf32, #tpu.memory_space<hbm>>
    %dma_wait3A_247 = tpu.memref_squeeze %dma_wait3A_246 : memref<1x4096xf32, #tpu.memory_space<hbm>> -> memref<4096xf32, #tpu.memory_space<hbm>>
    %dma_wait3A_248 = arith.constant 4096 : i32
    %dma_wait3A_249 = tpu.memref_slice %arg6[%dma_wait3A_248] : memref<16384xf32, #tpu.memory_space<vmem>> -> memref<4096xf32, #tpu.memory_space<vmem>>
    tpu.wait_dma2 semaphore(%arg9 : memref<!tpu.dma_semaphore, #tpu.memory_space<semaphore_mem>>) src(%dma_wait3A_249 : memref<4096xf32, #tpu.memory_space<vmem>>) dst(%dma_wait3A_247 : memref<4096xf32, #tpu.memory_space<hbm>>)
    %dma_wait3A_250 = arith.constant 8192 : i32
    %dma_wait3A_251 = tpu.memref_slice %arg6[%dma_wait3A_250] : memref<16384xf32, #tpu.memory_space<vmem>> -> memref<4096xf32, #tpu.memory_space<vmem>>
    %dma_wait3A_252 = arith.constant 0 : i32
    %dma_wait3A_253 = tpu.memref_slice %arg4[%add3A_94, %dma_wait3A_252] : memref<128x8192xf32, #tpu.memory_space<hbm>> -> memref<1x4096xf32, #tpu.memory_space<hbm>>
    %dma_wait3A_254 = tpu.memref_squeeze %dma_wait3A_253 : memref<1x4096xf32, #tpu.memory_space<hbm>> -> memref<4096xf32, #tpu.memory_space<hbm>>
    %dma_wait3A_255 = arith.constant 0 : i32
    %dma_wait3A_256 = tpu.memref_slice %arg4[%add3A_94, %dma_wait3A_255] : memref<128x8192xf32, #tpu.memory_space<hbm>> -> memref<1x4096xf32, #tpu.memory_space<hbm>>
    %dma_wait3A_257 = tpu.memref_squeeze %dma_wait3A_256 : memref<1x4096xf32, #tpu.memory_space<hbm>> -> memref<4096xf32, #tpu.memory_space<hbm>>
    %dma_wait3A_258 = arith.constant 8192 : i32
    %dma_wait3A_259 = tpu.memref_slice %arg6[%dma_wait3A_258] : memref<16384xf32, #tpu.memory_space<vmem>> -> memref<4096xf32, #tpu.memory_space<vmem>>
    tpu.wait_dma2 semaphore(%arg9 : memref<!tpu.dma_semaphore, #tpu.memory_space<semaphore_mem>>) src(%dma_wait3A_259 : memref<4096xf32, #tpu.memory_space<vmem>>) dst(%dma_wait3A_257 : memref<4096xf32, #tpu.memory_space<hbm>>)
    %dma_wait3A_260 = arith.constant 12288 : i32
    %dma_wait3A_261 = tpu.memref_slice %arg6[%dma_wait3A_260] : memref<16384xf32, #tpu.memory_space<vmem>> -> memref<4096xf32, #tpu.memory_space<vmem>>
    %dma_wait3A_262 = arith.constant 0 : i32
    %dma_wait3A_263 = tpu.memref_slice %arg4[%add3A_96, %dma_wait3A_262] : memref<128x8192xf32, #tpu.memory_space<hbm>> -> memref<1x4096xf32, #tpu.memory_space<hbm>>
    %dma_wait3A_264 = tpu.memref_squeeze %dma_wait3A_263 : memref<1x4096xf32, #tpu.memory_space<hbm>> -> memref<4096xf32, #tpu.memory_space<hbm>>
    %dma_wait3A_265 = arith.constant 0 : i32
    %dma_wait3A_266 = tpu.memref_slice %arg4[%add3A_96, %dma_wait3A_265] : memref<128x8192xf32, #tpu.memory_space<hbm>> -> memref<1x4096xf32, #tpu.memory_space<hbm>>
    %dma_wait3A_267 = tpu.memref_squeeze %dma_wait3A_266 : memref<1x4096xf32, #tpu.memory_space<hbm>> -> memref<4096xf32, #tpu.memory_space<hbm>>
    %dma_wait3A_268 = arith.constant 12288 : i32
    %dma_wait3A_269 = tpu.memref_slice %arg6[%dma_wait3A_268] : memref<16384xf32, #tpu.memory_space<vmem>> -> memref<4096xf32, #tpu.memory_space<vmem>>
    tpu.wait_dma2 semaphore(%arg9 : memref<!tpu.dma_semaphore, #tpu.memory_space<semaphore_mem>>) src(%dma_wait3A_269 : memref<4096xf32, #tpu.memory_space<vmem>>) dst(%dma_wait3A_267 : memref<4096xf32, #tpu.memory_space<hbm>>)
    return
  }
}

module attributes {stable_mosaic.version = 14 : i64} {
  func.func @_argmin_body(%arg0: memref<4x8x128xf32, #tpu.memory_space<vmem>>, %arg1: memref<4x8x128xf32, #tpu.memory_space<vmem>>, %arg2: memref<2x4096xf32, #tpu.memory_space<smem>>, %arg3: memref<4x8x128xi32, #tpu.memory_space<vmem>>) attributes {dimension_semantics = [], scalar_prefetch = 0 : i64, scratch_operands = 0 : i64, tpu.core_type = #tpu.core_type<tc>} {
    %get3A = arith.constant 0 : index
    %get3A_0 = arith.constant 0 : index
    %get3A_1 = arith.constant 0 : index
    %get3A_2 = vector.load %arg0[%get3A, %get3A_0, %get3A_1] : memref<4x8x128xf32, #tpu.memory_space<vmem>>, vector<1x8x128xf32>
    %get3A_3 = vector.shape_cast %get3A_2 : vector<1x8x128xf32> to vector<8x128xf32>
    %get3A_4 = arith.constant 1 : index
    %get3A_5 = arith.constant 0 : index
    %get3A_6 = arith.constant 0 : index
    %get3A_7 = vector.load %arg0[%get3A_4, %get3A_5, %get3A_6] : memref<4x8x128xf32, #tpu.memory_space<vmem>>, vector<1x8x128xf32>
    %get3A_8 = vector.shape_cast %get3A_7 : vector<1x8x128xf32> to vector<8x128xf32>
    %get3A_9 = arith.constant 2 : index
    %get3A_10 = arith.constant 0 : index
    %get3A_11 = arith.constant 0 : index
    %get3A_12 = vector.load %arg0[%get3A_9, %get3A_10, %get3A_11] : memref<4x8x128xf32, #tpu.memory_space<vmem>>, vector<1x8x128xf32>
    %get3A_13 = vector.shape_cast %get3A_12 : vector<1x8x128xf32> to vector<8x128xf32>
    %get3A_14 = arith.constant 3 : index
    %get3A_15 = arith.constant 0 : index
    %get3A_16 = arith.constant 0 : index
    %get3A_17 = vector.load %arg0[%get3A_14, %get3A_15, %get3A_16] : memref<4x8x128xf32, #tpu.memory_space<vmem>>, vector<1x8x128xf32>
    %get3A_18 = vector.shape_cast %get3A_17 : vector<1x8x128xf32> to vector<8x128xf32>
    %get3A_19 = arith.constant 0 : index
    %get3A_20 = arith.constant 0 : index
    %get3A_21 = arith.constant 0 : index
    %get3A_22 = vector.load %arg1[%get3A_19, %get3A_20, %get3A_21] : memref<4x8x128xf32, #tpu.memory_space<vmem>>, vector<1x8x128xf32>
    %get3A_23 = vector.shape_cast %get3A_22 : vector<1x8x128xf32> to vector<8x128xf32>
    %get3A_24 = arith.constant 1 : index
    %get3A_25 = arith.constant 0 : index
    %get3A_26 = arith.constant 0 : index
    %get3A_27 = vector.load %arg1[%get3A_24, %get3A_25, %get3A_26] : memref<4x8x128xf32, #tpu.memory_space<vmem>>, vector<1x8x128xf32>
    %get3A_28 = vector.shape_cast %get3A_27 : vector<1x8x128xf32> to vector<8x128xf32>
    %get3A_29 = arith.constant 2 : index
    %get3A_30 = arith.constant 0 : index
    %get3A_31 = arith.constant 0 : index
    %get3A_32 = vector.load %arg1[%get3A_29, %get3A_30, %get3A_31] : memref<4x8x128xf32, #tpu.memory_space<vmem>>, vector<1x8x128xf32>
    %get3A_33 = vector.shape_cast %get3A_32 : vector<1x8x128xf32> to vector<8x128xf32>
    %get3A_34 = arith.constant 3 : index
    %get3A_35 = arith.constant 0 : index
    %get3A_36 = arith.constant 0 : index
    %get3A_37 = vector.load %arg1[%get3A_34, %get3A_35, %get3A_36] : memref<4x8x128xf32, #tpu.memory_space<vmem>>, vector<1x8x128xf32>
    %get3A_38 = vector.shape_cast %get3A_37 : vector<1x8x128xf32> to vector<8x128xf32>
    %broadcast_in_dim3A = arith.constant 0x7F800000 : f32
    %broadcast_in_dim3A_39 = vector.broadcast %broadcast_in_dim3A : f32 to vector<8x128xf32>
    %broadcast_in_dim3A_40 = arith.constant 0 : i32
    %broadcast_in_dim3A_41 = vector.broadcast %broadcast_in_dim3A_40 : i32 to vector<8x128xi32>
    %scan3A = arith.constant 0 : i32
    %scan3A_42 = arith.constant 128 : i32
    %scan3A_43 = arith.addi %scan3A, %scan3A_42 : i32
    %scan3A_44 = arith.constant 1 : i32
    %scan3A_45:16 = scf.for %scan3A_89 = %scan3A to %scan3A_43 step %scan3A_44 iter_args(%scan3A_90 = %broadcast_in_dim3A_39, %scan3A_91 = %broadcast_in_dim3A_39, %scan3A_92 = %broadcast_in_dim3A_39, %scan3A_93 = %broadcast_in_dim3A_39, %scan3A_94 = %broadcast_in_dim3A_39, %scan3A_95 = %broadcast_in_dim3A_39, %scan3A_96 = %broadcast_in_dim3A_39, %scan3A_97 = %broadcast_in_dim3A_39, %scan3A_98 = %broadcast_in_dim3A_41, %scan3A_99 = %broadcast_in_dim3A_41, %scan3A_100 = %broadcast_in_dim3A_41, %scan3A_101 = %broadcast_in_dim3A_41, %scan3A_102 = %broadcast_in_dim3A_41, %scan3A_103 = %broadcast_in_dim3A_41, %scan3A_104 = %broadcast_in_dim3A_41, %scan3A_105 = %broadcast_in_dim3A_41) -> (vector<8x128xf32>, vector<8x128xf32>, vector<8x128xf32>, vector<8x128xf32>, vector<8x128xf32>, vector<8x128xf32>, vector<8x128xf32>, vector<8x128xf32>, vector<8x128xi32>, vector<8x128xi32>, vector<8x128xi32>, vector<8x128xi32>, vector<8x128xi32>, vector<8x128xi32>, vector<8x128xi32>, vector<8x128xi32>)  : i32 {
      %mul3A = arith.constant 32 : i32
      %mul3A_106 = arith.muli %scan3A_89, %mul3A : i32
      %add3A = arith.constant 0 : i32
      %add3A_107 = arith.addi %mul3A_106, %add3A : i32
      %get3A_108 = arith.constant 0 : index
      %get3A_109 = arith.index_cast %add3A_107 : i32 to index
      %get3A_110 = memref.load %arg2[%get3A_108, %get3A_109] : memref<2x4096xf32, #tpu.memory_space<smem>>
      %broadcast_in_dim3A_111 = vector.broadcast %get3A_110 : f32 to vector<8x128xf32>
      %get3A_112 = arith.constant 1 : index
      %get3A_113 = arith.index_cast %add3A_107 : i32 to index
      %get3A_114 = memref.load %arg2[%get3A_112, %get3A_113] : memref<2x4096xf32, #tpu.memory_space<smem>>
      %broadcast_in_dim3A_115 = vector.broadcast %get3A_114 : f32 to vector<8x128xf32>
      %sub3A = arith.subf %get3A_3, %broadcast_in_dim3A_111 : vector<8x128xf32>
      %sub3A_116 = arith.subf %get3A_23, %broadcast_in_dim3A_115 : vector<8x128xf32>
      %mul3A_117 = arith.mulf %sub3A, %sub3A : vector<8x128xf32>
      %mul3A_118 = arith.mulf %sub3A_116, %sub3A_116 : vector<8x128xf32>
      %add3A_119 = arith.addf %mul3A_117, %mul3A_118 : vector<8x128xf32>
      %lt3A_120 = arith.cmpf olt, %add3A_119, %scan3A_90 : vector<8x128xf32>
      %select_n3A_121 = arith.select %lt3A_120, %add3A_119, %scan3A_90 : vector<8x128xi1>, vector<8x128xf32>
      %broadcast_in_dim3A_122 = vector.broadcast %add3A_107 : i32 to vector<8x128xi32>
      %select_n3A_123 = arith.select %lt3A_120, %broadcast_in_dim3A_122, %scan3A_98 : vector<8x128xi1>, vector<8x128xi32>
      %sub3A_124 = arith.subf %get3A_8, %broadcast_in_dim3A_111 : vector<8x128xf32>
      %sub3A_125 = arith.subf %get3A_28, %broadcast_in_dim3A_115 : vector<8x128xf32>
      %mul3A_126 = arith.mulf %sub3A_124, %sub3A_124 : vector<8x128xf32>
      %mul3A_127 = arith.mulf %sub3A_125, %sub3A_125 : vector<8x128xf32>
      %add3A_128 = arith.addf %mul3A_126, %mul3A_127 : vector<8x128xf32>
      %lt3A_129 = arith.cmpf olt, %add3A_128, %scan3A_91 : vector<8x128xf32>
      %select_n3A_130 = arith.select %lt3A_129, %add3A_128, %scan3A_91 : vector<8x128xi1>, vector<8x128xf32>
      %broadcast_in_dim3A_131 = vector.broadcast %add3A_107 : i32 to vector<8x128xi32>
      %select_n3A_132 = arith.select %lt3A_129, %broadcast_in_dim3A_131, %scan3A_99 : vector<8x128xi1>, vector<8x128xi32>
      %sub3A_133 = arith.subf %get3A_13, %broadcast_in_dim3A_111 : vector<8x128xf32>
      %sub3A_134 = arith.subf %get3A_33, %broadcast_in_dim3A_115 : vector<8x128xf32>
      %mul3A_135 = arith.mulf %sub3A_133, %sub3A_133 : vector<8x128xf32>
      %mul3A_136 = arith.mulf %sub3A_134, %sub3A_134 : vector<8x128xf32>
      %add3A_137 = arith.addf %mul3A_135, %mul3A_136 : vector<8x128xf32>
      %lt3A_138 = arith.cmpf olt, %add3A_137, %scan3A_92 : vector<8x128xf32>
      %select_n3A_139 = arith.select %lt3A_138, %add3A_137, %scan3A_92 : vector<8x128xi1>, vector<8x128xf32>
      %broadcast_in_dim3A_140 = vector.broadcast %add3A_107 : i32 to vector<8x128xi32>
      %select_n3A_141 = arith.select %lt3A_138, %broadcast_in_dim3A_140, %scan3A_100 : vector<8x128xi1>, vector<8x128xi32>
      %sub3A_142 = arith.subf %get3A_18, %broadcast_in_dim3A_111 : vector<8x128xf32>
      %sub3A_143 = arith.subf %get3A_38, %broadcast_in_dim3A_115 : vector<8x128xf32>
      %mul3A_144 = arith.mulf %sub3A_142, %sub3A_142 : vector<8x128xf32>
      %mul3A_145 = arith.mulf %sub3A_143, %sub3A_143 : vector<8x128xf32>
      %add3A_146 = arith.addf %mul3A_144, %mul3A_145 : vector<8x128xf32>
      %lt3A_147 = arith.cmpf olt, %add3A_146, %scan3A_93 : vector<8x128xf32>
      %select_n3A_148 = arith.select %lt3A_147, %add3A_146, %scan3A_93 : vector<8x128xi1>, vector<8x128xf32>
      %broadcast_in_dim3A_149 = vector.broadcast %add3A_107 : i32 to vector<8x128xi32>
      %select_n3A_150 = arith.select %lt3A_147, %broadcast_in_dim3A_149, %scan3A_101 : vector<8x128xi1>, vector<8x128xi32>
      %add3A_151 = arith.constant 1 : i32
      %add3A_152 = arith.addi %mul3A_106, %add3A_151 : i32
      %get3A_153 = arith.constant 0 : index
      %get3A_154 = arith.index_cast %add3A_152 : i32 to index
      %get3A_155 = memref.load %arg2[%get3A_153, %get3A_154] : memref<2x4096xf32, #tpu.memory_space<smem>>
      %broadcast_in_dim3A_156 = vector.broadcast %get3A_155 : f32 to vector<8x128xf32>
      %get3A_157 = arith.constant 1 : index
      %get3A_158 = arith.index_cast %add3A_152 : i32 to index
      %get3A_159 = memref.load %arg2[%get3A_157, %get3A_158] : memref<2x4096xf32, #tpu.memory_space<smem>>
      %broadcast_in_dim3A_160 = vector.broadcast %get3A_159 : f32 to vector<8x128xf32>
      %sub3A_161 = arith.subf %get3A_3, %broadcast_in_dim3A_156 : vector<8x128xf32>
      %sub3A_162 = arith.subf %get3A_23, %broadcast_in_dim3A_160 : vector<8x128xf32>
      %mul3A_163 = arith.mulf %sub3A_161, %sub3A_161 : vector<8x128xf32>
      %mul3A_164 = arith.mulf %sub3A_162, %sub3A_162 : vector<8x128xf32>
      %add3A_165 = arith.addf %mul3A_163, %mul3A_164 : vector<8x128xf32>
      %lt3A_166 = arith.cmpf olt, %add3A_165, %scan3A_94 : vector<8x128xf32>
      %select_n3A_167 = arith.select %lt3A_166, %add3A_165, %scan3A_94 : vector<8x128xi1>, vector<8x128xf32>
      %broadcast_in_dim3A_168 = vector.broadcast %add3A_152 : i32 to vector<8x128xi32>
      %select_n3A_169 = arith.select %lt3A_166, %broadcast_in_dim3A_168, %scan3A_102 : vector<8x128xi1>, vector<8x128xi32>
      %sub3A_170 = arith.subf %get3A_8, %broadcast_in_dim3A_156 : vector<8x128xf32>
      %sub3A_171 = arith.subf %get3A_28, %broadcast_in_dim3A_160 : vector<8x128xf32>
      %mul3A_172 = arith.mulf %sub3A_170, %sub3A_170 : vector<8x128xf32>
      %mul3A_173 = arith.mulf %sub3A_171, %sub3A_171 : vector<8x128xf32>
      %add3A_174 = arith.addf %mul3A_172, %mul3A_173 : vector<8x128xf32>
      %lt3A_175 = arith.cmpf olt, %add3A_174, %scan3A_95 : vector<8x128xf32>
      %select_n3A_176 = arith.select %lt3A_175, %add3A_174, %scan3A_95 : vector<8x128xi1>, vector<8x128xf32>
      %broadcast_in_dim3A_177 = vector.broadcast %add3A_152 : i32 to vector<8x128xi32>
      %select_n3A_178 = arith.select %lt3A_175, %broadcast_in_dim3A_177, %scan3A_103 : vector<8x128xi1>, vector<8x128xi32>
      %sub3A_179 = arith.subf %get3A_13, %broadcast_in_dim3A_156 : vector<8x128xf32>
      %sub3A_180 = arith.subf %get3A_33, %broadcast_in_dim3A_160 : vector<8x128xf32>
      %mul3A_181 = arith.mulf %sub3A_179, %sub3A_179 : vector<8x128xf32>
      %mul3A_182 = arith.mulf %sub3A_180, %sub3A_180 : vector<8x128xf32>
      %add3A_183 = arith.addf %mul3A_181, %mul3A_182 : vector<8x128xf32>
      %lt3A_184 = arith.cmpf olt, %add3A_183, %scan3A_96 : vector<8x128xf32>
      %select_n3A_185 = arith.select %lt3A_184, %add3A_183, %scan3A_96 : vector<8x128xi1>, vector<8x128xf32>
      %broadcast_in_dim3A_186 = vector.broadcast %add3A_152 : i32 to vector<8x128xi32>
      %select_n3A_187 = arith.select %lt3A_184, %broadcast_in_dim3A_186, %scan3A_104 : vector<8x128xi1>, vector<8x128xi32>
      %sub3A_188 = arith.subf %get3A_18, %broadcast_in_dim3A_156 : vector<8x128xf32>
      %sub3A_189 = arith.subf %get3A_38, %broadcast_in_dim3A_160 : vector<8x128xf32>
      %mul3A_190 = arith.mulf %sub3A_188, %sub3A_188 : vector<8x128xf32>
      %mul3A_191 = arith.mulf %sub3A_189, %sub3A_189 : vector<8x128xf32>
      %add3A_192 = arith.addf %mul3A_190, %mul3A_191 : vector<8x128xf32>
      %lt3A_193 = arith.cmpf olt, %add3A_192, %scan3A_97 : vector<8x128xf32>
      %select_n3A_194 = arith.select %lt3A_193, %add3A_192, %scan3A_97 : vector<8x128xi1>, vector<8x128xf32>
      %broadcast_in_dim3A_195 = vector.broadcast %add3A_152 : i32 to vector<8x128xi32>
      %select_n3A_196 = arith.select %lt3A_193, %broadcast_in_dim3A_195, %scan3A_105 : vector<8x128xi1>, vector<8x128xi32>
      %add3A_197 = arith.constant 2 : i32
      %add3A_198 = arith.addi %mul3A_106, %add3A_197 : i32
      %get3A_199 = arith.constant 0 : index
      %get3A_200 = arith.index_cast %add3A_198 : i32 to index
      %get3A_201 = memref.load %arg2[%get3A_199, %get3A_200] : memref<2x4096xf32, #tpu.memory_space<smem>>
      %broadcast_in_dim3A_202 = vector.broadcast %get3A_201 : f32 to vector<8x128xf32>
      %get3A_203 = arith.constant 1 : index
      %get3A_204 = arith.index_cast %add3A_198 : i32 to index
      %get3A_205 = memref.load %arg2[%get3A_203, %get3A_204] : memref<2x4096xf32, #tpu.memory_space<smem>>
      %broadcast_in_dim3A_206 = vector.broadcast %get3A_205 : f32 to vector<8x128xf32>
      %sub3A_207 = arith.subf %get3A_3, %broadcast_in_dim3A_202 : vector<8x128xf32>
      %sub3A_208 = arith.subf %get3A_23, %broadcast_in_dim3A_206 : vector<8x128xf32>
      %mul3A_209 = arith.mulf %sub3A_207, %sub3A_207 : vector<8x128xf32>
      %mul3A_210 = arith.mulf %sub3A_208, %sub3A_208 : vector<8x128xf32>
      %add3A_211 = arith.addf %mul3A_209, %mul3A_210 : vector<8x128xf32>
      %lt3A_212 = arith.cmpf olt, %add3A_211, %select_n3A_121 : vector<8x128xf32>
      %select_n3A_213 = arith.select %lt3A_212, %add3A_211, %select_n3A_121 : vector<8x128xi1>, vector<8x128xf32>
      %broadcast_in_dim3A_214 = vector.broadcast %add3A_198 : i32 to vector<8x128xi32>
      %select_n3A_215 = arith.select %lt3A_212, %broadcast_in_dim3A_214, %select_n3A_123 : vector<8x128xi1>, vector<8x128xi32>
      %sub3A_216 = arith.subf %get3A_8, %broadcast_in_dim3A_202 : vector<8x128xf32>
      %sub3A_217 = arith.subf %get3A_28, %broadcast_in_dim3A_206 : vector<8x128xf32>
      %mul3A_218 = arith.mulf %sub3A_216, %sub3A_216 : vector<8x128xf32>
      %mul3A_219 = arith.mulf %sub3A_217, %sub3A_217 : vector<8x128xf32>
      %add3A_220 = arith.addf %mul3A_218, %mul3A_219 : vector<8x128xf32>
      %lt3A_221 = arith.cmpf olt, %add3A_220, %select_n3A_130 : vector<8x128xf32>
      %select_n3A_222 = arith.select %lt3A_221, %add3A_220, %select_n3A_130 : vector<8x128xi1>, vector<8x128xf32>
      %broadcast_in_dim3A_223 = vector.broadcast %add3A_198 : i32 to vector<8x128xi32>
      %select_n3A_224 = arith.select %lt3A_221, %broadcast_in_dim3A_223, %select_n3A_132 : vector<8x128xi1>, vector<8x128xi32>
      %sub3A_225 = arith.subf %get3A_13, %broadcast_in_dim3A_202 : vector<8x128xf32>
      %sub3A_226 = arith.subf %get3A_33, %broadcast_in_dim3A_206 : vector<8x128xf32>
      %mul3A_227 = arith.mulf %sub3A_225, %sub3A_225 : vector<8x128xf32>
      %mul3A_228 = arith.mulf %sub3A_226, %sub3A_226 : vector<8x128xf32>
      %add3A_229 = arith.addf %mul3A_227, %mul3A_228 : vector<8x128xf32>
      %lt3A_230 = arith.cmpf olt, %add3A_229, %select_n3A_139 : vector<8x128xf32>
      %select_n3A_231 = arith.select %lt3A_230, %add3A_229, %select_n3A_139 : vector<8x128xi1>, vector<8x128xf32>
      %broadcast_in_dim3A_232 = vector.broadcast %add3A_198 : i32 to vector<8x128xi32>
      %select_n3A_233 = arith.select %lt3A_230, %broadcast_in_dim3A_232, %select_n3A_141 : vector<8x128xi1>, vector<8x128xi32>
      %sub3A_234 = arith.subf %get3A_18, %broadcast_in_dim3A_202 : vector<8x128xf32>
      %sub3A_235 = arith.subf %get3A_38, %broadcast_in_dim3A_206 : vector<8x128xf32>
      %mul3A_236 = arith.mulf %sub3A_234, %sub3A_234 : vector<8x128xf32>
      %mul3A_237 = arith.mulf %sub3A_235, %sub3A_235 : vector<8x128xf32>
      %add3A_238 = arith.addf %mul3A_236, %mul3A_237 : vector<8x128xf32>
      %lt3A_239 = arith.cmpf olt, %add3A_238, %select_n3A_148 : vector<8x128xf32>
      %select_n3A_240 = arith.select %lt3A_239, %add3A_238, %select_n3A_148 : vector<8x128xi1>, vector<8x128xf32>
      %broadcast_in_dim3A_241 = vector.broadcast %add3A_198 : i32 to vector<8x128xi32>
      %select_n3A_242 = arith.select %lt3A_239, %broadcast_in_dim3A_241, %select_n3A_150 : vector<8x128xi1>, vector<8x128xi32>
      %add3A_243 = arith.constant 3 : i32
      %add3A_244 = arith.addi %mul3A_106, %add3A_243 : i32
      %get3A_245 = arith.constant 0 : index
      %get3A_246 = arith.index_cast %add3A_244 : i32 to index
      %get3A_247 = memref.load %arg2[%get3A_245, %get3A_246] : memref<2x4096xf32, #tpu.memory_space<smem>>
      %broadcast_in_dim3A_248 = vector.broadcast %get3A_247 : f32 to vector<8x128xf32>
      %get3A_249 = arith.constant 1 : index
      %get3A_250 = arith.index_cast %add3A_244 : i32 to index
      %get3A_251 = memref.load %arg2[%get3A_249, %get3A_250] : memref<2x4096xf32, #tpu.memory_space<smem>>
      %broadcast_in_dim3A_252 = vector.broadcast %get3A_251 : f32 to vector<8x128xf32>
      %sub3A_253 = arith.subf %get3A_3, %broadcast_in_dim3A_248 : vector<8x128xf32>
      %sub3A_254 = arith.subf %get3A_23, %broadcast_in_dim3A_252 : vector<8x128xf32>
      %mul3A_255 = arith.mulf %sub3A_253, %sub3A_253 : vector<8x128xf32>
      %mul3A_256 = arith.mulf %sub3A_254, %sub3A_254 : vector<8x128xf32>
      %add3A_257 = arith.addf %mul3A_255, %mul3A_256 : vector<8x128xf32>
      %lt3A_258 = arith.cmpf olt, %add3A_257, %select_n3A_167 : vector<8x128xf32>
      %select_n3A_259 = arith.select %lt3A_258, %add3A_257, %select_n3A_167 : vector<8x128xi1>, vector<8x128xf32>
      %broadcast_in_dim3A_260 = vector.broadcast %add3A_244 : i32 to vector<8x128xi32>
      %select_n3A_261 = arith.select %lt3A_258, %broadcast_in_dim3A_260, %select_n3A_169 : vector<8x128xi1>, vector<8x128xi32>
      %sub3A_262 = arith.subf %get3A_8, %broadcast_in_dim3A_248 : vector<8x128xf32>
      %sub3A_263 = arith.subf %get3A_28, %broadcast_in_dim3A_252 : vector<8x128xf32>
      %mul3A_264 = arith.mulf %sub3A_262, %sub3A_262 : vector<8x128xf32>
      %mul3A_265 = arith.mulf %sub3A_263, %sub3A_263 : vector<8x128xf32>
      %add3A_266 = arith.addf %mul3A_264, %mul3A_265 : vector<8x128xf32>
      %lt3A_267 = arith.cmpf olt, %add3A_266, %select_n3A_176 : vector<8x128xf32>
      %select_n3A_268 = arith.select %lt3A_267, %add3A_266, %select_n3A_176 : vector<8x128xi1>, vector<8x128xf32>
      %broadcast_in_dim3A_269 = vector.broadcast %add3A_244 : i32 to vector<8x128xi32>
      %select_n3A_270 = arith.select %lt3A_267, %broadcast_in_dim3A_269, %select_n3A_178 : vector<8x128xi1>, vector<8x128xi32>
      %sub3A_271 = arith.subf %get3A_13, %broadcast_in_dim3A_248 : vector<8x128xf32>
      %sub3A_272 = arith.subf %get3A_33, %broadcast_in_dim3A_252 : vector<8x128xf32>
      %mul3A_273 = arith.mulf %sub3A_271, %sub3A_271 : vector<8x128xf32>
      %mul3A_274 = arith.mulf %sub3A_272, %sub3A_272 : vector<8x128xf32>
      %add3A_275 = arith.addf %mul3A_273, %mul3A_274 : vector<8x128xf32>
      %lt3A_276 = arith.cmpf olt, %add3A_275, %select_n3A_185 : vector<8x128xf32>
      %select_n3A_277 = arith.select %lt3A_276, %add3A_275, %select_n3A_185 : vector<8x128xi1>, vector<8x128xf32>
      %broadcast_in_dim3A_278 = vector.broadcast %add3A_244 : i32 to vector<8x128xi32>
      %select_n3A_279 = arith.select %lt3A_276, %broadcast_in_dim3A_278, %select_n3A_187 : vector<8x128xi1>, vector<8x128xi32>
      %sub3A_280 = arith.subf %get3A_18, %broadcast_in_dim3A_248 : vector<8x128xf32>
      %sub3A_281 = arith.subf %get3A_38, %broadcast_in_dim3A_252 : vector<8x128xf32>
      %mul3A_282 = arith.mulf %sub3A_280, %sub3A_280 : vector<8x128xf32>
      %mul3A_283 = arith.mulf %sub3A_281, %sub3A_281 : vector<8x128xf32>
      %add3A_284 = arith.addf %mul3A_282, %mul3A_283 : vector<8x128xf32>
      %lt3A_285 = arith.cmpf olt, %add3A_284, %select_n3A_194 : vector<8x128xf32>
      %select_n3A_286 = arith.select %lt3A_285, %add3A_284, %select_n3A_194 : vector<8x128xi1>, vector<8x128xf32>
      %broadcast_in_dim3A_287 = vector.broadcast %add3A_244 : i32 to vector<8x128xi32>
      %select_n3A_288 = arith.select %lt3A_285, %broadcast_in_dim3A_287, %select_n3A_196 : vector<8x128xi1>, vector<8x128xi32>
      %add3A_289 = arith.constant 4 : i32
      %add3A_290 = arith.addi %mul3A_106, %add3A_289 : i32
      %get3A_291 = arith.constant 0 : index
      %get3A_292 = arith.index_cast %add3A_290 : i32 to index
      %get3A_293 = memref.load %arg2[%get3A_291, %get3A_292] : memref<2x4096xf32, #tpu.memory_space<smem>>
      %broadcast_in_dim3A_294 = vector.broadcast %get3A_293 : f32 to vector<8x128xf32>
      %get3A_295 = arith.constant 1 : index
      %get3A_296 = arith.index_cast %add3A_290 : i32 to index
      %get3A_297 = memref.load %arg2[%get3A_295, %get3A_296] : memref<2x4096xf32, #tpu.memory_space<smem>>
      %broadcast_in_dim3A_298 = vector.broadcast %get3A_297 : f32 to vector<8x128xf32>
      %sub3A_299 = arith.subf %get3A_3, %broadcast_in_dim3A_294 : vector<8x128xf32>
      %sub3A_300 = arith.subf %get3A_23, %broadcast_in_dim3A_298 : vector<8x128xf32>
      %mul3A_301 = arith.mulf %sub3A_299, %sub3A_299 : vector<8x128xf32>
      %mul3A_302 = arith.mulf %sub3A_300, %sub3A_300 : vector<8x128xf32>
      %add3A_303 = arith.addf %mul3A_301, %mul3A_302 : vector<8x128xf32>
      %lt3A_304 = arith.cmpf olt, %add3A_303, %select_n3A_213 : vector<8x128xf32>
      %select_n3A_305 = arith.select %lt3A_304, %add3A_303, %select_n3A_213 : vector<8x128xi1>, vector<8x128xf32>
      %broadcast_in_dim3A_306 = vector.broadcast %add3A_290 : i32 to vector<8x128xi32>
      %select_n3A_307 = arith.select %lt3A_304, %broadcast_in_dim3A_306, %select_n3A_215 : vector<8x128xi1>, vector<8x128xi32>
      %sub3A_308 = arith.subf %get3A_8, %broadcast_in_dim3A_294 : vector<8x128xf32>
      %sub3A_309 = arith.subf %get3A_28, %broadcast_in_dim3A_298 : vector<8x128xf32>
      %mul3A_310 = arith.mulf %sub3A_308, %sub3A_308 : vector<8x128xf32>
      %mul3A_311 = arith.mulf %sub3A_309, %sub3A_309 : vector<8x128xf32>
      %add3A_312 = arith.addf %mul3A_310, %mul3A_311 : vector<8x128xf32>
      %lt3A_313 = arith.cmpf olt, %add3A_312, %select_n3A_222 : vector<8x128xf32>
      %select_n3A_314 = arith.select %lt3A_313, %add3A_312, %select_n3A_222 : vector<8x128xi1>, vector<8x128xf32>
      %broadcast_in_dim3A_315 = vector.broadcast %add3A_290 : i32 to vector<8x128xi32>
      %select_n3A_316 = arith.select %lt3A_313, %broadcast_in_dim3A_315, %select_n3A_224 : vector<8x128xi1>, vector<8x128xi32>
      %sub3A_317 = arith.subf %get3A_13, %broadcast_in_dim3A_294 : vector<8x128xf32>
      %sub3A_318 = arith.subf %get3A_33, %broadcast_in_dim3A_298 : vector<8x128xf32>
      %mul3A_319 = arith.mulf %sub3A_317, %sub3A_317 : vector<8x128xf32>
      %mul3A_320 = arith.mulf %sub3A_318, %sub3A_318 : vector<8x128xf32>
      %add3A_321 = arith.addf %mul3A_319, %mul3A_320 : vector<8x128xf32>
      %lt3A_322 = arith.cmpf olt, %add3A_321, %select_n3A_231 : vector<8x128xf32>
      %select_n3A_323 = arith.select %lt3A_322, %add3A_321, %select_n3A_231 : vector<8x128xi1>, vector<8x128xf32>
      %broadcast_in_dim3A_324 = vector.broadcast %add3A_290 : i32 to vector<8x128xi32>
      %select_n3A_325 = arith.select %lt3A_322, %broadcast_in_dim3A_324, %select_n3A_233 : vector<8x128xi1>, vector<8x128xi32>
      %sub3A_326 = arith.subf %get3A_18, %broadcast_in_dim3A_294 : vector<8x128xf32>
      %sub3A_327 = arith.subf %get3A_38, %broadcast_in_dim3A_298 : vector<8x128xf32>
      %mul3A_328 = arith.mulf %sub3A_326, %sub3A_326 : vector<8x128xf32>
      %mul3A_329 = arith.mulf %sub3A_327, %sub3A_327 : vector<8x128xf32>
      %add3A_330 = arith.addf %mul3A_328, %mul3A_329 : vector<8x128xf32>
      %lt3A_331 = arith.cmpf olt, %add3A_330, %select_n3A_240 : vector<8x128xf32>
      %select_n3A_332 = arith.select %lt3A_331, %add3A_330, %select_n3A_240 : vector<8x128xi1>, vector<8x128xf32>
      %broadcast_in_dim3A_333 = vector.broadcast %add3A_290 : i32 to vector<8x128xi32>
      %select_n3A_334 = arith.select %lt3A_331, %broadcast_in_dim3A_333, %select_n3A_242 : vector<8x128xi1>, vector<8x128xi32>
      %add3A_335 = arith.constant 5 : i32
      %add3A_336 = arith.addi %mul3A_106, %add3A_335 : i32
      %get3A_337 = arith.constant 0 : index
      %get3A_338 = arith.index_cast %add3A_336 : i32 to index
      %get3A_339 = memref.load %arg2[%get3A_337, %get3A_338] : memref<2x4096xf32, #tpu.memory_space<smem>>
      %broadcast_in_dim3A_340 = vector.broadcast %get3A_339 : f32 to vector<8x128xf32>
      %get3A_341 = arith.constant 1 : index
      %get3A_342 = arith.index_cast %add3A_336 : i32 to index
      %get3A_343 = memref.load %arg2[%get3A_341, %get3A_342] : memref<2x4096xf32, #tpu.memory_space<smem>>
      %broadcast_in_dim3A_344 = vector.broadcast %get3A_343 : f32 to vector<8x128xf32>
      %sub3A_345 = arith.subf %get3A_3, %broadcast_in_dim3A_340 : vector<8x128xf32>
      %sub3A_346 = arith.subf %get3A_23, %broadcast_in_dim3A_344 : vector<8x128xf32>
      %mul3A_347 = arith.mulf %sub3A_345, %sub3A_345 : vector<8x128xf32>
      %mul3A_348 = arith.mulf %sub3A_346, %sub3A_346 : vector<8x128xf32>
      %add3A_349 = arith.addf %mul3A_347, %mul3A_348 : vector<8x128xf32>
      %lt3A_350 = arith.cmpf olt, %add3A_349, %select_n3A_259 : vector<8x128xf32>
      %select_n3A_351 = arith.select %lt3A_350, %add3A_349, %select_n3A_259 : vector<8x128xi1>, vector<8x128xf32>
      %broadcast_in_dim3A_352 = vector.broadcast %add3A_336 : i32 to vector<8x128xi32>
      %select_n3A_353 = arith.select %lt3A_350, %broadcast_in_dim3A_352, %select_n3A_261 : vector<8x128xi1>, vector<8x128xi32>
      %sub3A_354 = arith.subf %get3A_8, %broadcast_in_dim3A_340 : vector<8x128xf32>
      %sub3A_355 = arith.subf %get3A_28, %broadcast_in_dim3A_344 : vector<8x128xf32>
      %mul3A_356 = arith.mulf %sub3A_354, %sub3A_354 : vector<8x128xf32>
      %mul3A_357 = arith.mulf %sub3A_355, %sub3A_355 : vector<8x128xf32>
      %add3A_358 = arith.addf %mul3A_356, %mul3A_357 : vector<8x128xf32>
      %lt3A_359 = arith.cmpf olt, %add3A_358, %select_n3A_268 : vector<8x128xf32>
      %select_n3A_360 = arith.select %lt3A_359, %add3A_358, %select_n3A_268 : vector<8x128xi1>, vector<8x128xf32>
      %broadcast_in_dim3A_361 = vector.broadcast %add3A_336 : i32 to vector<8x128xi32>
      %select_n3A_362 = arith.select %lt3A_359, %broadcast_in_dim3A_361, %select_n3A_270 : vector<8x128xi1>, vector<8x128xi32>
      %sub3A_363 = arith.subf %get3A_13, %broadcast_in_dim3A_340 : vector<8x128xf32>
      %sub3A_364 = arith.subf %get3A_33, %broadcast_in_dim3A_344 : vector<8x128xf32>
      %mul3A_365 = arith.mulf %sub3A_363, %sub3A_363 : vector<8x128xf32>
      %mul3A_366 = arith.mulf %sub3A_364, %sub3A_364 : vector<8x128xf32>
      %add3A_367 = arith.addf %mul3A_365, %mul3A_366 : vector<8x128xf32>
      %lt3A_368 = arith.cmpf olt, %add3A_367, %select_n3A_277 : vector<8x128xf32>
      %select_n3A_369 = arith.select %lt3A_368, %add3A_367, %select_n3A_277 : vector<8x128xi1>, vector<8x128xf32>
      %broadcast_in_dim3A_370 = vector.broadcast %add3A_336 : i32 to vector<8x128xi32>
      %select_n3A_371 = arith.select %lt3A_368, %broadcast_in_dim3A_370, %select_n3A_279 : vector<8x128xi1>, vector<8x128xi32>
      %sub3A_372 = arith.subf %get3A_18, %broadcast_in_dim3A_340 : vector<8x128xf32>
      %sub3A_373 = arith.subf %get3A_38, %broadcast_in_dim3A_344 : vector<8x128xf32>
      %mul3A_374 = arith.mulf %sub3A_372, %sub3A_372 : vector<8x128xf32>
      %mul3A_375 = arith.mulf %sub3A_373, %sub3A_373 : vector<8x128xf32>
      %add3A_376 = arith.addf %mul3A_374, %mul3A_375 : vector<8x128xf32>
      %lt3A_377 = arith.cmpf olt, %add3A_376, %select_n3A_286 : vector<8x128xf32>
      %select_n3A_378 = arith.select %lt3A_377, %add3A_376, %select_n3A_286 : vector<8x128xi1>, vector<8x128xf32>
      %broadcast_in_dim3A_379 = vector.broadcast %add3A_336 : i32 to vector<8x128xi32>
      %select_n3A_380 = arith.select %lt3A_377, %broadcast_in_dim3A_379, %select_n3A_288 : vector<8x128xi1>, vector<8x128xi32>
      %add3A_381 = arith.constant 6 : i32
      %add3A_382 = arith.addi %mul3A_106, %add3A_381 : i32
      %get3A_383 = arith.constant 0 : index
      %get3A_384 = arith.index_cast %add3A_382 : i32 to index
      %get3A_385 = memref.load %arg2[%get3A_383, %get3A_384] : memref<2x4096xf32, #tpu.memory_space<smem>>
      %broadcast_in_dim3A_386 = vector.broadcast %get3A_385 : f32 to vector<8x128xf32>
      %get3A_387 = arith.constant 1 : index
      %get3A_388 = arith.index_cast %add3A_382 : i32 to index
      %get3A_389 = memref.load %arg2[%get3A_387, %get3A_388] : memref<2x4096xf32, #tpu.memory_space<smem>>
      %broadcast_in_dim3A_390 = vector.broadcast %get3A_389 : f32 to vector<8x128xf32>
      %sub3A_391 = arith.subf %get3A_3, %broadcast_in_dim3A_386 : vector<8x128xf32>
      %sub3A_392 = arith.subf %get3A_23, %broadcast_in_dim3A_390 : vector<8x128xf32>
      %mul3A_393 = arith.mulf %sub3A_391, %sub3A_391 : vector<8x128xf32>
      %mul3A_394 = arith.mulf %sub3A_392, %sub3A_392 : vector<8x128xf32>
      %add3A_395 = arith.addf %mul3A_393, %mul3A_394 : vector<8x128xf32>
      %lt3A_396 = arith.cmpf olt, %add3A_395, %select_n3A_305 : vector<8x128xf32>
      %select_n3A_397 = arith.select %lt3A_396, %add3A_395, %select_n3A_305 : vector<8x128xi1>, vector<8x128xf32>
      %broadcast_in_dim3A_398 = vector.broadcast %add3A_382 : i32 to vector<8x128xi32>
      %select_n3A_399 = arith.select %lt3A_396, %broadcast_in_dim3A_398, %select_n3A_307 : vector<8x128xi1>, vector<8x128xi32>
      %sub3A_400 = arith.subf %get3A_8, %broadcast_in_dim3A_386 : vector<8x128xf32>
      %sub3A_401 = arith.subf %get3A_28, %broadcast_in_dim3A_390 : vector<8x128xf32>
      %mul3A_402 = arith.mulf %sub3A_400, %sub3A_400 : vector<8x128xf32>
      %mul3A_403 = arith.mulf %sub3A_401, %sub3A_401 : vector<8x128xf32>
      %add3A_404 = arith.addf %mul3A_402, %mul3A_403 : vector<8x128xf32>
      %lt3A_405 = arith.cmpf olt, %add3A_404, %select_n3A_314 : vector<8x128xf32>
      %select_n3A_406 = arith.select %lt3A_405, %add3A_404, %select_n3A_314 : vector<8x128xi1>, vector<8x128xf32>
      %broadcast_in_dim3A_407 = vector.broadcast %add3A_382 : i32 to vector<8x128xi32>
      %select_n3A_408 = arith.select %lt3A_405, %broadcast_in_dim3A_407, %select_n3A_316 : vector<8x128xi1>, vector<8x128xi32>
      %sub3A_409 = arith.subf %get3A_13, %broadcast_in_dim3A_386 : vector<8x128xf32>
      %sub3A_410 = arith.subf %get3A_33, %broadcast_in_dim3A_390 : vector<8x128xf32>
      %mul3A_411 = arith.mulf %sub3A_409, %sub3A_409 : vector<8x128xf32>
      %mul3A_412 = arith.mulf %sub3A_410, %sub3A_410 : vector<8x128xf32>
      %add3A_413 = arith.addf %mul3A_411, %mul3A_412 : vector<8x128xf32>
      %lt3A_414 = arith.cmpf olt, %add3A_413, %select_n3A_323 : vector<8x128xf32>
      %select_n3A_415 = arith.select %lt3A_414, %add3A_413, %select_n3A_323 : vector<8x128xi1>, vector<8x128xf32>
      %broadcast_in_dim3A_416 = vector.broadcast %add3A_382 : i32 to vector<8x128xi32>
      %select_n3A_417 = arith.select %lt3A_414, %broadcast_in_dim3A_416, %select_n3A_325 : vector<8x128xi1>, vector<8x128xi32>
      %sub3A_418 = arith.subf %get3A_18, %broadcast_in_dim3A_386 : vector<8x128xf32>
      %sub3A_419 = arith.subf %get3A_38, %broadcast_in_dim3A_390 : vector<8x128xf32>
      %mul3A_420 = arith.mulf %sub3A_418, %sub3A_418 : vector<8x128xf32>
      %mul3A_421 = arith.mulf %sub3A_419, %sub3A_419 : vector<8x128xf32>
      %add3A_422 = arith.addf %mul3A_420, %mul3A_421 : vector<8x128xf32>
      %lt3A_423 = arith.cmpf olt, %add3A_422, %select_n3A_332 : vector<8x128xf32>
      %select_n3A_424 = arith.select %lt3A_423, %add3A_422, %select_n3A_332 : vector<8x128xi1>, vector<8x128xf32>
      %broadcast_in_dim3A_425 = vector.broadcast %add3A_382 : i32 to vector<8x128xi32>
      %select_n3A_426 = arith.select %lt3A_423, %broadcast_in_dim3A_425, %select_n3A_334 : vector<8x128xi1>, vector<8x128xi32>
      %add3A_427 = arith.constant 7 : i32
      %add3A_428 = arith.addi %mul3A_106, %add3A_427 : i32
      %get3A_429 = arith.constant 0 : index
      %get3A_430 = arith.index_cast %add3A_428 : i32 to index
      %get3A_431 = memref.load %arg2[%get3A_429, %get3A_430] : memref<2x4096xf32, #tpu.memory_space<smem>>
      %broadcast_in_dim3A_432 = vector.broadcast %get3A_431 : f32 to vector<8x128xf32>
      %get3A_433 = arith.constant 1 : index
      %get3A_434 = arith.index_cast %add3A_428 : i32 to index
      %get3A_435 = memref.load %arg2[%get3A_433, %get3A_434] : memref<2x4096xf32, #tpu.memory_space<smem>>
      %broadcast_in_dim3A_436 = vector.broadcast %get3A_435 : f32 to vector<8x128xf32>
      %sub3A_437 = arith.subf %get3A_3, %broadcast_in_dim3A_432 : vector<8x128xf32>
      %sub3A_438 = arith.subf %get3A_23, %broadcast_in_dim3A_436 : vector<8x128xf32>
      %mul3A_439 = arith.mulf %sub3A_437, %sub3A_437 : vector<8x128xf32>
      %mul3A_440 = arith.mulf %sub3A_438, %sub3A_438 : vector<8x128xf32>
      %add3A_441 = arith.addf %mul3A_439, %mul3A_440 : vector<8x128xf32>
      %lt3A_442 = arith.cmpf olt, %add3A_441, %select_n3A_351 : vector<8x128xf32>
      %select_n3A_443 = arith.select %lt3A_442, %add3A_441, %select_n3A_351 : vector<8x128xi1>, vector<8x128xf32>
      %broadcast_in_dim3A_444 = vector.broadcast %add3A_428 : i32 to vector<8x128xi32>
      %select_n3A_445 = arith.select %lt3A_442, %broadcast_in_dim3A_444, %select_n3A_353 : vector<8x128xi1>, vector<8x128xi32>
      %sub3A_446 = arith.subf %get3A_8, %broadcast_in_dim3A_432 : vector<8x128xf32>
      %sub3A_447 = arith.subf %get3A_28, %broadcast_in_dim3A_436 : vector<8x128xf32>
      %mul3A_448 = arith.mulf %sub3A_446, %sub3A_446 : vector<8x128xf32>
      %mul3A_449 = arith.mulf %sub3A_447, %sub3A_447 : vector<8x128xf32>
      %add3A_450 = arith.addf %mul3A_448, %mul3A_449 : vector<8x128xf32>
      %lt3A_451 = arith.cmpf olt, %add3A_450, %select_n3A_360 : vector<8x128xf32>
      %select_n3A_452 = arith.select %lt3A_451, %add3A_450, %select_n3A_360 : vector<8x128xi1>, vector<8x128xf32>
      %broadcast_in_dim3A_453 = vector.broadcast %add3A_428 : i32 to vector<8x128xi32>
      %select_n3A_454 = arith.select %lt3A_451, %broadcast_in_dim3A_453, %select_n3A_362 : vector<8x128xi1>, vector<8x128xi32>
      %sub3A_455 = arith.subf %get3A_13, %broadcast_in_dim3A_432 : vector<8x128xf32>
      %sub3A_456 = arith.subf %get3A_33, %broadcast_in_dim3A_436 : vector<8x128xf32>
      %mul3A_457 = arith.mulf %sub3A_455, %sub3A_455 : vector<8x128xf32>
      %mul3A_458 = arith.mulf %sub3A_456, %sub3A_456 : vector<8x128xf32>
      %add3A_459 = arith.addf %mul3A_457, %mul3A_458 : vector<8x128xf32>
      %lt3A_460 = arith.cmpf olt, %add3A_459, %select_n3A_369 : vector<8x128xf32>
      %select_n3A_461 = arith.select %lt3A_460, %add3A_459, %select_n3A_369 : vector<8x128xi1>, vector<8x128xf32>
      %broadcast_in_dim3A_462 = vector.broadcast %add3A_428 : i32 to vector<8x128xi32>
      %select_n3A_463 = arith.select %lt3A_460, %broadcast_in_dim3A_462, %select_n3A_371 : vector<8x128xi1>, vector<8x128xi32>
      %sub3A_464 = arith.subf %get3A_18, %broadcast_in_dim3A_432 : vector<8x128xf32>
      %sub3A_465 = arith.subf %get3A_38, %broadcast_in_dim3A_436 : vector<8x128xf32>
      %mul3A_466 = arith.mulf %sub3A_464, %sub3A_464 : vector<8x128xf32>
      %mul3A_467 = arith.mulf %sub3A_465, %sub3A_465 : vector<8x128xf32>
      %add3A_468 = arith.addf %mul3A_466, %mul3A_467 : vector<8x128xf32>
      %lt3A_469 = arith.cmpf olt, %add3A_468, %select_n3A_378 : vector<8x128xf32>
      %select_n3A_470 = arith.select %lt3A_469, %add3A_468, %select_n3A_378 : vector<8x128xi1>, vector<8x128xf32>
      %broadcast_in_dim3A_471 = vector.broadcast %add3A_428 : i32 to vector<8x128xi32>
      %select_n3A_472 = arith.select %lt3A_469, %broadcast_in_dim3A_471, %select_n3A_380 : vector<8x128xi1>, vector<8x128xi32>
      %add3A_473 = arith.constant 8 : i32
      %add3A_474 = arith.addi %mul3A_106, %add3A_473 : i32
      %get3A_475 = arith.constant 0 : index
      %get3A_476 = arith.index_cast %add3A_474 : i32 to index
      %get3A_477 = memref.load %arg2[%get3A_475, %get3A_476] : memref<2x4096xf32, #tpu.memory_space<smem>>
      %broadcast_in_dim3A_478 = vector.broadcast %get3A_477 : f32 to vector<8x128xf32>
      %get3A_479 = arith.constant 1 : index
      %get3A_480 = arith.index_cast %add3A_474 : i32 to index
      %get3A_481 = memref.load %arg2[%get3A_479, %get3A_480] : memref<2x4096xf32, #tpu.memory_space<smem>>
      %broadcast_in_dim3A_482 = vector.broadcast %get3A_481 : f32 to vector<8x128xf32>
      %sub3A_483 = arith.subf %get3A_3, %broadcast_in_dim3A_478 : vector<8x128xf32>
      %sub3A_484 = arith.subf %get3A_23, %broadcast_in_dim3A_482 : vector<8x128xf32>
      %mul3A_485 = arith.mulf %sub3A_483, %sub3A_483 : vector<8x128xf32>
      %mul3A_486 = arith.mulf %sub3A_484, %sub3A_484 : vector<8x128xf32>
      %add3A_487 = arith.addf %mul3A_485, %mul3A_486 : vector<8x128xf32>
      %lt3A_488 = arith.cmpf olt, %add3A_487, %select_n3A_397 : vector<8x128xf32>
      %select_n3A_489 = arith.select %lt3A_488, %add3A_487, %select_n3A_397 : vector<8x128xi1>, vector<8x128xf32>
      %broadcast_in_dim3A_490 = vector.broadcast %add3A_474 : i32 to vector<8x128xi32>
      %select_n3A_491 = arith.select %lt3A_488, %broadcast_in_dim3A_490, %select_n3A_399 : vector<8x128xi1>, vector<8x128xi32>
      %sub3A_492 = arith.subf %get3A_8, %broadcast_in_dim3A_478 : vector<8x128xf32>
      %sub3A_493 = arith.subf %get3A_28, %broadcast_in_dim3A_482 : vector<8x128xf32>
      %mul3A_494 = arith.mulf %sub3A_492, %sub3A_492 : vector<8x128xf32>
      %mul3A_495 = arith.mulf %sub3A_493, %sub3A_493 : vector<8x128xf32>
      %add3A_496 = arith.addf %mul3A_494, %mul3A_495 : vector<8x128xf32>
      %lt3A_497 = arith.cmpf olt, %add3A_496, %select_n3A_406 : vector<8x128xf32>
      %select_n3A_498 = arith.select %lt3A_497, %add3A_496, %select_n3A_406 : vector<8x128xi1>, vector<8x128xf32>
      %broadcast_in_dim3A_499 = vector.broadcast %add3A_474 : i32 to vector<8x128xi32>
      %select_n3A_500 = arith.select %lt3A_497, %broadcast_in_dim3A_499, %select_n3A_408 : vector<8x128xi1>, vector<8x128xi32>
      %sub3A_501 = arith.subf %get3A_13, %broadcast_in_dim3A_478 : vector<8x128xf32>
      %sub3A_502 = arith.subf %get3A_33, %broadcast_in_dim3A_482 : vector<8x128xf32>
      %mul3A_503 = arith.mulf %sub3A_501, %sub3A_501 : vector<8x128xf32>
      %mul3A_504 = arith.mulf %sub3A_502, %sub3A_502 : vector<8x128xf32>
      %add3A_505 = arith.addf %mul3A_503, %mul3A_504 : vector<8x128xf32>
      %lt3A_506 = arith.cmpf olt, %add3A_505, %select_n3A_415 : vector<8x128xf32>
      %select_n3A_507 = arith.select %lt3A_506, %add3A_505, %select_n3A_415 : vector<8x128xi1>, vector<8x128xf32>
      %broadcast_in_dim3A_508 = vector.broadcast %add3A_474 : i32 to vector<8x128xi32>
      %select_n3A_509 = arith.select %lt3A_506, %broadcast_in_dim3A_508, %select_n3A_417 : vector<8x128xi1>, vector<8x128xi32>
      %sub3A_510 = arith.subf %get3A_18, %broadcast_in_dim3A_478 : vector<8x128xf32>
      %sub3A_511 = arith.subf %get3A_38, %broadcast_in_dim3A_482 : vector<8x128xf32>
      %mul3A_512 = arith.mulf %sub3A_510, %sub3A_510 : vector<8x128xf32>
      %mul3A_513 = arith.mulf %sub3A_511, %sub3A_511 : vector<8x128xf32>
      %add3A_514 = arith.addf %mul3A_512, %mul3A_513 : vector<8x128xf32>
      %lt3A_515 = arith.cmpf olt, %add3A_514, %select_n3A_424 : vector<8x128xf32>
      %select_n3A_516 = arith.select %lt3A_515, %add3A_514, %select_n3A_424 : vector<8x128xi1>, vector<8x128xf32>
      %broadcast_in_dim3A_517 = vector.broadcast %add3A_474 : i32 to vector<8x128xi32>
      %select_n3A_518 = arith.select %lt3A_515, %broadcast_in_dim3A_517, %select_n3A_426 : vector<8x128xi1>, vector<8x128xi32>
      %add3A_519 = arith.constant 9 : i32
      %add3A_520 = arith.addi %mul3A_106, %add3A_519 : i32
      %get3A_521 = arith.constant 0 : index
      %get3A_522 = arith.index_cast %add3A_520 : i32 to index
      %get3A_523 = memref.load %arg2[%get3A_521, %get3A_522] : memref<2x4096xf32, #tpu.memory_space<smem>>
      %broadcast_in_dim3A_524 = vector.broadcast %get3A_523 : f32 to vector<8x128xf32>
      %get3A_525 = arith.constant 1 : index
      %get3A_526 = arith.index_cast %add3A_520 : i32 to index
      %get3A_527 = memref.load %arg2[%get3A_525, %get3A_526] : memref<2x4096xf32, #tpu.memory_space<smem>>
      %broadcast_in_dim3A_528 = vector.broadcast %get3A_527 : f32 to vector<8x128xf32>
      %sub3A_529 = arith.subf %get3A_3, %broadcast_in_dim3A_524 : vector<8x128xf32>
      %sub3A_530 = arith.subf %get3A_23, %broadcast_in_dim3A_528 : vector<8x128xf32>
      %mul3A_531 = arith.mulf %sub3A_529, %sub3A_529 : vector<8x128xf32>
      %mul3A_532 = arith.mulf %sub3A_530, %sub3A_530 : vector<8x128xf32>
      %add3A_533 = arith.addf %mul3A_531, %mul3A_532 : vector<8x128xf32>
      %lt3A_534 = arith.cmpf olt, %add3A_533, %select_n3A_443 : vector<8x128xf32>
      %select_n3A_535 = arith.select %lt3A_534, %add3A_533, %select_n3A_443 : vector<8x128xi1>, vector<8x128xf32>
      %broadcast_in_dim3A_536 = vector.broadcast %add3A_520 : i32 to vector<8x128xi32>
      %select_n3A_537 = arith.select %lt3A_534, %broadcast_in_dim3A_536, %select_n3A_445 : vector<8x128xi1>, vector<8x128xi32>
      %sub3A_538 = arith.subf %get3A_8, %broadcast_in_dim3A_524 : vector<8x128xf32>
      %sub3A_539 = arith.subf %get3A_28, %broadcast_in_dim3A_528 : vector<8x128xf32>
      %mul3A_540 = arith.mulf %sub3A_538, %sub3A_538 : vector<8x128xf32>
      %mul3A_541 = arith.mulf %sub3A_539, %sub3A_539 : vector<8x128xf32>
      %add3A_542 = arith.addf %mul3A_540, %mul3A_541 : vector<8x128xf32>
      %lt3A_543 = arith.cmpf olt, %add3A_542, %select_n3A_452 : vector<8x128xf32>
      %select_n3A_544 = arith.select %lt3A_543, %add3A_542, %select_n3A_452 : vector<8x128xi1>, vector<8x128xf32>
      %broadcast_in_dim3A_545 = vector.broadcast %add3A_520 : i32 to vector<8x128xi32>
      %select_n3A_546 = arith.select %lt3A_543, %broadcast_in_dim3A_545, %select_n3A_454 : vector<8x128xi1>, vector<8x128xi32>
      %sub3A_547 = arith.subf %get3A_13, %broadcast_in_dim3A_524 : vector<8x128xf32>
      %sub3A_548 = arith.subf %get3A_33, %broadcast_in_dim3A_528 : vector<8x128xf32>
      %mul3A_549 = arith.mulf %sub3A_547, %sub3A_547 : vector<8x128xf32>
      %mul3A_550 = arith.mulf %sub3A_548, %sub3A_548 : vector<8x128xf32>
      %add3A_551 = arith.addf %mul3A_549, %mul3A_550 : vector<8x128xf32>
      %lt3A_552 = arith.cmpf olt, %add3A_551, %select_n3A_461 : vector<8x128xf32>
      %select_n3A_553 = arith.select %lt3A_552, %add3A_551, %select_n3A_461 : vector<8x128xi1>, vector<8x128xf32>
      %broadcast_in_dim3A_554 = vector.broadcast %add3A_520 : i32 to vector<8x128xi32>
      %select_n3A_555 = arith.select %lt3A_552, %broadcast_in_dim3A_554, %select_n3A_463 : vector<8x128xi1>, vector<8x128xi32>
      %sub3A_556 = arith.subf %get3A_18, %broadcast_in_dim3A_524 : vector<8x128xf32>
      %sub3A_557 = arith.subf %get3A_38, %broadcast_in_dim3A_528 : vector<8x128xf32>
      %mul3A_558 = arith.mulf %sub3A_556, %sub3A_556 : vector<8x128xf32>
      %mul3A_559 = arith.mulf %sub3A_557, %sub3A_557 : vector<8x128xf32>
      %add3A_560 = arith.addf %mul3A_558, %mul3A_559 : vector<8x128xf32>
      %lt3A_561 = arith.cmpf olt, %add3A_560, %select_n3A_470 : vector<8x128xf32>
      %select_n3A_562 = arith.select %lt3A_561, %add3A_560, %select_n3A_470 : vector<8x128xi1>, vector<8x128xf32>
      %broadcast_in_dim3A_563 = vector.broadcast %add3A_520 : i32 to vector<8x128xi32>
      %select_n3A_564 = arith.select %lt3A_561, %broadcast_in_dim3A_563, %select_n3A_472 : vector<8x128xi1>, vector<8x128xi32>
      %add3A_565 = arith.constant 10 : i32
      %add3A_566 = arith.addi %mul3A_106, %add3A_565 : i32
      %get3A_567 = arith.constant 0 : index
      %get3A_568 = arith.index_cast %add3A_566 : i32 to index
      %get3A_569 = memref.load %arg2[%get3A_567, %get3A_568] : memref<2x4096xf32, #tpu.memory_space<smem>>
      %broadcast_in_dim3A_570 = vector.broadcast %get3A_569 : f32 to vector<8x128xf32>
      %get3A_571 = arith.constant 1 : index
      %get3A_572 = arith.index_cast %add3A_566 : i32 to index
      %get3A_573 = memref.load %arg2[%get3A_571, %get3A_572] : memref<2x4096xf32, #tpu.memory_space<smem>>
      %broadcast_in_dim3A_574 = vector.broadcast %get3A_573 : f32 to vector<8x128xf32>
      %sub3A_575 = arith.subf %get3A_3, %broadcast_in_dim3A_570 : vector<8x128xf32>
      %sub3A_576 = arith.subf %get3A_23, %broadcast_in_dim3A_574 : vector<8x128xf32>
      %mul3A_577 = arith.mulf %sub3A_575, %sub3A_575 : vector<8x128xf32>
      %mul3A_578 = arith.mulf %sub3A_576, %sub3A_576 : vector<8x128xf32>
      %add3A_579 = arith.addf %mul3A_577, %mul3A_578 : vector<8x128xf32>
      %lt3A_580 = arith.cmpf olt, %add3A_579, %select_n3A_489 : vector<8x128xf32>
      %select_n3A_581 = arith.select %lt3A_580, %add3A_579, %select_n3A_489 : vector<8x128xi1>, vector<8x128xf32>
      %broadcast_in_dim3A_582 = vector.broadcast %add3A_566 : i32 to vector<8x128xi32>
      %select_n3A_583 = arith.select %lt3A_580, %broadcast_in_dim3A_582, %select_n3A_491 : vector<8x128xi1>, vector<8x128xi32>
      %sub3A_584 = arith.subf %get3A_8, %broadcast_in_dim3A_570 : vector<8x128xf32>
      %sub3A_585 = arith.subf %get3A_28, %broadcast_in_dim3A_574 : vector<8x128xf32>
      %mul3A_586 = arith.mulf %sub3A_584, %sub3A_584 : vector<8x128xf32>
      %mul3A_587 = arith.mulf %sub3A_585, %sub3A_585 : vector<8x128xf32>
      %add3A_588 = arith.addf %mul3A_586, %mul3A_587 : vector<8x128xf32>
      %lt3A_589 = arith.cmpf olt, %add3A_588, %select_n3A_498 : vector<8x128xf32>
      %select_n3A_590 = arith.select %lt3A_589, %add3A_588, %select_n3A_498 : vector<8x128xi1>, vector<8x128xf32>
      %broadcast_in_dim3A_591 = vector.broadcast %add3A_566 : i32 to vector<8x128xi32>
      %select_n3A_592 = arith.select %lt3A_589, %broadcast_in_dim3A_591, %select_n3A_500 : vector<8x128xi1>, vector<8x128xi32>
      %sub3A_593 = arith.subf %get3A_13, %broadcast_in_dim3A_570 : vector<8x128xf32>
      %sub3A_594 = arith.subf %get3A_33, %broadcast_in_dim3A_574 : vector<8x128xf32>
      %mul3A_595 = arith.mulf %sub3A_593, %sub3A_593 : vector<8x128xf32>
      %mul3A_596 = arith.mulf %sub3A_594, %sub3A_594 : vector<8x128xf32>
      %add3A_597 = arith.addf %mul3A_595, %mul3A_596 : vector<8x128xf32>
      %lt3A_598 = arith.cmpf olt, %add3A_597, %select_n3A_507 : vector<8x128xf32>
      %select_n3A_599 = arith.select %lt3A_598, %add3A_597, %select_n3A_507 : vector<8x128xi1>, vector<8x128xf32>
      %broadcast_in_dim3A_600 = vector.broadcast %add3A_566 : i32 to vector<8x128xi32>
      %select_n3A_601 = arith.select %lt3A_598, %broadcast_in_dim3A_600, %select_n3A_509 : vector<8x128xi1>, vector<8x128xi32>
      %sub3A_602 = arith.subf %get3A_18, %broadcast_in_dim3A_570 : vector<8x128xf32>
      %sub3A_603 = arith.subf %get3A_38, %broadcast_in_dim3A_574 : vector<8x128xf32>
      %mul3A_604 = arith.mulf %sub3A_602, %sub3A_602 : vector<8x128xf32>
      %mul3A_605 = arith.mulf %sub3A_603, %sub3A_603 : vector<8x128xf32>
      %add3A_606 = arith.addf %mul3A_604, %mul3A_605 : vector<8x128xf32>
      %lt3A_607 = arith.cmpf olt, %add3A_606, %select_n3A_516 : vector<8x128xf32>
      %select_n3A_608 = arith.select %lt3A_607, %add3A_606, %select_n3A_516 : vector<8x128xi1>, vector<8x128xf32>
      %broadcast_in_dim3A_609 = vector.broadcast %add3A_566 : i32 to vector<8x128xi32>
      %select_n3A_610 = arith.select %lt3A_607, %broadcast_in_dim3A_609, %select_n3A_518 : vector<8x128xi1>, vector<8x128xi32>
      %add3A_611 = arith.constant 11 : i32
      %add3A_612 = arith.addi %mul3A_106, %add3A_611 : i32
      %get3A_613 = arith.constant 0 : index
      %get3A_614 = arith.index_cast %add3A_612 : i32 to index
      %get3A_615 = memref.load %arg2[%get3A_613, %get3A_614] : memref<2x4096xf32, #tpu.memory_space<smem>>
      %broadcast_in_dim3A_616 = vector.broadcast %get3A_615 : f32 to vector<8x128xf32>
      %get3A_617 = arith.constant 1 : index
      %get3A_618 = arith.index_cast %add3A_612 : i32 to index
      %get3A_619 = memref.load %arg2[%get3A_617, %get3A_618] : memref<2x4096xf32, #tpu.memory_space<smem>>
      %broadcast_in_dim3A_620 = vector.broadcast %get3A_619 : f32 to vector<8x128xf32>
      %sub3A_621 = arith.subf %get3A_3, %broadcast_in_dim3A_616 : vector<8x128xf32>
      %sub3A_622 = arith.subf %get3A_23, %broadcast_in_dim3A_620 : vector<8x128xf32>
      %mul3A_623 = arith.mulf %sub3A_621, %sub3A_621 : vector<8x128xf32>
      %mul3A_624 = arith.mulf %sub3A_622, %sub3A_622 : vector<8x128xf32>
      %add3A_625 = arith.addf %mul3A_623, %mul3A_624 : vector<8x128xf32>
      %lt3A_626 = arith.cmpf olt, %add3A_625, %select_n3A_535 : vector<8x128xf32>
      %select_n3A_627 = arith.select %lt3A_626, %add3A_625, %select_n3A_535 : vector<8x128xi1>, vector<8x128xf32>
      %broadcast_in_dim3A_628 = vector.broadcast %add3A_612 : i32 to vector<8x128xi32>
      %select_n3A_629 = arith.select %lt3A_626, %broadcast_in_dim3A_628, %select_n3A_537 : vector<8x128xi1>, vector<8x128xi32>
      %sub3A_630 = arith.subf %get3A_8, %broadcast_in_dim3A_616 : vector<8x128xf32>
      %sub3A_631 = arith.subf %get3A_28, %broadcast_in_dim3A_620 : vector<8x128xf32>
      %mul3A_632 = arith.mulf %sub3A_630, %sub3A_630 : vector<8x128xf32>
      %mul3A_633 = arith.mulf %sub3A_631, %sub3A_631 : vector<8x128xf32>
      %add3A_634 = arith.addf %mul3A_632, %mul3A_633 : vector<8x128xf32>
      %lt3A_635 = arith.cmpf olt, %add3A_634, %select_n3A_544 : vector<8x128xf32>
      %select_n3A_636 = arith.select %lt3A_635, %add3A_634, %select_n3A_544 : vector<8x128xi1>, vector<8x128xf32>
      %broadcast_in_dim3A_637 = vector.broadcast %add3A_612 : i32 to vector<8x128xi32>
      %select_n3A_638 = arith.select %lt3A_635, %broadcast_in_dim3A_637, %select_n3A_546 : vector<8x128xi1>, vector<8x128xi32>
      %sub3A_639 = arith.subf %get3A_13, %broadcast_in_dim3A_616 : vector<8x128xf32>
      %sub3A_640 = arith.subf %get3A_33, %broadcast_in_dim3A_620 : vector<8x128xf32>
      %mul3A_641 = arith.mulf %sub3A_639, %sub3A_639 : vector<8x128xf32>
      %mul3A_642 = arith.mulf %sub3A_640, %sub3A_640 : vector<8x128xf32>
      %add3A_643 = arith.addf %mul3A_641, %mul3A_642 : vector<8x128xf32>
      %lt3A_644 = arith.cmpf olt, %add3A_643, %select_n3A_553 : vector<8x128xf32>
      %select_n3A_645 = arith.select %lt3A_644, %add3A_643, %select_n3A_553 : vector<8x128xi1>, vector<8x128xf32>
      %broadcast_in_dim3A_646 = vector.broadcast %add3A_612 : i32 to vector<8x128xi32>
      %select_n3A_647 = arith.select %lt3A_644, %broadcast_in_dim3A_646, %select_n3A_555 : vector<8x128xi1>, vector<8x128xi32>
      %sub3A_648 = arith.subf %get3A_18, %broadcast_in_dim3A_616 : vector<8x128xf32>
      %sub3A_649 = arith.subf %get3A_38, %broadcast_in_dim3A_620 : vector<8x128xf32>
      %mul3A_650 = arith.mulf %sub3A_648, %sub3A_648 : vector<8x128xf32>
      %mul3A_651 = arith.mulf %sub3A_649, %sub3A_649 : vector<8x128xf32>
      %add3A_652 = arith.addf %mul3A_650, %mul3A_651 : vector<8x128xf32>
      %lt3A_653 = arith.cmpf olt, %add3A_652, %select_n3A_562 : vector<8x128xf32>
      %select_n3A_654 = arith.select %lt3A_653, %add3A_652, %select_n3A_562 : vector<8x128xi1>, vector<8x128xf32>
      %broadcast_in_dim3A_655 = vector.broadcast %add3A_612 : i32 to vector<8x128xi32>
      %select_n3A_656 = arith.select %lt3A_653, %broadcast_in_dim3A_655, %select_n3A_564 : vector<8x128xi1>, vector<8x128xi32>
      %add3A_657 = arith.constant 12 : i32
      %add3A_658 = arith.addi %mul3A_106, %add3A_657 : i32
      %get3A_659 = arith.constant 0 : index
      %get3A_660 = arith.index_cast %add3A_658 : i32 to index
      %get3A_661 = memref.load %arg2[%get3A_659, %get3A_660] : memref<2x4096xf32, #tpu.memory_space<smem>>
      %broadcast_in_dim3A_662 = vector.broadcast %get3A_661 : f32 to vector<8x128xf32>
      %get3A_663 = arith.constant 1 : index
      %get3A_664 = arith.index_cast %add3A_658 : i32 to index
      %get3A_665 = memref.load %arg2[%get3A_663, %get3A_664] : memref<2x4096xf32, #tpu.memory_space<smem>>
      %broadcast_in_dim3A_666 = vector.broadcast %get3A_665 : f32 to vector<8x128xf32>
      %sub3A_667 = arith.subf %get3A_3, %broadcast_in_dim3A_662 : vector<8x128xf32>
      %sub3A_668 = arith.subf %get3A_23, %broadcast_in_dim3A_666 : vector<8x128xf32>
      %mul3A_669 = arith.mulf %sub3A_667, %sub3A_667 : vector<8x128xf32>
      %mul3A_670 = arith.mulf %sub3A_668, %sub3A_668 : vector<8x128xf32>
      %add3A_671 = arith.addf %mul3A_669, %mul3A_670 : vector<8x128xf32>
      %lt3A_672 = arith.cmpf olt, %add3A_671, %select_n3A_581 : vector<8x128xf32>
      %select_n3A_673 = arith.select %lt3A_672, %add3A_671, %select_n3A_581 : vector<8x128xi1>, vector<8x128xf32>
      %broadcast_in_dim3A_674 = vector.broadcast %add3A_658 : i32 to vector<8x128xi32>
      %select_n3A_675 = arith.select %lt3A_672, %broadcast_in_dim3A_674, %select_n3A_583 : vector<8x128xi1>, vector<8x128xi32>
      %sub3A_676 = arith.subf %get3A_8, %broadcast_in_dim3A_662 : vector<8x128xf32>
      %sub3A_677 = arith.subf %get3A_28, %broadcast_in_dim3A_666 : vector<8x128xf32>
      %mul3A_678 = arith.mulf %sub3A_676, %sub3A_676 : vector<8x128xf32>
      %mul3A_679 = arith.mulf %sub3A_677, %sub3A_677 : vector<8x128xf32>
      %add3A_680 = arith.addf %mul3A_678, %mul3A_679 : vector<8x128xf32>
      %lt3A_681 = arith.cmpf olt, %add3A_680, %select_n3A_590 : vector<8x128xf32>
      %select_n3A_682 = arith.select %lt3A_681, %add3A_680, %select_n3A_590 : vector<8x128xi1>, vector<8x128xf32>
      %broadcast_in_dim3A_683 = vector.broadcast %add3A_658 : i32 to vector<8x128xi32>
      %select_n3A_684 = arith.select %lt3A_681, %broadcast_in_dim3A_683, %select_n3A_592 : vector<8x128xi1>, vector<8x128xi32>
      %sub3A_685 = arith.subf %get3A_13, %broadcast_in_dim3A_662 : vector<8x128xf32>
      %sub3A_686 = arith.subf %get3A_33, %broadcast_in_dim3A_666 : vector<8x128xf32>
      %mul3A_687 = arith.mulf %sub3A_685, %sub3A_685 : vector<8x128xf32>
      %mul3A_688 = arith.mulf %sub3A_686, %sub3A_686 : vector<8x128xf32>
      %add3A_689 = arith.addf %mul3A_687, %mul3A_688 : vector<8x128xf32>
      %lt3A_690 = arith.cmpf olt, %add3A_689, %select_n3A_599 : vector<8x128xf32>
      %select_n3A_691 = arith.select %lt3A_690, %add3A_689, %select_n3A_599 : vector<8x128xi1>, vector<8x128xf32>
      %broadcast_in_dim3A_692 = vector.broadcast %add3A_658 : i32 to vector<8x128xi32>
      %select_n3A_693 = arith.select %lt3A_690, %broadcast_in_dim3A_692, %select_n3A_601 : vector<8x128xi1>, vector<8x128xi32>
      %sub3A_694 = arith.subf %get3A_18, %broadcast_in_dim3A_662 : vector<8x128xf32>
      %sub3A_695 = arith.subf %get3A_38, %broadcast_in_dim3A_666 : vector<8x128xf32>
      %mul3A_696 = arith.mulf %sub3A_694, %sub3A_694 : vector<8x128xf32>
      %mul3A_697 = arith.mulf %sub3A_695, %sub3A_695 : vector<8x128xf32>
      %add3A_698 = arith.addf %mul3A_696, %mul3A_697 : vector<8x128xf32>
      %lt3A_699 = arith.cmpf olt, %add3A_698, %select_n3A_608 : vector<8x128xf32>
      %select_n3A_700 = arith.select %lt3A_699, %add3A_698, %select_n3A_608 : vector<8x128xi1>, vector<8x128xf32>
      %broadcast_in_dim3A_701 = vector.broadcast %add3A_658 : i32 to vector<8x128xi32>
      %select_n3A_702 = arith.select %lt3A_699, %broadcast_in_dim3A_701, %select_n3A_610 : vector<8x128xi1>, vector<8x128xi32>
      %add3A_703 = arith.constant 13 : i32
      %add3A_704 = arith.addi %mul3A_106, %add3A_703 : i32
      %get3A_705 = arith.constant 0 : index
      %get3A_706 = arith.index_cast %add3A_704 : i32 to index
      %get3A_707 = memref.load %arg2[%get3A_705, %get3A_706] : memref<2x4096xf32, #tpu.memory_space<smem>>
      %broadcast_in_dim3A_708 = vector.broadcast %get3A_707 : f32 to vector<8x128xf32>
      %get3A_709 = arith.constant 1 : index
      %get3A_710 = arith.index_cast %add3A_704 : i32 to index
      %get3A_711 = memref.load %arg2[%get3A_709, %get3A_710] : memref<2x4096xf32, #tpu.memory_space<smem>>
      %broadcast_in_dim3A_712 = vector.broadcast %get3A_711 : f32 to vector<8x128xf32>
      %sub3A_713 = arith.subf %get3A_3, %broadcast_in_dim3A_708 : vector<8x128xf32>
      %sub3A_714 = arith.subf %get3A_23, %broadcast_in_dim3A_712 : vector<8x128xf32>
      %mul3A_715 = arith.mulf %sub3A_713, %sub3A_713 : vector<8x128xf32>
      %mul3A_716 = arith.mulf %sub3A_714, %sub3A_714 : vector<8x128xf32>
      %add3A_717 = arith.addf %mul3A_715, %mul3A_716 : vector<8x128xf32>
      %lt3A_718 = arith.cmpf olt, %add3A_717, %select_n3A_627 : vector<8x128xf32>
      %select_n3A_719 = arith.select %lt3A_718, %add3A_717, %select_n3A_627 : vector<8x128xi1>, vector<8x128xf32>
      %broadcast_in_dim3A_720 = vector.broadcast %add3A_704 : i32 to vector<8x128xi32>
      %select_n3A_721 = arith.select %lt3A_718, %broadcast_in_dim3A_720, %select_n3A_629 : vector<8x128xi1>, vector<8x128xi32>
      %sub3A_722 = arith.subf %get3A_8, %broadcast_in_dim3A_708 : vector<8x128xf32>
      %sub3A_723 = arith.subf %get3A_28, %broadcast_in_dim3A_712 : vector<8x128xf32>
      %mul3A_724 = arith.mulf %sub3A_722, %sub3A_722 : vector<8x128xf32>
      %mul3A_725 = arith.mulf %sub3A_723, %sub3A_723 : vector<8x128xf32>
      %add3A_726 = arith.addf %mul3A_724, %mul3A_725 : vector<8x128xf32>
      %lt3A_727 = arith.cmpf olt, %add3A_726, %select_n3A_636 : vector<8x128xf32>
      %select_n3A_728 = arith.select %lt3A_727, %add3A_726, %select_n3A_636 : vector<8x128xi1>, vector<8x128xf32>
      %broadcast_in_dim3A_729 = vector.broadcast %add3A_704 : i32 to vector<8x128xi32>
      %select_n3A_730 = arith.select %lt3A_727, %broadcast_in_dim3A_729, %select_n3A_638 : vector<8x128xi1>, vector<8x128xi32>
      %sub3A_731 = arith.subf %get3A_13, %broadcast_in_dim3A_708 : vector<8x128xf32>
      %sub3A_732 = arith.subf %get3A_33, %broadcast_in_dim3A_712 : vector<8x128xf32>
      %mul3A_733 = arith.mulf %sub3A_731, %sub3A_731 : vector<8x128xf32>
      %mul3A_734 = arith.mulf %sub3A_732, %sub3A_732 : vector<8x128xf32>
      %add3A_735 = arith.addf %mul3A_733, %mul3A_734 : vector<8x128xf32>
      %lt3A_736 = arith.cmpf olt, %add3A_735, %select_n3A_645 : vector<8x128xf32>
      %select_n3A_737 = arith.select %lt3A_736, %add3A_735, %select_n3A_645 : vector<8x128xi1>, vector<8x128xf32>
      %broadcast_in_dim3A_738 = vector.broadcast %add3A_704 : i32 to vector<8x128xi32>
      %select_n3A_739 = arith.select %lt3A_736, %broadcast_in_dim3A_738, %select_n3A_647 : vector<8x128xi1>, vector<8x128xi32>
      %sub3A_740 = arith.subf %get3A_18, %broadcast_in_dim3A_708 : vector<8x128xf32>
      %sub3A_741 = arith.subf %get3A_38, %broadcast_in_dim3A_712 : vector<8x128xf32>
      %mul3A_742 = arith.mulf %sub3A_740, %sub3A_740 : vector<8x128xf32>
      %mul3A_743 = arith.mulf %sub3A_741, %sub3A_741 : vector<8x128xf32>
      %add3A_744 = arith.addf %mul3A_742, %mul3A_743 : vector<8x128xf32>
      %lt3A_745 = arith.cmpf olt, %add3A_744, %select_n3A_654 : vector<8x128xf32>
      %select_n3A_746 = arith.select %lt3A_745, %add3A_744, %select_n3A_654 : vector<8x128xi1>, vector<8x128xf32>
      %broadcast_in_dim3A_747 = vector.broadcast %add3A_704 : i32 to vector<8x128xi32>
      %select_n3A_748 = arith.select %lt3A_745, %broadcast_in_dim3A_747, %select_n3A_656 : vector<8x128xi1>, vector<8x128xi32>
      %add3A_749 = arith.constant 14 : i32
      %add3A_750 = arith.addi %mul3A_106, %add3A_749 : i32
      %get3A_751 = arith.constant 0 : index
      %get3A_752 = arith.index_cast %add3A_750 : i32 to index
      %get3A_753 = memref.load %arg2[%get3A_751, %get3A_752] : memref<2x4096xf32, #tpu.memory_space<smem>>
      %broadcast_in_dim3A_754 = vector.broadcast %get3A_753 : f32 to vector<8x128xf32>
      %get3A_755 = arith.constant 1 : index
      %get3A_756 = arith.index_cast %add3A_750 : i32 to index
      %get3A_757 = memref.load %arg2[%get3A_755, %get3A_756] : memref<2x4096xf32, #tpu.memory_space<smem>>
      %broadcast_in_dim3A_758 = vector.broadcast %get3A_757 : f32 to vector<8x128xf32>
      %sub3A_759 = arith.subf %get3A_3, %broadcast_in_dim3A_754 : vector<8x128xf32>
      %sub3A_760 = arith.subf %get3A_23, %broadcast_in_dim3A_758 : vector<8x128xf32>
      %mul3A_761 = arith.mulf %sub3A_759, %sub3A_759 : vector<8x128xf32>
      %mul3A_762 = arith.mulf %sub3A_760, %sub3A_760 : vector<8x128xf32>
      %add3A_763 = arith.addf %mul3A_761, %mul3A_762 : vector<8x128xf32>
      %lt3A_764 = arith.cmpf olt, %add3A_763, %select_n3A_673 : vector<8x128xf32>
      %select_n3A_765 = arith.select %lt3A_764, %add3A_763, %select_n3A_673 : vector<8x128xi1>, vector<8x128xf32>
      %broadcast_in_dim3A_766 = vector.broadcast %add3A_750 : i32 to vector<8x128xi32>
      %select_n3A_767 = arith.select %lt3A_764, %broadcast_in_dim3A_766, %select_n3A_675 : vector<8x128xi1>, vector<8x128xi32>
      %sub3A_768 = arith.subf %get3A_8, %broadcast_in_dim3A_754 : vector<8x128xf32>
      %sub3A_769 = arith.subf %get3A_28, %broadcast_in_dim3A_758 : vector<8x128xf32>
      %mul3A_770 = arith.mulf %sub3A_768, %sub3A_768 : vector<8x128xf32>
      %mul3A_771 = arith.mulf %sub3A_769, %sub3A_769 : vector<8x128xf32>
      %add3A_772 = arith.addf %mul3A_770, %mul3A_771 : vector<8x128xf32>
      %lt3A_773 = arith.cmpf olt, %add3A_772, %select_n3A_682 : vector<8x128xf32>
      %select_n3A_774 = arith.select %lt3A_773, %add3A_772, %select_n3A_682 : vector<8x128xi1>, vector<8x128xf32>
      %broadcast_in_dim3A_775 = vector.broadcast %add3A_750 : i32 to vector<8x128xi32>
      %select_n3A_776 = arith.select %lt3A_773, %broadcast_in_dim3A_775, %select_n3A_684 : vector<8x128xi1>, vector<8x128xi32>
      %sub3A_777 = arith.subf %get3A_13, %broadcast_in_dim3A_754 : vector<8x128xf32>
      %sub3A_778 = arith.subf %get3A_33, %broadcast_in_dim3A_758 : vector<8x128xf32>
      %mul3A_779 = arith.mulf %sub3A_777, %sub3A_777 : vector<8x128xf32>
      %mul3A_780 = arith.mulf %sub3A_778, %sub3A_778 : vector<8x128xf32>
      %add3A_781 = arith.addf %mul3A_779, %mul3A_780 : vector<8x128xf32>
      %lt3A_782 = arith.cmpf olt, %add3A_781, %select_n3A_691 : vector<8x128xf32>
      %select_n3A_783 = arith.select %lt3A_782, %add3A_781, %select_n3A_691 : vector<8x128xi1>, vector<8x128xf32>
      %broadcast_in_dim3A_784 = vector.broadcast %add3A_750 : i32 to vector<8x128xi32>
      %select_n3A_785 = arith.select %lt3A_782, %broadcast_in_dim3A_784, %select_n3A_693 : vector<8x128xi1>, vector<8x128xi32>
      %sub3A_786 = arith.subf %get3A_18, %broadcast_in_dim3A_754 : vector<8x128xf32>
      %sub3A_787 = arith.subf %get3A_38, %broadcast_in_dim3A_758 : vector<8x128xf32>
      %mul3A_788 = arith.mulf %sub3A_786, %sub3A_786 : vector<8x128xf32>
      %mul3A_789 = arith.mulf %sub3A_787, %sub3A_787 : vector<8x128xf32>
      %add3A_790 = arith.addf %mul3A_788, %mul3A_789 : vector<8x128xf32>
      %lt3A_791 = arith.cmpf olt, %add3A_790, %select_n3A_700 : vector<8x128xf32>
      %select_n3A_792 = arith.select %lt3A_791, %add3A_790, %select_n3A_700 : vector<8x128xi1>, vector<8x128xf32>
      %broadcast_in_dim3A_793 = vector.broadcast %add3A_750 : i32 to vector<8x128xi32>
      %select_n3A_794 = arith.select %lt3A_791, %broadcast_in_dim3A_793, %select_n3A_702 : vector<8x128xi1>, vector<8x128xi32>
      %add3A_795 = arith.constant 15 : i32
      %add3A_796 = arith.addi %mul3A_106, %add3A_795 : i32
      %get3A_797 = arith.constant 0 : index
      %get3A_798 = arith.index_cast %add3A_796 : i32 to index
      %get3A_799 = memref.load %arg2[%get3A_797, %get3A_798] : memref<2x4096xf32, #tpu.memory_space<smem>>
      %broadcast_in_dim3A_800 = vector.broadcast %get3A_799 : f32 to vector<8x128xf32>
      %get3A_801 = arith.constant 1 : index
      %get3A_802 = arith.index_cast %add3A_796 : i32 to index
      %get3A_803 = memref.load %arg2[%get3A_801, %get3A_802] : memref<2x4096xf32, #tpu.memory_space<smem>>
      %broadcast_in_dim3A_804 = vector.broadcast %get3A_803 : f32 to vector<8x128xf32>
      %sub3A_805 = arith.subf %get3A_3, %broadcast_in_dim3A_800 : vector<8x128xf32>
      %sub3A_806 = arith.subf %get3A_23, %broadcast_in_dim3A_804 : vector<8x128xf32>
      %mul3A_807 = arith.mulf %sub3A_805, %sub3A_805 : vector<8x128xf32>
      %mul3A_808 = arith.mulf %sub3A_806, %sub3A_806 : vector<8x128xf32>
      %add3A_809 = arith.addf %mul3A_807, %mul3A_808 : vector<8x128xf32>
      %lt3A_810 = arith.cmpf olt, %add3A_809, %select_n3A_719 : vector<8x128xf32>
      %select_n3A_811 = arith.select %lt3A_810, %add3A_809, %select_n3A_719 : vector<8x128xi1>, vector<8x128xf32>
      %broadcast_in_dim3A_812 = vector.broadcast %add3A_796 : i32 to vector<8x128xi32>
      %select_n3A_813 = arith.select %lt3A_810, %broadcast_in_dim3A_812, %select_n3A_721 : vector<8x128xi1>, vector<8x128xi32>
      %sub3A_814 = arith.subf %get3A_8, %broadcast_in_dim3A_800 : vector<8x128xf32>
      %sub3A_815 = arith.subf %get3A_28, %broadcast_in_dim3A_804 : vector<8x128xf32>
      %mul3A_816 = arith.mulf %sub3A_814, %sub3A_814 : vector<8x128xf32>
      %mul3A_817 = arith.mulf %sub3A_815, %sub3A_815 : vector<8x128xf32>
      %add3A_818 = arith.addf %mul3A_816, %mul3A_817 : vector<8x128xf32>
      %lt3A_819 = arith.cmpf olt, %add3A_818, %select_n3A_728 : vector<8x128xf32>
      %select_n3A_820 = arith.select %lt3A_819, %add3A_818, %select_n3A_728 : vector<8x128xi1>, vector<8x128xf32>
      %broadcast_in_dim3A_821 = vector.broadcast %add3A_796 : i32 to vector<8x128xi32>
      %select_n3A_822 = arith.select %lt3A_819, %broadcast_in_dim3A_821, %select_n3A_730 : vector<8x128xi1>, vector<8x128xi32>
      %sub3A_823 = arith.subf %get3A_13, %broadcast_in_dim3A_800 : vector<8x128xf32>
      %sub3A_824 = arith.subf %get3A_33, %broadcast_in_dim3A_804 : vector<8x128xf32>
      %mul3A_825 = arith.mulf %sub3A_823, %sub3A_823 : vector<8x128xf32>
      %mul3A_826 = arith.mulf %sub3A_824, %sub3A_824 : vector<8x128xf32>
      %add3A_827 = arith.addf %mul3A_825, %mul3A_826 : vector<8x128xf32>
      %lt3A_828 = arith.cmpf olt, %add3A_827, %select_n3A_737 : vector<8x128xf32>
      %select_n3A_829 = arith.select %lt3A_828, %add3A_827, %select_n3A_737 : vector<8x128xi1>, vector<8x128xf32>
      %broadcast_in_dim3A_830 = vector.broadcast %add3A_796 : i32 to vector<8x128xi32>
      %select_n3A_831 = arith.select %lt3A_828, %broadcast_in_dim3A_830, %select_n3A_739 : vector<8x128xi1>, vector<8x128xi32>
      %sub3A_832 = arith.subf %get3A_18, %broadcast_in_dim3A_800 : vector<8x128xf32>
      %sub3A_833 = arith.subf %get3A_38, %broadcast_in_dim3A_804 : vector<8x128xf32>
      %mul3A_834 = arith.mulf %sub3A_832, %sub3A_832 : vector<8x128xf32>
      %mul3A_835 = arith.mulf %sub3A_833, %sub3A_833 : vector<8x128xf32>
      %add3A_836 = arith.addf %mul3A_834, %mul3A_835 : vector<8x128xf32>
      %lt3A_837 = arith.cmpf olt, %add3A_836, %select_n3A_746 : vector<8x128xf32>
      %select_n3A_838 = arith.select %lt3A_837, %add3A_836, %select_n3A_746 : vector<8x128xi1>, vector<8x128xf32>
      %broadcast_in_dim3A_839 = vector.broadcast %add3A_796 : i32 to vector<8x128xi32>
      %select_n3A_840 = arith.select %lt3A_837, %broadcast_in_dim3A_839, %select_n3A_748 : vector<8x128xi1>, vector<8x128xi32>
      %add3A_841 = arith.constant 16 : i32
      %add3A_842 = arith.addi %mul3A_106, %add3A_841 : i32
      %get3A_843 = arith.constant 0 : index
      %get3A_844 = arith.index_cast %add3A_842 : i32 to index
      %get3A_845 = memref.load %arg2[%get3A_843, %get3A_844] : memref<2x4096xf32, #tpu.memory_space<smem>>
      %broadcast_in_dim3A_846 = vector.broadcast %get3A_845 : f32 to vector<8x128xf32>
      %get3A_847 = arith.constant 1 : index
      %get3A_848 = arith.index_cast %add3A_842 : i32 to index
      %get3A_849 = memref.load %arg2[%get3A_847, %get3A_848] : memref<2x4096xf32, #tpu.memory_space<smem>>
      %broadcast_in_dim3A_850 = vector.broadcast %get3A_849 : f32 to vector<8x128xf32>
      %sub3A_851 = arith.subf %get3A_3, %broadcast_in_dim3A_846 : vector<8x128xf32>
      %sub3A_852 = arith.subf %get3A_23, %broadcast_in_dim3A_850 : vector<8x128xf32>
      %mul3A_853 = arith.mulf %sub3A_851, %sub3A_851 : vector<8x128xf32>
      %mul3A_854 = arith.mulf %sub3A_852, %sub3A_852 : vector<8x128xf32>
      %add3A_855 = arith.addf %mul3A_853, %mul3A_854 : vector<8x128xf32>
      %lt3A_856 = arith.cmpf olt, %add3A_855, %select_n3A_765 : vector<8x128xf32>
      %select_n3A_857 = arith.select %lt3A_856, %add3A_855, %select_n3A_765 : vector<8x128xi1>, vector<8x128xf32>
      %broadcast_in_dim3A_858 = vector.broadcast %add3A_842 : i32 to vector<8x128xi32>
      %select_n3A_859 = arith.select %lt3A_856, %broadcast_in_dim3A_858, %select_n3A_767 : vector<8x128xi1>, vector<8x128xi32>
      %sub3A_860 = arith.subf %get3A_8, %broadcast_in_dim3A_846 : vector<8x128xf32>
      %sub3A_861 = arith.subf %get3A_28, %broadcast_in_dim3A_850 : vector<8x128xf32>
      %mul3A_862 = arith.mulf %sub3A_860, %sub3A_860 : vector<8x128xf32>
      %mul3A_863 = arith.mulf %sub3A_861, %sub3A_861 : vector<8x128xf32>
      %add3A_864 = arith.addf %mul3A_862, %mul3A_863 : vector<8x128xf32>
      %lt3A_865 = arith.cmpf olt, %add3A_864, %select_n3A_774 : vector<8x128xf32>
      %select_n3A_866 = arith.select %lt3A_865, %add3A_864, %select_n3A_774 : vector<8x128xi1>, vector<8x128xf32>
      %broadcast_in_dim3A_867 = vector.broadcast %add3A_842 : i32 to vector<8x128xi32>
      %select_n3A_868 = arith.select %lt3A_865, %broadcast_in_dim3A_867, %select_n3A_776 : vector<8x128xi1>, vector<8x128xi32>
      %sub3A_869 = arith.subf %get3A_13, %broadcast_in_dim3A_846 : vector<8x128xf32>
      %sub3A_870 = arith.subf %get3A_33, %broadcast_in_dim3A_850 : vector<8x128xf32>
      %mul3A_871 = arith.mulf %sub3A_869, %sub3A_869 : vector<8x128xf32>
      %mul3A_872 = arith.mulf %sub3A_870, %sub3A_870 : vector<8x128xf32>
      %add3A_873 = arith.addf %mul3A_871, %mul3A_872 : vector<8x128xf32>
      %lt3A_874 = arith.cmpf olt, %add3A_873, %select_n3A_783 : vector<8x128xf32>
      %select_n3A_875 = arith.select %lt3A_874, %add3A_873, %select_n3A_783 : vector<8x128xi1>, vector<8x128xf32>
      %broadcast_in_dim3A_876 = vector.broadcast %add3A_842 : i32 to vector<8x128xi32>
      %select_n3A_877 = arith.select %lt3A_874, %broadcast_in_dim3A_876, %select_n3A_785 : vector<8x128xi1>, vector<8x128xi32>
      %sub3A_878 = arith.subf %get3A_18, %broadcast_in_dim3A_846 : vector<8x128xf32>
      %sub3A_879 = arith.subf %get3A_38, %broadcast_in_dim3A_850 : vector<8x128xf32>
      %mul3A_880 = arith.mulf %sub3A_878, %sub3A_878 : vector<8x128xf32>
      %mul3A_881 = arith.mulf %sub3A_879, %sub3A_879 : vector<8x128xf32>
      %add3A_882 = arith.addf %mul3A_880, %mul3A_881 : vector<8x128xf32>
      %lt3A_883 = arith.cmpf olt, %add3A_882, %select_n3A_792 : vector<8x128xf32>
      %select_n3A_884 = arith.select %lt3A_883, %add3A_882, %select_n3A_792 : vector<8x128xi1>, vector<8x128xf32>
      %broadcast_in_dim3A_885 = vector.broadcast %add3A_842 : i32 to vector<8x128xi32>
      %select_n3A_886 = arith.select %lt3A_883, %broadcast_in_dim3A_885, %select_n3A_794 : vector<8x128xi1>, vector<8x128xi32>
      %add3A_887 = arith.constant 17 : i32
      %add3A_888 = arith.addi %mul3A_106, %add3A_887 : i32
      %get3A_889 = arith.constant 0 : index
      %get3A_890 = arith.index_cast %add3A_888 : i32 to index
      %get3A_891 = memref.load %arg2[%get3A_889, %get3A_890] : memref<2x4096xf32, #tpu.memory_space<smem>>
      %broadcast_in_dim3A_892 = vector.broadcast %get3A_891 : f32 to vector<8x128xf32>
      %get3A_893 = arith.constant 1 : index
      %get3A_894 = arith.index_cast %add3A_888 : i32 to index
      %get3A_895 = memref.load %arg2[%get3A_893, %get3A_894] : memref<2x4096xf32, #tpu.memory_space<smem>>
      %broadcast_in_dim3A_896 = vector.broadcast %get3A_895 : f32 to vector<8x128xf32>
      %sub3A_897 = arith.subf %get3A_3, %broadcast_in_dim3A_892 : vector<8x128xf32>
      %sub3A_898 = arith.subf %get3A_23, %broadcast_in_dim3A_896 : vector<8x128xf32>
      %mul3A_899 = arith.mulf %sub3A_897, %sub3A_897 : vector<8x128xf32>
      %mul3A_900 = arith.mulf %sub3A_898, %sub3A_898 : vector<8x128xf32>
      %add3A_901 = arith.addf %mul3A_899, %mul3A_900 : vector<8x128xf32>
      %lt3A_902 = arith.cmpf olt, %add3A_901, %select_n3A_811 : vector<8x128xf32>
      %select_n3A_903 = arith.select %lt3A_902, %add3A_901, %select_n3A_811 : vector<8x128xi1>, vector<8x128xf32>
      %broadcast_in_dim3A_904 = vector.broadcast %add3A_888 : i32 to vector<8x128xi32>
      %select_n3A_905 = arith.select %lt3A_902, %broadcast_in_dim3A_904, %select_n3A_813 : vector<8x128xi1>, vector<8x128xi32>
      %sub3A_906 = arith.subf %get3A_8, %broadcast_in_dim3A_892 : vector<8x128xf32>
      %sub3A_907 = arith.subf %get3A_28, %broadcast_in_dim3A_896 : vector<8x128xf32>
      %mul3A_908 = arith.mulf %sub3A_906, %sub3A_906 : vector<8x128xf32>
      %mul3A_909 = arith.mulf %sub3A_907, %sub3A_907 : vector<8x128xf32>
      %add3A_910 = arith.addf %mul3A_908, %mul3A_909 : vector<8x128xf32>
      %lt3A_911 = arith.cmpf olt, %add3A_910, %select_n3A_820 : vector<8x128xf32>
      %select_n3A_912 = arith.select %lt3A_911, %add3A_910, %select_n3A_820 : vector<8x128xi1>, vector<8x128xf32>
      %broadcast_in_dim3A_913 = vector.broadcast %add3A_888 : i32 to vector<8x128xi32>
      %select_n3A_914 = arith.select %lt3A_911, %broadcast_in_dim3A_913, %select_n3A_822 : vector<8x128xi1>, vector<8x128xi32>
      %sub3A_915 = arith.subf %get3A_13, %broadcast_in_dim3A_892 : vector<8x128xf32>
      %sub3A_916 = arith.subf %get3A_33, %broadcast_in_dim3A_896 : vector<8x128xf32>
      %mul3A_917 = arith.mulf %sub3A_915, %sub3A_915 : vector<8x128xf32>
      %mul3A_918 = arith.mulf %sub3A_916, %sub3A_916 : vector<8x128xf32>
      %add3A_919 = arith.addf %mul3A_917, %mul3A_918 : vector<8x128xf32>
      %lt3A_920 = arith.cmpf olt, %add3A_919, %select_n3A_829 : vector<8x128xf32>
      %select_n3A_921 = arith.select %lt3A_920, %add3A_919, %select_n3A_829 : vector<8x128xi1>, vector<8x128xf32>
      %broadcast_in_dim3A_922 = vector.broadcast %add3A_888 : i32 to vector<8x128xi32>
      %select_n3A_923 = arith.select %lt3A_920, %broadcast_in_dim3A_922, %select_n3A_831 : vector<8x128xi1>, vector<8x128xi32>
      %sub3A_924 = arith.subf %get3A_18, %broadcast_in_dim3A_892 : vector<8x128xf32>
      %sub3A_925 = arith.subf %get3A_38, %broadcast_in_dim3A_896 : vector<8x128xf32>
      %mul3A_926 = arith.mulf %sub3A_924, %sub3A_924 : vector<8x128xf32>
      %mul3A_927 = arith.mulf %sub3A_925, %sub3A_925 : vector<8x128xf32>
      %add3A_928 = arith.addf %mul3A_926, %mul3A_927 : vector<8x128xf32>
      %lt3A_929 = arith.cmpf olt, %add3A_928, %select_n3A_838 : vector<8x128xf32>
      %select_n3A_930 = arith.select %lt3A_929, %add3A_928, %select_n3A_838 : vector<8x128xi1>, vector<8x128xf32>
      %broadcast_in_dim3A_931 = vector.broadcast %add3A_888 : i32 to vector<8x128xi32>
      %select_n3A_932 = arith.select %lt3A_929, %broadcast_in_dim3A_931, %select_n3A_840 : vector<8x128xi1>, vector<8x128xi32>
      %add3A_933 = arith.constant 18 : i32
      %add3A_934 = arith.addi %mul3A_106, %add3A_933 : i32
      %get3A_935 = arith.constant 0 : index
      %get3A_936 = arith.index_cast %add3A_934 : i32 to index
      %get3A_937 = memref.load %arg2[%get3A_935, %get3A_936] : memref<2x4096xf32, #tpu.memory_space<smem>>
      %broadcast_in_dim3A_938 = vector.broadcast %get3A_937 : f32 to vector<8x128xf32>
      %get3A_939 = arith.constant 1 : index
      %get3A_940 = arith.index_cast %add3A_934 : i32 to index
      %get3A_941 = memref.load %arg2[%get3A_939, %get3A_940] : memref<2x4096xf32, #tpu.memory_space<smem>>
      %broadcast_in_dim3A_942 = vector.broadcast %get3A_941 : f32 to vector<8x128xf32>
      %sub3A_943 = arith.subf %get3A_3, %broadcast_in_dim3A_938 : vector<8x128xf32>
      %sub3A_944 = arith.subf %get3A_23, %broadcast_in_dim3A_942 : vector<8x128xf32>
      %mul3A_945 = arith.mulf %sub3A_943, %sub3A_943 : vector<8x128xf32>
      %mul3A_946 = arith.mulf %sub3A_944, %sub3A_944 : vector<8x128xf32>
      %add3A_947 = arith.addf %mul3A_945, %mul3A_946 : vector<8x128xf32>
      %lt3A_948 = arith.cmpf olt, %add3A_947, %select_n3A_857 : vector<8x128xf32>
      %select_n3A_949 = arith.select %lt3A_948, %add3A_947, %select_n3A_857 : vector<8x128xi1>, vector<8x128xf32>
      %broadcast_in_dim3A_950 = vector.broadcast %add3A_934 : i32 to vector<8x128xi32>
      %select_n3A_951 = arith.select %lt3A_948, %broadcast_in_dim3A_950, %select_n3A_859 : vector<8x128xi1>, vector<8x128xi32>
      %sub3A_952 = arith.subf %get3A_8, %broadcast_in_dim3A_938 : vector<8x128xf32>
      %sub3A_953 = arith.subf %get3A_28, %broadcast_in_dim3A_942 : vector<8x128xf32>
      %mul3A_954 = arith.mulf %sub3A_952, %sub3A_952 : vector<8x128xf32>
      %mul3A_955 = arith.mulf %sub3A_953, %sub3A_953 : vector<8x128xf32>
      %add3A_956 = arith.addf %mul3A_954, %mul3A_955 : vector<8x128xf32>
      %lt3A_957 = arith.cmpf olt, %add3A_956, %select_n3A_866 : vector<8x128xf32>
      %select_n3A_958 = arith.select %lt3A_957, %add3A_956, %select_n3A_866 : vector<8x128xi1>, vector<8x128xf32>
      %broadcast_in_dim3A_959 = vector.broadcast %add3A_934 : i32 to vector<8x128xi32>
      %select_n3A_960 = arith.select %lt3A_957, %broadcast_in_dim3A_959, %select_n3A_868 : vector<8x128xi1>, vector<8x128xi32>
      %sub3A_961 = arith.subf %get3A_13, %broadcast_in_dim3A_938 : vector<8x128xf32>
      %sub3A_962 = arith.subf %get3A_33, %broadcast_in_dim3A_942 : vector<8x128xf32>
      %mul3A_963 = arith.mulf %sub3A_961, %sub3A_961 : vector<8x128xf32>
      %mul3A_964 = arith.mulf %sub3A_962, %sub3A_962 : vector<8x128xf32>
      %add3A_965 = arith.addf %mul3A_963, %mul3A_964 : vector<8x128xf32>
      %lt3A_966 = arith.cmpf olt, %add3A_965, %select_n3A_875 : vector<8x128xf32>
      %select_n3A_967 = arith.select %lt3A_966, %add3A_965, %select_n3A_875 : vector<8x128xi1>, vector<8x128xf32>
      %broadcast_in_dim3A_968 = vector.broadcast %add3A_934 : i32 to vector<8x128xi32>
      %select_n3A_969 = arith.select %lt3A_966, %broadcast_in_dim3A_968, %select_n3A_877 : vector<8x128xi1>, vector<8x128xi32>
      %sub3A_970 = arith.subf %get3A_18, %broadcast_in_dim3A_938 : vector<8x128xf32>
      %sub3A_971 = arith.subf %get3A_38, %broadcast_in_dim3A_942 : vector<8x128xf32>
      %mul3A_972 = arith.mulf %sub3A_970, %sub3A_970 : vector<8x128xf32>
      %mul3A_973 = arith.mulf %sub3A_971, %sub3A_971 : vector<8x128xf32>
      %add3A_974 = arith.addf %mul3A_972, %mul3A_973 : vector<8x128xf32>
      %lt3A_975 = arith.cmpf olt, %add3A_974, %select_n3A_884 : vector<8x128xf32>
      %select_n3A_976 = arith.select %lt3A_975, %add3A_974, %select_n3A_884 : vector<8x128xi1>, vector<8x128xf32>
      %broadcast_in_dim3A_977 = vector.broadcast %add3A_934 : i32 to vector<8x128xi32>
      %select_n3A_978 = arith.select %lt3A_975, %broadcast_in_dim3A_977, %select_n3A_886 : vector<8x128xi1>, vector<8x128xi32>
      %add3A_979 = arith.constant 19 : i32
      %add3A_980 = arith.addi %mul3A_106, %add3A_979 : i32
      %get3A_981 = arith.constant 0 : index
      %get3A_982 = arith.index_cast %add3A_980 : i32 to index
      %get3A_983 = memref.load %arg2[%get3A_981, %get3A_982] : memref<2x4096xf32, #tpu.memory_space<smem>>
      %broadcast_in_dim3A_984 = vector.broadcast %get3A_983 : f32 to vector<8x128xf32>
      %get3A_985 = arith.constant 1 : index
      %get3A_986 = arith.index_cast %add3A_980 : i32 to index
      %get3A_987 = memref.load %arg2[%get3A_985, %get3A_986] : memref<2x4096xf32, #tpu.memory_space<smem>>
      %broadcast_in_dim3A_988 = vector.broadcast %get3A_987 : f32 to vector<8x128xf32>
      %sub3A_989 = arith.subf %get3A_3, %broadcast_in_dim3A_984 : vector<8x128xf32>
      %sub3A_990 = arith.subf %get3A_23, %broadcast_in_dim3A_988 : vector<8x128xf32>
      %mul3A_991 = arith.mulf %sub3A_989, %sub3A_989 : vector<8x128xf32>
      %mul3A_992 = arith.mulf %sub3A_990, %sub3A_990 : vector<8x128xf32>
      %add3A_993 = arith.addf %mul3A_991, %mul3A_992 : vector<8x128xf32>
      %lt3A_994 = arith.cmpf olt, %add3A_993, %select_n3A_903 : vector<8x128xf32>
      %select_n3A_995 = arith.select %lt3A_994, %add3A_993, %select_n3A_903 : vector<8x128xi1>, vector<8x128xf32>
      %broadcast_in_dim3A_996 = vector.broadcast %add3A_980 : i32 to vector<8x128xi32>
      %select_n3A_997 = arith.select %lt3A_994, %broadcast_in_dim3A_996, %select_n3A_905 : vector<8x128xi1>, vector<8x128xi32>
      %sub3A_998 = arith.subf %get3A_8, %broadcast_in_dim3A_984 : vector<8x128xf32>
      %sub3A_999 = arith.subf %get3A_28, %broadcast_in_dim3A_988 : vector<8x128xf32>
      %mul3A_1000 = arith.mulf %sub3A_998, %sub3A_998 : vector<8x128xf32>
      %mul3A_1001 = arith.mulf %sub3A_999, %sub3A_999 : vector<8x128xf32>
      %add3A_1002 = arith.addf %mul3A_1000, %mul3A_1001 : vector<8x128xf32>
      %lt3A_1003 = arith.cmpf olt, %add3A_1002, %select_n3A_912 : vector<8x128xf32>
      %select_n3A_1004 = arith.select %lt3A_1003, %add3A_1002, %select_n3A_912 : vector<8x128xi1>, vector<8x128xf32>
      %broadcast_in_dim3A_1005 = vector.broadcast %add3A_980 : i32 to vector<8x128xi32>
      %select_n3A_1006 = arith.select %lt3A_1003, %broadcast_in_dim3A_1005, %select_n3A_914 : vector<8x128xi1>, vector<8x128xi32>
      %sub3A_1007 = arith.subf %get3A_13, %broadcast_in_dim3A_984 : vector<8x128xf32>
      %sub3A_1008 = arith.subf %get3A_33, %broadcast_in_dim3A_988 : vector<8x128xf32>
      %mul3A_1009 = arith.mulf %sub3A_1007, %sub3A_1007 : vector<8x128xf32>
      %mul3A_1010 = arith.mulf %sub3A_1008, %sub3A_1008 : vector<8x128xf32>
      %add3A_1011 = arith.addf %mul3A_1009, %mul3A_1010 : vector<8x128xf32>
      %lt3A_1012 = arith.cmpf olt, %add3A_1011, %select_n3A_921 : vector<8x128xf32>
      %select_n3A_1013 = arith.select %lt3A_1012, %add3A_1011, %select_n3A_921 : vector<8x128xi1>, vector<8x128xf32>
      %broadcast_in_dim3A_1014 = vector.broadcast %add3A_980 : i32 to vector<8x128xi32>
      %select_n3A_1015 = arith.select %lt3A_1012, %broadcast_in_dim3A_1014, %select_n3A_923 : vector<8x128xi1>, vector<8x128xi32>
      %sub3A_1016 = arith.subf %get3A_18, %broadcast_in_dim3A_984 : vector<8x128xf32>
      %sub3A_1017 = arith.subf %get3A_38, %broadcast_in_dim3A_988 : vector<8x128xf32>
      %mul3A_1018 = arith.mulf %sub3A_1016, %sub3A_1016 : vector<8x128xf32>
      %mul3A_1019 = arith.mulf %sub3A_1017, %sub3A_1017 : vector<8x128xf32>
      %add3A_1020 = arith.addf %mul3A_1018, %mul3A_1019 : vector<8x128xf32>
      %lt3A_1021 = arith.cmpf olt, %add3A_1020, %select_n3A_930 : vector<8x128xf32>
      %select_n3A_1022 = arith.select %lt3A_1021, %add3A_1020, %select_n3A_930 : vector<8x128xi1>, vector<8x128xf32>
      %broadcast_in_dim3A_1023 = vector.broadcast %add3A_980 : i32 to vector<8x128xi32>
      %select_n3A_1024 = arith.select %lt3A_1021, %broadcast_in_dim3A_1023, %select_n3A_932 : vector<8x128xi1>, vector<8x128xi32>
      %add3A_1025 = arith.constant 20 : i32
      %add3A_1026 = arith.addi %mul3A_106, %add3A_1025 : i32
      %get3A_1027 = arith.constant 0 : index
      %get3A_1028 = arith.index_cast %add3A_1026 : i32 to index
      %get3A_1029 = memref.load %arg2[%get3A_1027, %get3A_1028] : memref<2x4096xf32, #tpu.memory_space<smem>>
      %broadcast_in_dim3A_1030 = vector.broadcast %get3A_1029 : f32 to vector<8x128xf32>
      %get3A_1031 = arith.constant 1 : index
      %get3A_1032 = arith.index_cast %add3A_1026 : i32 to index
      %get3A_1033 = memref.load %arg2[%get3A_1031, %get3A_1032] : memref<2x4096xf32, #tpu.memory_space<smem>>
      %broadcast_in_dim3A_1034 = vector.broadcast %get3A_1033 : f32 to vector<8x128xf32>
      %sub3A_1035 = arith.subf %get3A_3, %broadcast_in_dim3A_1030 : vector<8x128xf32>
      %sub3A_1036 = arith.subf %get3A_23, %broadcast_in_dim3A_1034 : vector<8x128xf32>
      %mul3A_1037 = arith.mulf %sub3A_1035, %sub3A_1035 : vector<8x128xf32>
      %mul3A_1038 = arith.mulf %sub3A_1036, %sub3A_1036 : vector<8x128xf32>
      %add3A_1039 = arith.addf %mul3A_1037, %mul3A_1038 : vector<8x128xf32>
      %lt3A_1040 = arith.cmpf olt, %add3A_1039, %select_n3A_949 : vector<8x128xf32>
      %select_n3A_1041 = arith.select %lt3A_1040, %add3A_1039, %select_n3A_949 : vector<8x128xi1>, vector<8x128xf32>
      %broadcast_in_dim3A_1042 = vector.broadcast %add3A_1026 : i32 to vector<8x128xi32>
      %select_n3A_1043 = arith.select %lt3A_1040, %broadcast_in_dim3A_1042, %select_n3A_951 : vector<8x128xi1>, vector<8x128xi32>
      %sub3A_1044 = arith.subf %get3A_8, %broadcast_in_dim3A_1030 : vector<8x128xf32>
      %sub3A_1045 = arith.subf %get3A_28, %broadcast_in_dim3A_1034 : vector<8x128xf32>
      %mul3A_1046 = arith.mulf %sub3A_1044, %sub3A_1044 : vector<8x128xf32>
      %mul3A_1047 = arith.mulf %sub3A_1045, %sub3A_1045 : vector<8x128xf32>
      %add3A_1048 = arith.addf %mul3A_1046, %mul3A_1047 : vector<8x128xf32>
      %lt3A_1049 = arith.cmpf olt, %add3A_1048, %select_n3A_958 : vector<8x128xf32>
      %select_n3A_1050 = arith.select %lt3A_1049, %add3A_1048, %select_n3A_958 : vector<8x128xi1>, vector<8x128xf32>
      %broadcast_in_dim3A_1051 = vector.broadcast %add3A_1026 : i32 to vector<8x128xi32>
      %select_n3A_1052 = arith.select %lt3A_1049, %broadcast_in_dim3A_1051, %select_n3A_960 : vector<8x128xi1>, vector<8x128xi32>
      %sub3A_1053 = arith.subf %get3A_13, %broadcast_in_dim3A_1030 : vector<8x128xf32>
      %sub3A_1054 = arith.subf %get3A_33, %broadcast_in_dim3A_1034 : vector<8x128xf32>
      %mul3A_1055 = arith.mulf %sub3A_1053, %sub3A_1053 : vector<8x128xf32>
      %mul3A_1056 = arith.mulf %sub3A_1054, %sub3A_1054 : vector<8x128xf32>
      %add3A_1057 = arith.addf %mul3A_1055, %mul3A_1056 : vector<8x128xf32>
      %lt3A_1058 = arith.cmpf olt, %add3A_1057, %select_n3A_967 : vector<8x128xf32>
      %select_n3A_1059 = arith.select %lt3A_1058, %add3A_1057, %select_n3A_967 : vector<8x128xi1>, vector<8x128xf32>
      %broadcast_in_dim3A_1060 = vector.broadcast %add3A_1026 : i32 to vector<8x128xi32>
      %select_n3A_1061 = arith.select %lt3A_1058, %broadcast_in_dim3A_1060, %select_n3A_969 : vector<8x128xi1>, vector<8x128xi32>
      %sub3A_1062 = arith.subf %get3A_18, %broadcast_in_dim3A_1030 : vector<8x128xf32>
      %sub3A_1063 = arith.subf %get3A_38, %broadcast_in_dim3A_1034 : vector<8x128xf32>
      %mul3A_1064 = arith.mulf %sub3A_1062, %sub3A_1062 : vector<8x128xf32>
      %mul3A_1065 = arith.mulf %sub3A_1063, %sub3A_1063 : vector<8x128xf32>
      %add3A_1066 = arith.addf %mul3A_1064, %mul3A_1065 : vector<8x128xf32>
      %lt3A_1067 = arith.cmpf olt, %add3A_1066, %select_n3A_976 : vector<8x128xf32>
      %select_n3A_1068 = arith.select %lt3A_1067, %add3A_1066, %select_n3A_976 : vector<8x128xi1>, vector<8x128xf32>
      %broadcast_in_dim3A_1069 = vector.broadcast %add3A_1026 : i32 to vector<8x128xi32>
      %select_n3A_1070 = arith.select %lt3A_1067, %broadcast_in_dim3A_1069, %select_n3A_978 : vector<8x128xi1>, vector<8x128xi32>
      %add3A_1071 = arith.constant 21 : i32
      %add3A_1072 = arith.addi %mul3A_106, %add3A_1071 : i32
      %get3A_1073 = arith.constant 0 : index
      %get3A_1074 = arith.index_cast %add3A_1072 : i32 to index
      %get3A_1075 = memref.load %arg2[%get3A_1073, %get3A_1074] : memref<2x4096xf32, #tpu.memory_space<smem>>
      %broadcast_in_dim3A_1076 = vector.broadcast %get3A_1075 : f32 to vector<8x128xf32>
      %get3A_1077 = arith.constant 1 : index
      %get3A_1078 = arith.index_cast %add3A_1072 : i32 to index
      %get3A_1079 = memref.load %arg2[%get3A_1077, %get3A_1078] : memref<2x4096xf32, #tpu.memory_space<smem>>
      %broadcast_in_dim3A_1080 = vector.broadcast %get3A_1079 : f32 to vector<8x128xf32>
      %sub3A_1081 = arith.subf %get3A_3, %broadcast_in_dim3A_1076 : vector<8x128xf32>
      %sub3A_1082 = arith.subf %get3A_23, %broadcast_in_dim3A_1080 : vector<8x128xf32>
      %mul3A_1083 = arith.mulf %sub3A_1081, %sub3A_1081 : vector<8x128xf32>
      %mul3A_1084 = arith.mulf %sub3A_1082, %sub3A_1082 : vector<8x128xf32>
      %add3A_1085 = arith.addf %mul3A_1083, %mul3A_1084 : vector<8x128xf32>
      %lt3A_1086 = arith.cmpf olt, %add3A_1085, %select_n3A_995 : vector<8x128xf32>
      %select_n3A_1087 = arith.select %lt3A_1086, %add3A_1085, %select_n3A_995 : vector<8x128xi1>, vector<8x128xf32>
      %broadcast_in_dim3A_1088 = vector.broadcast %add3A_1072 : i32 to vector<8x128xi32>
      %select_n3A_1089 = arith.select %lt3A_1086, %broadcast_in_dim3A_1088, %select_n3A_997 : vector<8x128xi1>, vector<8x128xi32>
      %sub3A_1090 = arith.subf %get3A_8, %broadcast_in_dim3A_1076 : vector<8x128xf32>
      %sub3A_1091 = arith.subf %get3A_28, %broadcast_in_dim3A_1080 : vector<8x128xf32>
      %mul3A_1092 = arith.mulf %sub3A_1090, %sub3A_1090 : vector<8x128xf32>
      %mul3A_1093 = arith.mulf %sub3A_1091, %sub3A_1091 : vector<8x128xf32>
      %add3A_1094 = arith.addf %mul3A_1092, %mul3A_1093 : vector<8x128xf32>
      %lt3A_1095 = arith.cmpf olt, %add3A_1094, %select_n3A_1004 : vector<8x128xf32>
      %select_n3A_1096 = arith.select %lt3A_1095, %add3A_1094, %select_n3A_1004 : vector<8x128xi1>, vector<8x128xf32>
      %broadcast_in_dim3A_1097 = vector.broadcast %add3A_1072 : i32 to vector<8x128xi32>
      %select_n3A_1098 = arith.select %lt3A_1095, %broadcast_in_dim3A_1097, %select_n3A_1006 : vector<8x128xi1>, vector<8x128xi32>
      %sub3A_1099 = arith.subf %get3A_13, %broadcast_in_dim3A_1076 : vector<8x128xf32>
      %sub3A_1100 = arith.subf %get3A_33, %broadcast_in_dim3A_1080 : vector<8x128xf32>
      %mul3A_1101 = arith.mulf %sub3A_1099, %sub3A_1099 : vector<8x128xf32>
      %mul3A_1102 = arith.mulf %sub3A_1100, %sub3A_1100 : vector<8x128xf32>
      %add3A_1103 = arith.addf %mul3A_1101, %mul3A_1102 : vector<8x128xf32>
      %lt3A_1104 = arith.cmpf olt, %add3A_1103, %select_n3A_1013 : vector<8x128xf32>
      %select_n3A_1105 = arith.select %lt3A_1104, %add3A_1103, %select_n3A_1013 : vector<8x128xi1>, vector<8x128xf32>
      %broadcast_in_dim3A_1106 = vector.broadcast %add3A_1072 : i32 to vector<8x128xi32>
      %select_n3A_1107 = arith.select %lt3A_1104, %broadcast_in_dim3A_1106, %select_n3A_1015 : vector<8x128xi1>, vector<8x128xi32>
      %sub3A_1108 = arith.subf %get3A_18, %broadcast_in_dim3A_1076 : vector<8x128xf32>
      %sub3A_1109 = arith.subf %get3A_38, %broadcast_in_dim3A_1080 : vector<8x128xf32>
      %mul3A_1110 = arith.mulf %sub3A_1108, %sub3A_1108 : vector<8x128xf32>
      %mul3A_1111 = arith.mulf %sub3A_1109, %sub3A_1109 : vector<8x128xf32>
      %add3A_1112 = arith.addf %mul3A_1110, %mul3A_1111 : vector<8x128xf32>
      %lt3A_1113 = arith.cmpf olt, %add3A_1112, %select_n3A_1022 : vector<8x128xf32>
      %select_n3A_1114 = arith.select %lt3A_1113, %add3A_1112, %select_n3A_1022 : vector<8x128xi1>, vector<8x128xf32>
      %broadcast_in_dim3A_1115 = vector.broadcast %add3A_1072 : i32 to vector<8x128xi32>
      %select_n3A_1116 = arith.select %lt3A_1113, %broadcast_in_dim3A_1115, %select_n3A_1024 : vector<8x128xi1>, vector<8x128xi32>
      %add3A_1117 = arith.constant 22 : i32
      %add3A_1118 = arith.addi %mul3A_106, %add3A_1117 : i32
      %get3A_1119 = arith.constant 0 : index
      %get3A_1120 = arith.index_cast %add3A_1118 : i32 to index
      %get3A_1121 = memref.load %arg2[%get3A_1119, %get3A_1120] : memref<2x4096xf32, #tpu.memory_space<smem>>
      %broadcast_in_dim3A_1122 = vector.broadcast %get3A_1121 : f32 to vector<8x128xf32>
      %get3A_1123 = arith.constant 1 : index
      %get3A_1124 = arith.index_cast %add3A_1118 : i32 to index
      %get3A_1125 = memref.load %arg2[%get3A_1123, %get3A_1124] : memref<2x4096xf32, #tpu.memory_space<smem>>
      %broadcast_in_dim3A_1126 = vector.broadcast %get3A_1125 : f32 to vector<8x128xf32>
      %sub3A_1127 = arith.subf %get3A_3, %broadcast_in_dim3A_1122 : vector<8x128xf32>
      %sub3A_1128 = arith.subf %get3A_23, %broadcast_in_dim3A_1126 : vector<8x128xf32>
      %mul3A_1129 = arith.mulf %sub3A_1127, %sub3A_1127 : vector<8x128xf32>
      %mul3A_1130 = arith.mulf %sub3A_1128, %sub3A_1128 : vector<8x128xf32>
      %add3A_1131 = arith.addf %mul3A_1129, %mul3A_1130 : vector<8x128xf32>
      %lt3A_1132 = arith.cmpf olt, %add3A_1131, %select_n3A_1041 : vector<8x128xf32>
      %select_n3A_1133 = arith.select %lt3A_1132, %add3A_1131, %select_n3A_1041 : vector<8x128xi1>, vector<8x128xf32>
      %broadcast_in_dim3A_1134 = vector.broadcast %add3A_1118 : i32 to vector<8x128xi32>
      %select_n3A_1135 = arith.select %lt3A_1132, %broadcast_in_dim3A_1134, %select_n3A_1043 : vector<8x128xi1>, vector<8x128xi32>
      %sub3A_1136 = arith.subf %get3A_8, %broadcast_in_dim3A_1122 : vector<8x128xf32>
      %sub3A_1137 = arith.subf %get3A_28, %broadcast_in_dim3A_1126 : vector<8x128xf32>
      %mul3A_1138 = arith.mulf %sub3A_1136, %sub3A_1136 : vector<8x128xf32>
      %mul3A_1139 = arith.mulf %sub3A_1137, %sub3A_1137 : vector<8x128xf32>
      %add3A_1140 = arith.addf %mul3A_1138, %mul3A_1139 : vector<8x128xf32>
      %lt3A_1141 = arith.cmpf olt, %add3A_1140, %select_n3A_1050 : vector<8x128xf32>
      %select_n3A_1142 = arith.select %lt3A_1141, %add3A_1140, %select_n3A_1050 : vector<8x128xi1>, vector<8x128xf32>
      %broadcast_in_dim3A_1143 = vector.broadcast %add3A_1118 : i32 to vector<8x128xi32>
      %select_n3A_1144 = arith.select %lt3A_1141, %broadcast_in_dim3A_1143, %select_n3A_1052 : vector<8x128xi1>, vector<8x128xi32>
      %sub3A_1145 = arith.subf %get3A_13, %broadcast_in_dim3A_1122 : vector<8x128xf32>
      %sub3A_1146 = arith.subf %get3A_33, %broadcast_in_dim3A_1126 : vector<8x128xf32>
      %mul3A_1147 = arith.mulf %sub3A_1145, %sub3A_1145 : vector<8x128xf32>
      %mul3A_1148 = arith.mulf %sub3A_1146, %sub3A_1146 : vector<8x128xf32>
      %add3A_1149 = arith.addf %mul3A_1147, %mul3A_1148 : vector<8x128xf32>
      %lt3A_1150 = arith.cmpf olt, %add3A_1149, %select_n3A_1059 : vector<8x128xf32>
      %select_n3A_1151 = arith.select %lt3A_1150, %add3A_1149, %select_n3A_1059 : vector<8x128xi1>, vector<8x128xf32>
      %broadcast_in_dim3A_1152 = vector.broadcast %add3A_1118 : i32 to vector<8x128xi32>
      %select_n3A_1153 = arith.select %lt3A_1150, %broadcast_in_dim3A_1152, %select_n3A_1061 : vector<8x128xi1>, vector<8x128xi32>
      %sub3A_1154 = arith.subf %get3A_18, %broadcast_in_dim3A_1122 : vector<8x128xf32>
      %sub3A_1155 = arith.subf %get3A_38, %broadcast_in_dim3A_1126 : vector<8x128xf32>
      %mul3A_1156 = arith.mulf %sub3A_1154, %sub3A_1154 : vector<8x128xf32>
      %mul3A_1157 = arith.mulf %sub3A_1155, %sub3A_1155 : vector<8x128xf32>
      %add3A_1158 = arith.addf %mul3A_1156, %mul3A_1157 : vector<8x128xf32>
      %lt3A_1159 = arith.cmpf olt, %add3A_1158, %select_n3A_1068 : vector<8x128xf32>
      %select_n3A_1160 = arith.select %lt3A_1159, %add3A_1158, %select_n3A_1068 : vector<8x128xi1>, vector<8x128xf32>
      %broadcast_in_dim3A_1161 = vector.broadcast %add3A_1118 : i32 to vector<8x128xi32>
      %select_n3A_1162 = arith.select %lt3A_1159, %broadcast_in_dim3A_1161, %select_n3A_1070 : vector<8x128xi1>, vector<8x128xi32>
      %add3A_1163 = arith.constant 23 : i32
      %add3A_1164 = arith.addi %mul3A_106, %add3A_1163 : i32
      %get3A_1165 = arith.constant 0 : index
      %get3A_1166 = arith.index_cast %add3A_1164 : i32 to index
      %get3A_1167 = memref.load %arg2[%get3A_1165, %get3A_1166] : memref<2x4096xf32, #tpu.memory_space<smem>>
      %broadcast_in_dim3A_1168 = vector.broadcast %get3A_1167 : f32 to vector<8x128xf32>
      %get3A_1169 = arith.constant 1 : index
      %get3A_1170 = arith.index_cast %add3A_1164 : i32 to index
      %get3A_1171 = memref.load %arg2[%get3A_1169, %get3A_1170] : memref<2x4096xf32, #tpu.memory_space<smem>>
      %broadcast_in_dim3A_1172 = vector.broadcast %get3A_1171 : f32 to vector<8x128xf32>
      %sub3A_1173 = arith.subf %get3A_3, %broadcast_in_dim3A_1168 : vector<8x128xf32>
      %sub3A_1174 = arith.subf %get3A_23, %broadcast_in_dim3A_1172 : vector<8x128xf32>
      %mul3A_1175 = arith.mulf %sub3A_1173, %sub3A_1173 : vector<8x128xf32>
      %mul3A_1176 = arith.mulf %sub3A_1174, %sub3A_1174 : vector<8x128xf32>
      %add3A_1177 = arith.addf %mul3A_1175, %mul3A_1176 : vector<8x128xf32>
      %lt3A_1178 = arith.cmpf olt, %add3A_1177, %select_n3A_1087 : vector<8x128xf32>
      %select_n3A_1179 = arith.select %lt3A_1178, %add3A_1177, %select_n3A_1087 : vector<8x128xi1>, vector<8x128xf32>
      %broadcast_in_dim3A_1180 = vector.broadcast %add3A_1164 : i32 to vector<8x128xi32>
      %select_n3A_1181 = arith.select %lt3A_1178, %broadcast_in_dim3A_1180, %select_n3A_1089 : vector<8x128xi1>, vector<8x128xi32>
      %sub3A_1182 = arith.subf %get3A_8, %broadcast_in_dim3A_1168 : vector<8x128xf32>
      %sub3A_1183 = arith.subf %get3A_28, %broadcast_in_dim3A_1172 : vector<8x128xf32>
      %mul3A_1184 = arith.mulf %sub3A_1182, %sub3A_1182 : vector<8x128xf32>
      %mul3A_1185 = arith.mulf %sub3A_1183, %sub3A_1183 : vector<8x128xf32>
      %add3A_1186 = arith.addf %mul3A_1184, %mul3A_1185 : vector<8x128xf32>
      %lt3A_1187 = arith.cmpf olt, %add3A_1186, %select_n3A_1096 : vector<8x128xf32>
      %select_n3A_1188 = arith.select %lt3A_1187, %add3A_1186, %select_n3A_1096 : vector<8x128xi1>, vector<8x128xf32>
      %broadcast_in_dim3A_1189 = vector.broadcast %add3A_1164 : i32 to vector<8x128xi32>
      %select_n3A_1190 = arith.select %lt3A_1187, %broadcast_in_dim3A_1189, %select_n3A_1098 : vector<8x128xi1>, vector<8x128xi32>
      %sub3A_1191 = arith.subf %get3A_13, %broadcast_in_dim3A_1168 : vector<8x128xf32>
      %sub3A_1192 = arith.subf %get3A_33, %broadcast_in_dim3A_1172 : vector<8x128xf32>
      %mul3A_1193 = arith.mulf %sub3A_1191, %sub3A_1191 : vector<8x128xf32>
      %mul3A_1194 = arith.mulf %sub3A_1192, %sub3A_1192 : vector<8x128xf32>
      %add3A_1195 = arith.addf %mul3A_1193, %mul3A_1194 : vector<8x128xf32>
      %lt3A_1196 = arith.cmpf olt, %add3A_1195, %select_n3A_1105 : vector<8x128xf32>
      %select_n3A_1197 = arith.select %lt3A_1196, %add3A_1195, %select_n3A_1105 : vector<8x128xi1>, vector<8x128xf32>
      %broadcast_in_dim3A_1198 = vector.broadcast %add3A_1164 : i32 to vector<8x128xi32>
      %select_n3A_1199 = arith.select %lt3A_1196, %broadcast_in_dim3A_1198, %select_n3A_1107 : vector<8x128xi1>, vector<8x128xi32>
      %sub3A_1200 = arith.subf %get3A_18, %broadcast_in_dim3A_1168 : vector<8x128xf32>
      %sub3A_1201 = arith.subf %get3A_38, %broadcast_in_dim3A_1172 : vector<8x128xf32>
      %mul3A_1202 = arith.mulf %sub3A_1200, %sub3A_1200 : vector<8x128xf32>
      %mul3A_1203 = arith.mulf %sub3A_1201, %sub3A_1201 : vector<8x128xf32>
      %add3A_1204 = arith.addf %mul3A_1202, %mul3A_1203 : vector<8x128xf32>
      %lt3A_1205 = arith.cmpf olt, %add3A_1204, %select_n3A_1114 : vector<8x128xf32>
      %select_n3A_1206 = arith.select %lt3A_1205, %add3A_1204, %select_n3A_1114 : vector<8x128xi1>, vector<8x128xf32>
      %broadcast_in_dim3A_1207 = vector.broadcast %add3A_1164 : i32 to vector<8x128xi32>
      %select_n3A_1208 = arith.select %lt3A_1205, %broadcast_in_dim3A_1207, %select_n3A_1116 : vector<8x128xi1>, vector<8x128xi32>
      %add3A_1209 = arith.constant 24 : i32
      %add3A_1210 = arith.addi %mul3A_106, %add3A_1209 : i32
      %get3A_1211 = arith.constant 0 : index
      %get3A_1212 = arith.index_cast %add3A_1210 : i32 to index
      %get3A_1213 = memref.load %arg2[%get3A_1211, %get3A_1212] : memref<2x4096xf32, #tpu.memory_space<smem>>
      %broadcast_in_dim3A_1214 = vector.broadcast %get3A_1213 : f32 to vector<8x128xf32>
      %get3A_1215 = arith.constant 1 : index
      %get3A_1216 = arith.index_cast %add3A_1210 : i32 to index
      %get3A_1217 = memref.load %arg2[%get3A_1215, %get3A_1216] : memref<2x4096xf32, #tpu.memory_space<smem>>
      %broadcast_in_dim3A_1218 = vector.broadcast %get3A_1217 : f32 to vector<8x128xf32>
      %sub3A_1219 = arith.subf %get3A_3, %broadcast_in_dim3A_1214 : vector<8x128xf32>
      %sub3A_1220 = arith.subf %get3A_23, %broadcast_in_dim3A_1218 : vector<8x128xf32>
      %mul3A_1221 = arith.mulf %sub3A_1219, %sub3A_1219 : vector<8x128xf32>
      %mul3A_1222 = arith.mulf %sub3A_1220, %sub3A_1220 : vector<8x128xf32>
      %add3A_1223 = arith.addf %mul3A_1221, %mul3A_1222 : vector<8x128xf32>
      %lt3A_1224 = arith.cmpf olt, %add3A_1223, %select_n3A_1133 : vector<8x128xf32>
      %select_n3A_1225 = arith.select %lt3A_1224, %add3A_1223, %select_n3A_1133 : vector<8x128xi1>, vector<8x128xf32>
      %broadcast_in_dim3A_1226 = vector.broadcast %add3A_1210 : i32 to vector<8x128xi32>
      %select_n3A_1227 = arith.select %lt3A_1224, %broadcast_in_dim3A_1226, %select_n3A_1135 : vector<8x128xi1>, vector<8x128xi32>
      %sub3A_1228 = arith.subf %get3A_8, %broadcast_in_dim3A_1214 : vector<8x128xf32>
      %sub3A_1229 = arith.subf %get3A_28, %broadcast_in_dim3A_1218 : vector<8x128xf32>
      %mul3A_1230 = arith.mulf %sub3A_1228, %sub3A_1228 : vector<8x128xf32>
      %mul3A_1231 = arith.mulf %sub3A_1229, %sub3A_1229 : vector<8x128xf32>
      %add3A_1232 = arith.addf %mul3A_1230, %mul3A_1231 : vector<8x128xf32>
      %lt3A_1233 = arith.cmpf olt, %add3A_1232, %select_n3A_1142 : vector<8x128xf32>
      %select_n3A_1234 = arith.select %lt3A_1233, %add3A_1232, %select_n3A_1142 : vector<8x128xi1>, vector<8x128xf32>
      %broadcast_in_dim3A_1235 = vector.broadcast %add3A_1210 : i32 to vector<8x128xi32>
      %select_n3A_1236 = arith.select %lt3A_1233, %broadcast_in_dim3A_1235, %select_n3A_1144 : vector<8x128xi1>, vector<8x128xi32>
      %sub3A_1237 = arith.subf %get3A_13, %broadcast_in_dim3A_1214 : vector<8x128xf32>
      %sub3A_1238 = arith.subf %get3A_33, %broadcast_in_dim3A_1218 : vector<8x128xf32>
      %mul3A_1239 = arith.mulf %sub3A_1237, %sub3A_1237 : vector<8x128xf32>
      %mul3A_1240 = arith.mulf %sub3A_1238, %sub3A_1238 : vector<8x128xf32>
      %add3A_1241 = arith.addf %mul3A_1239, %mul3A_1240 : vector<8x128xf32>
      %lt3A_1242 = arith.cmpf olt, %add3A_1241, %select_n3A_1151 : vector<8x128xf32>
      %select_n3A_1243 = arith.select %lt3A_1242, %add3A_1241, %select_n3A_1151 : vector<8x128xi1>, vector<8x128xf32>
      %broadcast_in_dim3A_1244 = vector.broadcast %add3A_1210 : i32 to vector<8x128xi32>
      %select_n3A_1245 = arith.select %lt3A_1242, %broadcast_in_dim3A_1244, %select_n3A_1153 : vector<8x128xi1>, vector<8x128xi32>
      %sub3A_1246 = arith.subf %get3A_18, %broadcast_in_dim3A_1214 : vector<8x128xf32>
      %sub3A_1247 = arith.subf %get3A_38, %broadcast_in_dim3A_1218 : vector<8x128xf32>
      %mul3A_1248 = arith.mulf %sub3A_1246, %sub3A_1246 : vector<8x128xf32>
      %mul3A_1249 = arith.mulf %sub3A_1247, %sub3A_1247 : vector<8x128xf32>
      %add3A_1250 = arith.addf %mul3A_1248, %mul3A_1249 : vector<8x128xf32>
      %lt3A_1251 = arith.cmpf olt, %add3A_1250, %select_n3A_1160 : vector<8x128xf32>
      %select_n3A_1252 = arith.select %lt3A_1251, %add3A_1250, %select_n3A_1160 : vector<8x128xi1>, vector<8x128xf32>
      %broadcast_in_dim3A_1253 = vector.broadcast %add3A_1210 : i32 to vector<8x128xi32>
      %select_n3A_1254 = arith.select %lt3A_1251, %broadcast_in_dim3A_1253, %select_n3A_1162 : vector<8x128xi1>, vector<8x128xi32>
      %add3A_1255 = arith.constant 25 : i32
      %add3A_1256 = arith.addi %mul3A_106, %add3A_1255 : i32
      %get3A_1257 = arith.constant 0 : index
      %get3A_1258 = arith.index_cast %add3A_1256 : i32 to index
      %get3A_1259 = memref.load %arg2[%get3A_1257, %get3A_1258] : memref<2x4096xf32, #tpu.memory_space<smem>>
      %broadcast_in_dim3A_1260 = vector.broadcast %get3A_1259 : f32 to vector<8x128xf32>
      %get3A_1261 = arith.constant 1 : index
      %get3A_1262 = arith.index_cast %add3A_1256 : i32 to index
      %get3A_1263 = memref.load %arg2[%get3A_1261, %get3A_1262] : memref<2x4096xf32, #tpu.memory_space<smem>>
      %broadcast_in_dim3A_1264 = vector.broadcast %get3A_1263 : f32 to vector<8x128xf32>
      %sub3A_1265 = arith.subf %get3A_3, %broadcast_in_dim3A_1260 : vector<8x128xf32>
      %sub3A_1266 = arith.subf %get3A_23, %broadcast_in_dim3A_1264 : vector<8x128xf32>
      %mul3A_1267 = arith.mulf %sub3A_1265, %sub3A_1265 : vector<8x128xf32>
      %mul3A_1268 = arith.mulf %sub3A_1266, %sub3A_1266 : vector<8x128xf32>
      %add3A_1269 = arith.addf %mul3A_1267, %mul3A_1268 : vector<8x128xf32>
      %lt3A_1270 = arith.cmpf olt, %add3A_1269, %select_n3A_1179 : vector<8x128xf32>
      %select_n3A_1271 = arith.select %lt3A_1270, %add3A_1269, %select_n3A_1179 : vector<8x128xi1>, vector<8x128xf32>
      %broadcast_in_dim3A_1272 = vector.broadcast %add3A_1256 : i32 to vector<8x128xi32>
      %select_n3A_1273 = arith.select %lt3A_1270, %broadcast_in_dim3A_1272, %select_n3A_1181 : vector<8x128xi1>, vector<8x128xi32>
      %sub3A_1274 = arith.subf %get3A_8, %broadcast_in_dim3A_1260 : vector<8x128xf32>
      %sub3A_1275 = arith.subf %get3A_28, %broadcast_in_dim3A_1264 : vector<8x128xf32>
      %mul3A_1276 = arith.mulf %sub3A_1274, %sub3A_1274 : vector<8x128xf32>
      %mul3A_1277 = arith.mulf %sub3A_1275, %sub3A_1275 : vector<8x128xf32>
      %add3A_1278 = arith.addf %mul3A_1276, %mul3A_1277 : vector<8x128xf32>
      %lt3A_1279 = arith.cmpf olt, %add3A_1278, %select_n3A_1188 : vector<8x128xf32>
      %select_n3A_1280 = arith.select %lt3A_1279, %add3A_1278, %select_n3A_1188 : vector<8x128xi1>, vector<8x128xf32>
      %broadcast_in_dim3A_1281 = vector.broadcast %add3A_1256 : i32 to vector<8x128xi32>
      %select_n3A_1282 = arith.select %lt3A_1279, %broadcast_in_dim3A_1281, %select_n3A_1190 : vector<8x128xi1>, vector<8x128xi32>
      %sub3A_1283 = arith.subf %get3A_13, %broadcast_in_dim3A_1260 : vector<8x128xf32>
      %sub3A_1284 = arith.subf %get3A_33, %broadcast_in_dim3A_1264 : vector<8x128xf32>
      %mul3A_1285 = arith.mulf %sub3A_1283, %sub3A_1283 : vector<8x128xf32>
      %mul3A_1286 = arith.mulf %sub3A_1284, %sub3A_1284 : vector<8x128xf32>
      %add3A_1287 = arith.addf %mul3A_1285, %mul3A_1286 : vector<8x128xf32>
      %lt3A_1288 = arith.cmpf olt, %add3A_1287, %select_n3A_1197 : vector<8x128xf32>
      %select_n3A_1289 = arith.select %lt3A_1288, %add3A_1287, %select_n3A_1197 : vector<8x128xi1>, vector<8x128xf32>
      %broadcast_in_dim3A_1290 = vector.broadcast %add3A_1256 : i32 to vector<8x128xi32>
      %select_n3A_1291 = arith.select %lt3A_1288, %broadcast_in_dim3A_1290, %select_n3A_1199 : vector<8x128xi1>, vector<8x128xi32>
      %sub3A_1292 = arith.subf %get3A_18, %broadcast_in_dim3A_1260 : vector<8x128xf32>
      %sub3A_1293 = arith.subf %get3A_38, %broadcast_in_dim3A_1264 : vector<8x128xf32>
      %mul3A_1294 = arith.mulf %sub3A_1292, %sub3A_1292 : vector<8x128xf32>
      %mul3A_1295 = arith.mulf %sub3A_1293, %sub3A_1293 : vector<8x128xf32>
      %add3A_1296 = arith.addf %mul3A_1294, %mul3A_1295 : vector<8x128xf32>
      %lt3A_1297 = arith.cmpf olt, %add3A_1296, %select_n3A_1206 : vector<8x128xf32>
      %select_n3A_1298 = arith.select %lt3A_1297, %add3A_1296, %select_n3A_1206 : vector<8x128xi1>, vector<8x128xf32>
      %broadcast_in_dim3A_1299 = vector.broadcast %add3A_1256 : i32 to vector<8x128xi32>
      %select_n3A_1300 = arith.select %lt3A_1297, %broadcast_in_dim3A_1299, %select_n3A_1208 : vector<8x128xi1>, vector<8x128xi32>
      %add3A_1301 = arith.constant 26 : i32
      %add3A_1302 = arith.addi %mul3A_106, %add3A_1301 : i32
      %get3A_1303 = arith.constant 0 : index
      %get3A_1304 = arith.index_cast %add3A_1302 : i32 to index
      %get3A_1305 = memref.load %arg2[%get3A_1303, %get3A_1304] : memref<2x4096xf32, #tpu.memory_space<smem>>
      %broadcast_in_dim3A_1306 = vector.broadcast %get3A_1305 : f32 to vector<8x128xf32>
      %get3A_1307 = arith.constant 1 : index
      %get3A_1308 = arith.index_cast %add3A_1302 : i32 to index
      %get3A_1309 = memref.load %arg2[%get3A_1307, %get3A_1308] : memref<2x4096xf32, #tpu.memory_space<smem>>
      %broadcast_in_dim3A_1310 = vector.broadcast %get3A_1309 : f32 to vector<8x128xf32>
      %sub3A_1311 = arith.subf %get3A_3, %broadcast_in_dim3A_1306 : vector<8x128xf32>
      %sub3A_1312 = arith.subf %get3A_23, %broadcast_in_dim3A_1310 : vector<8x128xf32>
      %mul3A_1313 = arith.mulf %sub3A_1311, %sub3A_1311 : vector<8x128xf32>
      %mul3A_1314 = arith.mulf %sub3A_1312, %sub3A_1312 : vector<8x128xf32>
      %add3A_1315 = arith.addf %mul3A_1313, %mul3A_1314 : vector<8x128xf32>
      %lt3A_1316 = arith.cmpf olt, %add3A_1315, %select_n3A_1225 : vector<8x128xf32>
      %select_n3A_1317 = arith.select %lt3A_1316, %add3A_1315, %select_n3A_1225 : vector<8x128xi1>, vector<8x128xf32>
      %broadcast_in_dim3A_1318 = vector.broadcast %add3A_1302 : i32 to vector<8x128xi32>
      %select_n3A_1319 = arith.select %lt3A_1316, %broadcast_in_dim3A_1318, %select_n3A_1227 : vector<8x128xi1>, vector<8x128xi32>
      %sub3A_1320 = arith.subf %get3A_8, %broadcast_in_dim3A_1306 : vector<8x128xf32>
      %sub3A_1321 = arith.subf %get3A_28, %broadcast_in_dim3A_1310 : vector<8x128xf32>
      %mul3A_1322 = arith.mulf %sub3A_1320, %sub3A_1320 : vector<8x128xf32>
      %mul3A_1323 = arith.mulf %sub3A_1321, %sub3A_1321 : vector<8x128xf32>
      %add3A_1324 = arith.addf %mul3A_1322, %mul3A_1323 : vector<8x128xf32>
      %lt3A_1325 = arith.cmpf olt, %add3A_1324, %select_n3A_1234 : vector<8x128xf32>
      %select_n3A_1326 = arith.select %lt3A_1325, %add3A_1324, %select_n3A_1234 : vector<8x128xi1>, vector<8x128xf32>
      %broadcast_in_dim3A_1327 = vector.broadcast %add3A_1302 : i32 to vector<8x128xi32>
      %select_n3A_1328 = arith.select %lt3A_1325, %broadcast_in_dim3A_1327, %select_n3A_1236 : vector<8x128xi1>, vector<8x128xi32>
      %sub3A_1329 = arith.subf %get3A_13, %broadcast_in_dim3A_1306 : vector<8x128xf32>
      %sub3A_1330 = arith.subf %get3A_33, %broadcast_in_dim3A_1310 : vector<8x128xf32>
      %mul3A_1331 = arith.mulf %sub3A_1329, %sub3A_1329 : vector<8x128xf32>
      %mul3A_1332 = arith.mulf %sub3A_1330, %sub3A_1330 : vector<8x128xf32>
      %add3A_1333 = arith.addf %mul3A_1331, %mul3A_1332 : vector<8x128xf32>
      %lt3A_1334 = arith.cmpf olt, %add3A_1333, %select_n3A_1243 : vector<8x128xf32>
      %select_n3A_1335 = arith.select %lt3A_1334, %add3A_1333, %select_n3A_1243 : vector<8x128xi1>, vector<8x128xf32>
      %broadcast_in_dim3A_1336 = vector.broadcast %add3A_1302 : i32 to vector<8x128xi32>
      %select_n3A_1337 = arith.select %lt3A_1334, %broadcast_in_dim3A_1336, %select_n3A_1245 : vector<8x128xi1>, vector<8x128xi32>
      %sub3A_1338 = arith.subf %get3A_18, %broadcast_in_dim3A_1306 : vector<8x128xf32>
      %sub3A_1339 = arith.subf %get3A_38, %broadcast_in_dim3A_1310 : vector<8x128xf32>
      %mul3A_1340 = arith.mulf %sub3A_1338, %sub3A_1338 : vector<8x128xf32>
      %mul3A_1341 = arith.mulf %sub3A_1339, %sub3A_1339 : vector<8x128xf32>
      %add3A_1342 = arith.addf %mul3A_1340, %mul3A_1341 : vector<8x128xf32>
      %lt3A_1343 = arith.cmpf olt, %add3A_1342, %select_n3A_1252 : vector<8x128xf32>
      %select_n3A_1344 = arith.select %lt3A_1343, %add3A_1342, %select_n3A_1252 : vector<8x128xi1>, vector<8x128xf32>
      %broadcast_in_dim3A_1345 = vector.broadcast %add3A_1302 : i32 to vector<8x128xi32>
      %select_n3A_1346 = arith.select %lt3A_1343, %broadcast_in_dim3A_1345, %select_n3A_1254 : vector<8x128xi1>, vector<8x128xi32>
      %add3A_1347 = arith.constant 27 : i32
      %add3A_1348 = arith.addi %mul3A_106, %add3A_1347 : i32
      %get3A_1349 = arith.constant 0 : index
      %get3A_1350 = arith.index_cast %add3A_1348 : i32 to index
      %get3A_1351 = memref.load %arg2[%get3A_1349, %get3A_1350] : memref<2x4096xf32, #tpu.memory_space<smem>>
      %broadcast_in_dim3A_1352 = vector.broadcast %get3A_1351 : f32 to vector<8x128xf32>
      %get3A_1353 = arith.constant 1 : index
      %get3A_1354 = arith.index_cast %add3A_1348 : i32 to index
      %get3A_1355 = memref.load %arg2[%get3A_1353, %get3A_1354] : memref<2x4096xf32, #tpu.memory_space<smem>>
      %broadcast_in_dim3A_1356 = vector.broadcast %get3A_1355 : f32 to vector<8x128xf32>
      %sub3A_1357 = arith.subf %get3A_3, %broadcast_in_dim3A_1352 : vector<8x128xf32>
      %sub3A_1358 = arith.subf %get3A_23, %broadcast_in_dim3A_1356 : vector<8x128xf32>
      %mul3A_1359 = arith.mulf %sub3A_1357, %sub3A_1357 : vector<8x128xf32>
      %mul3A_1360 = arith.mulf %sub3A_1358, %sub3A_1358 : vector<8x128xf32>
      %add3A_1361 = arith.addf %mul3A_1359, %mul3A_1360 : vector<8x128xf32>
      %lt3A_1362 = arith.cmpf olt, %add3A_1361, %select_n3A_1271 : vector<8x128xf32>
      %select_n3A_1363 = arith.select %lt3A_1362, %add3A_1361, %select_n3A_1271 : vector<8x128xi1>, vector<8x128xf32>
      %broadcast_in_dim3A_1364 = vector.broadcast %add3A_1348 : i32 to vector<8x128xi32>
      %select_n3A_1365 = arith.select %lt3A_1362, %broadcast_in_dim3A_1364, %select_n3A_1273 : vector<8x128xi1>, vector<8x128xi32>
      %sub3A_1366 = arith.subf %get3A_8, %broadcast_in_dim3A_1352 : vector<8x128xf32>
      %sub3A_1367 = arith.subf %get3A_28, %broadcast_in_dim3A_1356 : vector<8x128xf32>
      %mul3A_1368 = arith.mulf %sub3A_1366, %sub3A_1366 : vector<8x128xf32>
      %mul3A_1369 = arith.mulf %sub3A_1367, %sub3A_1367 : vector<8x128xf32>
      %add3A_1370 = arith.addf %mul3A_1368, %mul3A_1369 : vector<8x128xf32>
      %lt3A_1371 = arith.cmpf olt, %add3A_1370, %select_n3A_1280 : vector<8x128xf32>
      %select_n3A_1372 = arith.select %lt3A_1371, %add3A_1370, %select_n3A_1280 : vector<8x128xi1>, vector<8x128xf32>
      %broadcast_in_dim3A_1373 = vector.broadcast %add3A_1348 : i32 to vector<8x128xi32>
      %select_n3A_1374 = arith.select %lt3A_1371, %broadcast_in_dim3A_1373, %select_n3A_1282 : vector<8x128xi1>, vector<8x128xi32>
      %sub3A_1375 = arith.subf %get3A_13, %broadcast_in_dim3A_1352 : vector<8x128xf32>
      %sub3A_1376 = arith.subf %get3A_33, %broadcast_in_dim3A_1356 : vector<8x128xf32>
      %mul3A_1377 = arith.mulf %sub3A_1375, %sub3A_1375 : vector<8x128xf32>
      %mul3A_1378 = arith.mulf %sub3A_1376, %sub3A_1376 : vector<8x128xf32>
      %add3A_1379 = arith.addf %mul3A_1377, %mul3A_1378 : vector<8x128xf32>
      %lt3A_1380 = arith.cmpf olt, %add3A_1379, %select_n3A_1289 : vector<8x128xf32>
      %select_n3A_1381 = arith.select %lt3A_1380, %add3A_1379, %select_n3A_1289 : vector<8x128xi1>, vector<8x128xf32>
      %broadcast_in_dim3A_1382 = vector.broadcast %add3A_1348 : i32 to vector<8x128xi32>
      %select_n3A_1383 = arith.select %lt3A_1380, %broadcast_in_dim3A_1382, %select_n3A_1291 : vector<8x128xi1>, vector<8x128xi32>
      %sub3A_1384 = arith.subf %get3A_18, %broadcast_in_dim3A_1352 : vector<8x128xf32>
      %sub3A_1385 = arith.subf %get3A_38, %broadcast_in_dim3A_1356 : vector<8x128xf32>
      %mul3A_1386 = arith.mulf %sub3A_1384, %sub3A_1384 : vector<8x128xf32>
      %mul3A_1387 = arith.mulf %sub3A_1385, %sub3A_1385 : vector<8x128xf32>
      %add3A_1388 = arith.addf %mul3A_1386, %mul3A_1387 : vector<8x128xf32>
      %lt3A_1389 = arith.cmpf olt, %add3A_1388, %select_n3A_1298 : vector<8x128xf32>
      %select_n3A_1390 = arith.select %lt3A_1389, %add3A_1388, %select_n3A_1298 : vector<8x128xi1>, vector<8x128xf32>
      %broadcast_in_dim3A_1391 = vector.broadcast %add3A_1348 : i32 to vector<8x128xi32>
      %select_n3A_1392 = arith.select %lt3A_1389, %broadcast_in_dim3A_1391, %select_n3A_1300 : vector<8x128xi1>, vector<8x128xi32>
      %add3A_1393 = arith.constant 28 : i32
      %add3A_1394 = arith.addi %mul3A_106, %add3A_1393 : i32
      %get3A_1395 = arith.constant 0 : index
      %get3A_1396 = arith.index_cast %add3A_1394 : i32 to index
      %get3A_1397 = memref.load %arg2[%get3A_1395, %get3A_1396] : memref<2x4096xf32, #tpu.memory_space<smem>>
      %broadcast_in_dim3A_1398 = vector.broadcast %get3A_1397 : f32 to vector<8x128xf32>
      %get3A_1399 = arith.constant 1 : index
      %get3A_1400 = arith.index_cast %add3A_1394 : i32 to index
      %get3A_1401 = memref.load %arg2[%get3A_1399, %get3A_1400] : memref<2x4096xf32, #tpu.memory_space<smem>>
      %broadcast_in_dim3A_1402 = vector.broadcast %get3A_1401 : f32 to vector<8x128xf32>
      %sub3A_1403 = arith.subf %get3A_3, %broadcast_in_dim3A_1398 : vector<8x128xf32>
      %sub3A_1404 = arith.subf %get3A_23, %broadcast_in_dim3A_1402 : vector<8x128xf32>
      %mul3A_1405 = arith.mulf %sub3A_1403, %sub3A_1403 : vector<8x128xf32>
      %mul3A_1406 = arith.mulf %sub3A_1404, %sub3A_1404 : vector<8x128xf32>
      %add3A_1407 = arith.addf %mul3A_1405, %mul3A_1406 : vector<8x128xf32>
      %lt3A_1408 = arith.cmpf olt, %add3A_1407, %select_n3A_1317 : vector<8x128xf32>
      %select_n3A_1409 = arith.select %lt3A_1408, %add3A_1407, %select_n3A_1317 : vector<8x128xi1>, vector<8x128xf32>
      %broadcast_in_dim3A_1410 = vector.broadcast %add3A_1394 : i32 to vector<8x128xi32>
      %select_n3A_1411 = arith.select %lt3A_1408, %broadcast_in_dim3A_1410, %select_n3A_1319 : vector<8x128xi1>, vector<8x128xi32>
      %sub3A_1412 = arith.subf %get3A_8, %broadcast_in_dim3A_1398 : vector<8x128xf32>
      %sub3A_1413 = arith.subf %get3A_28, %broadcast_in_dim3A_1402 : vector<8x128xf32>
      %mul3A_1414 = arith.mulf %sub3A_1412, %sub3A_1412 : vector<8x128xf32>
      %mul3A_1415 = arith.mulf %sub3A_1413, %sub3A_1413 : vector<8x128xf32>
      %add3A_1416 = arith.addf %mul3A_1414, %mul3A_1415 : vector<8x128xf32>
      %lt3A_1417 = arith.cmpf olt, %add3A_1416, %select_n3A_1326 : vector<8x128xf32>
      %select_n3A_1418 = arith.select %lt3A_1417, %add3A_1416, %select_n3A_1326 : vector<8x128xi1>, vector<8x128xf32>
      %broadcast_in_dim3A_1419 = vector.broadcast %add3A_1394 : i32 to vector<8x128xi32>
      %select_n3A_1420 = arith.select %lt3A_1417, %broadcast_in_dim3A_1419, %select_n3A_1328 : vector<8x128xi1>, vector<8x128xi32>
      %sub3A_1421 = arith.subf %get3A_13, %broadcast_in_dim3A_1398 : vector<8x128xf32>
      %sub3A_1422 = arith.subf %get3A_33, %broadcast_in_dim3A_1402 : vector<8x128xf32>
      %mul3A_1423 = arith.mulf %sub3A_1421, %sub3A_1421 : vector<8x128xf32>
      %mul3A_1424 = arith.mulf %sub3A_1422, %sub3A_1422 : vector<8x128xf32>
      %add3A_1425 = arith.addf %mul3A_1423, %mul3A_1424 : vector<8x128xf32>
      %lt3A_1426 = arith.cmpf olt, %add3A_1425, %select_n3A_1335 : vector<8x128xf32>
      %select_n3A_1427 = arith.select %lt3A_1426, %add3A_1425, %select_n3A_1335 : vector<8x128xi1>, vector<8x128xf32>
      %broadcast_in_dim3A_1428 = vector.broadcast %add3A_1394 : i32 to vector<8x128xi32>
      %select_n3A_1429 = arith.select %lt3A_1426, %broadcast_in_dim3A_1428, %select_n3A_1337 : vector<8x128xi1>, vector<8x128xi32>
      %sub3A_1430 = arith.subf %get3A_18, %broadcast_in_dim3A_1398 : vector<8x128xf32>
      %sub3A_1431 = arith.subf %get3A_38, %broadcast_in_dim3A_1402 : vector<8x128xf32>
      %mul3A_1432 = arith.mulf %sub3A_1430, %sub3A_1430 : vector<8x128xf32>
      %mul3A_1433 = arith.mulf %sub3A_1431, %sub3A_1431 : vector<8x128xf32>
      %add3A_1434 = arith.addf %mul3A_1432, %mul3A_1433 : vector<8x128xf32>
      %lt3A_1435 = arith.cmpf olt, %add3A_1434, %select_n3A_1344 : vector<8x128xf32>
      %select_n3A_1436 = arith.select %lt3A_1435, %add3A_1434, %select_n3A_1344 : vector<8x128xi1>, vector<8x128xf32>
      %broadcast_in_dim3A_1437 = vector.broadcast %add3A_1394 : i32 to vector<8x128xi32>
      %select_n3A_1438 = arith.select %lt3A_1435, %broadcast_in_dim3A_1437, %select_n3A_1346 : vector<8x128xi1>, vector<8x128xi32>
      %add3A_1439 = arith.constant 29 : i32
      %add3A_1440 = arith.addi %mul3A_106, %add3A_1439 : i32
      %get3A_1441 = arith.constant 0 : index
      %get3A_1442 = arith.index_cast %add3A_1440 : i32 to index
      %get3A_1443 = memref.load %arg2[%get3A_1441, %get3A_1442] : memref<2x4096xf32, #tpu.memory_space<smem>>
      %broadcast_in_dim3A_1444 = vector.broadcast %get3A_1443 : f32 to vector<8x128xf32>
      %get3A_1445 = arith.constant 1 : index
      %get3A_1446 = arith.index_cast %add3A_1440 : i32 to index
      %get3A_1447 = memref.load %arg2[%get3A_1445, %get3A_1446] : memref<2x4096xf32, #tpu.memory_space<smem>>
      %broadcast_in_dim3A_1448 = vector.broadcast %get3A_1447 : f32 to vector<8x128xf32>
      %sub3A_1449 = arith.subf %get3A_3, %broadcast_in_dim3A_1444 : vector<8x128xf32>
      %sub3A_1450 = arith.subf %get3A_23, %broadcast_in_dim3A_1448 : vector<8x128xf32>
      %mul3A_1451 = arith.mulf %sub3A_1449, %sub3A_1449 : vector<8x128xf32>
      %mul3A_1452 = arith.mulf %sub3A_1450, %sub3A_1450 : vector<8x128xf32>
      %add3A_1453 = arith.addf %mul3A_1451, %mul3A_1452 : vector<8x128xf32>
      %lt3A_1454 = arith.cmpf olt, %add3A_1453, %select_n3A_1363 : vector<8x128xf32>
      %select_n3A_1455 = arith.select %lt3A_1454, %add3A_1453, %select_n3A_1363 : vector<8x128xi1>, vector<8x128xf32>
      %broadcast_in_dim3A_1456 = vector.broadcast %add3A_1440 : i32 to vector<8x128xi32>
      %select_n3A_1457 = arith.select %lt3A_1454, %broadcast_in_dim3A_1456, %select_n3A_1365 : vector<8x128xi1>, vector<8x128xi32>
      %sub3A_1458 = arith.subf %get3A_8, %broadcast_in_dim3A_1444 : vector<8x128xf32>
      %sub3A_1459 = arith.subf %get3A_28, %broadcast_in_dim3A_1448 : vector<8x128xf32>
      %mul3A_1460 = arith.mulf %sub3A_1458, %sub3A_1458 : vector<8x128xf32>
      %mul3A_1461 = arith.mulf %sub3A_1459, %sub3A_1459 : vector<8x128xf32>
      %add3A_1462 = arith.addf %mul3A_1460, %mul3A_1461 : vector<8x128xf32>
      %lt3A_1463 = arith.cmpf olt, %add3A_1462, %select_n3A_1372 : vector<8x128xf32>
      %select_n3A_1464 = arith.select %lt3A_1463, %add3A_1462, %select_n3A_1372 : vector<8x128xi1>, vector<8x128xf32>
      %broadcast_in_dim3A_1465 = vector.broadcast %add3A_1440 : i32 to vector<8x128xi32>
      %select_n3A_1466 = arith.select %lt3A_1463, %broadcast_in_dim3A_1465, %select_n3A_1374 : vector<8x128xi1>, vector<8x128xi32>
      %sub3A_1467 = arith.subf %get3A_13, %broadcast_in_dim3A_1444 : vector<8x128xf32>
      %sub3A_1468 = arith.subf %get3A_33, %broadcast_in_dim3A_1448 : vector<8x128xf32>
      %mul3A_1469 = arith.mulf %sub3A_1467, %sub3A_1467 : vector<8x128xf32>
      %mul3A_1470 = arith.mulf %sub3A_1468, %sub3A_1468 : vector<8x128xf32>
      %add3A_1471 = arith.addf %mul3A_1469, %mul3A_1470 : vector<8x128xf32>
      %lt3A_1472 = arith.cmpf olt, %add3A_1471, %select_n3A_1381 : vector<8x128xf32>
      %select_n3A_1473 = arith.select %lt3A_1472, %add3A_1471, %select_n3A_1381 : vector<8x128xi1>, vector<8x128xf32>
      %broadcast_in_dim3A_1474 = vector.broadcast %add3A_1440 : i32 to vector<8x128xi32>
      %select_n3A_1475 = arith.select %lt3A_1472, %broadcast_in_dim3A_1474, %select_n3A_1383 : vector<8x128xi1>, vector<8x128xi32>
      %sub3A_1476 = arith.subf %get3A_18, %broadcast_in_dim3A_1444 : vector<8x128xf32>
      %sub3A_1477 = arith.subf %get3A_38, %broadcast_in_dim3A_1448 : vector<8x128xf32>
      %mul3A_1478 = arith.mulf %sub3A_1476, %sub3A_1476 : vector<8x128xf32>
      %mul3A_1479 = arith.mulf %sub3A_1477, %sub3A_1477 : vector<8x128xf32>
      %add3A_1480 = arith.addf %mul3A_1478, %mul3A_1479 : vector<8x128xf32>
      %lt3A_1481 = arith.cmpf olt, %add3A_1480, %select_n3A_1390 : vector<8x128xf32>
      %select_n3A_1482 = arith.select %lt3A_1481, %add3A_1480, %select_n3A_1390 : vector<8x128xi1>, vector<8x128xf32>
      %broadcast_in_dim3A_1483 = vector.broadcast %add3A_1440 : i32 to vector<8x128xi32>
      %select_n3A_1484 = arith.select %lt3A_1481, %broadcast_in_dim3A_1483, %select_n3A_1392 : vector<8x128xi1>, vector<8x128xi32>
      %add3A_1485 = arith.constant 30 : i32
      %add3A_1486 = arith.addi %mul3A_106, %add3A_1485 : i32
      %get3A_1487 = arith.constant 0 : index
      %get3A_1488 = arith.index_cast %add3A_1486 : i32 to index
      %get3A_1489 = memref.load %arg2[%get3A_1487, %get3A_1488] : memref<2x4096xf32, #tpu.memory_space<smem>>
      %broadcast_in_dim3A_1490 = vector.broadcast %get3A_1489 : f32 to vector<8x128xf32>
      %get3A_1491 = arith.constant 1 : index
      %get3A_1492 = arith.index_cast %add3A_1486 : i32 to index
      %get3A_1493 = memref.load %arg2[%get3A_1491, %get3A_1492] : memref<2x4096xf32, #tpu.memory_space<smem>>
      %broadcast_in_dim3A_1494 = vector.broadcast %get3A_1493 : f32 to vector<8x128xf32>
      %sub3A_1495 = arith.subf %get3A_3, %broadcast_in_dim3A_1490 : vector<8x128xf32>
      %sub3A_1496 = arith.subf %get3A_23, %broadcast_in_dim3A_1494 : vector<8x128xf32>
      %mul3A_1497 = arith.mulf %sub3A_1495, %sub3A_1495 : vector<8x128xf32>
      %mul3A_1498 = arith.mulf %sub3A_1496, %sub3A_1496 : vector<8x128xf32>
      %add3A_1499 = arith.addf %mul3A_1497, %mul3A_1498 : vector<8x128xf32>
      %lt3A_1500 = arith.cmpf olt, %add3A_1499, %select_n3A_1409 : vector<8x128xf32>
      %select_n3A_1501 = arith.select %lt3A_1500, %add3A_1499, %select_n3A_1409 : vector<8x128xi1>, vector<8x128xf32>
      %broadcast_in_dim3A_1502 = vector.broadcast %add3A_1486 : i32 to vector<8x128xi32>
      %select_n3A_1503 = arith.select %lt3A_1500, %broadcast_in_dim3A_1502, %select_n3A_1411 : vector<8x128xi1>, vector<8x128xi32>
      %sub3A_1504 = arith.subf %get3A_8, %broadcast_in_dim3A_1490 : vector<8x128xf32>
      %sub3A_1505 = arith.subf %get3A_28, %broadcast_in_dim3A_1494 : vector<8x128xf32>
      %mul3A_1506 = arith.mulf %sub3A_1504, %sub3A_1504 : vector<8x128xf32>
      %mul3A_1507 = arith.mulf %sub3A_1505, %sub3A_1505 : vector<8x128xf32>
      %add3A_1508 = arith.addf %mul3A_1506, %mul3A_1507 : vector<8x128xf32>
      %lt3A_1509 = arith.cmpf olt, %add3A_1508, %select_n3A_1418 : vector<8x128xf32>
      %select_n3A_1510 = arith.select %lt3A_1509, %add3A_1508, %select_n3A_1418 : vector<8x128xi1>, vector<8x128xf32>
      %broadcast_in_dim3A_1511 = vector.broadcast %add3A_1486 : i32 to vector<8x128xi32>
      %select_n3A_1512 = arith.select %lt3A_1509, %broadcast_in_dim3A_1511, %select_n3A_1420 : vector<8x128xi1>, vector<8x128xi32>
      %sub3A_1513 = arith.subf %get3A_13, %broadcast_in_dim3A_1490 : vector<8x128xf32>
      %sub3A_1514 = arith.subf %get3A_33, %broadcast_in_dim3A_1494 : vector<8x128xf32>
      %mul3A_1515 = arith.mulf %sub3A_1513, %sub3A_1513 : vector<8x128xf32>
      %mul3A_1516 = arith.mulf %sub3A_1514, %sub3A_1514 : vector<8x128xf32>
      %add3A_1517 = arith.addf %mul3A_1515, %mul3A_1516 : vector<8x128xf32>
      %lt3A_1518 = arith.cmpf olt, %add3A_1517, %select_n3A_1427 : vector<8x128xf32>
      %select_n3A_1519 = arith.select %lt3A_1518, %add3A_1517, %select_n3A_1427 : vector<8x128xi1>, vector<8x128xf32>
      %broadcast_in_dim3A_1520 = vector.broadcast %add3A_1486 : i32 to vector<8x128xi32>
      %select_n3A_1521 = arith.select %lt3A_1518, %broadcast_in_dim3A_1520, %select_n3A_1429 : vector<8x128xi1>, vector<8x128xi32>
      %sub3A_1522 = arith.subf %get3A_18, %broadcast_in_dim3A_1490 : vector<8x128xf32>
      %sub3A_1523 = arith.subf %get3A_38, %broadcast_in_dim3A_1494 : vector<8x128xf32>
      %mul3A_1524 = arith.mulf %sub3A_1522, %sub3A_1522 : vector<8x128xf32>
      %mul3A_1525 = arith.mulf %sub3A_1523, %sub3A_1523 : vector<8x128xf32>
      %add3A_1526 = arith.addf %mul3A_1524, %mul3A_1525 : vector<8x128xf32>
      %lt3A_1527 = arith.cmpf olt, %add3A_1526, %select_n3A_1436 : vector<8x128xf32>
      %select_n3A_1528 = arith.select %lt3A_1527, %add3A_1526, %select_n3A_1436 : vector<8x128xi1>, vector<8x128xf32>
      %broadcast_in_dim3A_1529 = vector.broadcast %add3A_1486 : i32 to vector<8x128xi32>
      %select_n3A_1530 = arith.select %lt3A_1527, %broadcast_in_dim3A_1529, %select_n3A_1438 : vector<8x128xi1>, vector<8x128xi32>
      %add3A_1531 = arith.constant 31 : i32
      %add3A_1532 = arith.addi %mul3A_106, %add3A_1531 : i32
      %get3A_1533 = arith.constant 0 : index
      %get3A_1534 = arith.index_cast %add3A_1532 : i32 to index
      %get3A_1535 = memref.load %arg2[%get3A_1533, %get3A_1534] : memref<2x4096xf32, #tpu.memory_space<smem>>
      %broadcast_in_dim3A_1536 = vector.broadcast %get3A_1535 : f32 to vector<8x128xf32>
      %get3A_1537 = arith.constant 1 : index
      %get3A_1538 = arith.index_cast %add3A_1532 : i32 to index
      %get3A_1539 = memref.load %arg2[%get3A_1537, %get3A_1538] : memref<2x4096xf32, #tpu.memory_space<smem>>
      %broadcast_in_dim3A_1540 = vector.broadcast %get3A_1539 : f32 to vector<8x128xf32>
      %sub3A_1541 = arith.subf %get3A_3, %broadcast_in_dim3A_1536 : vector<8x128xf32>
      %sub3A_1542 = arith.subf %get3A_23, %broadcast_in_dim3A_1540 : vector<8x128xf32>
      %mul3A_1543 = arith.mulf %sub3A_1541, %sub3A_1541 : vector<8x128xf32>
      %mul3A_1544 = arith.mulf %sub3A_1542, %sub3A_1542 : vector<8x128xf32>
      %add3A_1545 = arith.addf %mul3A_1543, %mul3A_1544 : vector<8x128xf32>
      %lt3A_1546 = arith.cmpf olt, %add3A_1545, %select_n3A_1455 : vector<8x128xf32>
      %select_n3A_1547 = arith.select %lt3A_1546, %add3A_1545, %select_n3A_1455 : vector<8x128xi1>, vector<8x128xf32>
      %broadcast_in_dim3A_1548 = vector.broadcast %add3A_1532 : i32 to vector<8x128xi32>
      %select_n3A_1549 = arith.select %lt3A_1546, %broadcast_in_dim3A_1548, %select_n3A_1457 : vector<8x128xi1>, vector<8x128xi32>
      %sub3A_1550 = arith.subf %get3A_8, %broadcast_in_dim3A_1536 : vector<8x128xf32>
      %sub3A_1551 = arith.subf %get3A_28, %broadcast_in_dim3A_1540 : vector<8x128xf32>
      %mul3A_1552 = arith.mulf %sub3A_1550, %sub3A_1550 : vector<8x128xf32>
      %mul3A_1553 = arith.mulf %sub3A_1551, %sub3A_1551 : vector<8x128xf32>
      %add3A_1554 = arith.addf %mul3A_1552, %mul3A_1553 : vector<8x128xf32>
      %lt3A_1555 = arith.cmpf olt, %add3A_1554, %select_n3A_1464 : vector<8x128xf32>
      %select_n3A_1556 = arith.select %lt3A_1555, %add3A_1554, %select_n3A_1464 : vector<8x128xi1>, vector<8x128xf32>
      %broadcast_in_dim3A_1557 = vector.broadcast %add3A_1532 : i32 to vector<8x128xi32>
      %select_n3A_1558 = arith.select %lt3A_1555, %broadcast_in_dim3A_1557, %select_n3A_1466 : vector<8x128xi1>, vector<8x128xi32>
      %sub3A_1559 = arith.subf %get3A_13, %broadcast_in_dim3A_1536 : vector<8x128xf32>
      %sub3A_1560 = arith.subf %get3A_33, %broadcast_in_dim3A_1540 : vector<8x128xf32>
      %mul3A_1561 = arith.mulf %sub3A_1559, %sub3A_1559 : vector<8x128xf32>
      %mul3A_1562 = arith.mulf %sub3A_1560, %sub3A_1560 : vector<8x128xf32>
      %add3A_1563 = arith.addf %mul3A_1561, %mul3A_1562 : vector<8x128xf32>
      %lt3A_1564 = arith.cmpf olt, %add3A_1563, %select_n3A_1473 : vector<8x128xf32>
      %select_n3A_1565 = arith.select %lt3A_1564, %add3A_1563, %select_n3A_1473 : vector<8x128xi1>, vector<8x128xf32>
      %broadcast_in_dim3A_1566 = vector.broadcast %add3A_1532 : i32 to vector<8x128xi32>
      %select_n3A_1567 = arith.select %lt3A_1564, %broadcast_in_dim3A_1566, %select_n3A_1475 : vector<8x128xi1>, vector<8x128xi32>
      %sub3A_1568 = arith.subf %get3A_18, %broadcast_in_dim3A_1536 : vector<8x128xf32>
      %sub3A_1569 = arith.subf %get3A_38, %broadcast_in_dim3A_1540 : vector<8x128xf32>
      %mul3A_1570 = arith.mulf %sub3A_1568, %sub3A_1568 : vector<8x128xf32>
      %mul3A_1571 = arith.mulf %sub3A_1569, %sub3A_1569 : vector<8x128xf32>
      %add3A_1572 = arith.addf %mul3A_1570, %mul3A_1571 : vector<8x128xf32>
      %lt3A_1573 = arith.cmpf olt, %add3A_1572, %select_n3A_1482 : vector<8x128xf32>
      %select_n3A_1574 = arith.select %lt3A_1573, %add3A_1572, %select_n3A_1482 : vector<8x128xi1>, vector<8x128xf32>
      %broadcast_in_dim3A_1575 = vector.broadcast %add3A_1532 : i32 to vector<8x128xi32>
      %select_n3A_1576 = arith.select %lt3A_1573, %broadcast_in_dim3A_1575, %select_n3A_1484 : vector<8x128xi1>, vector<8x128xi32>
      scf.yield %select_n3A_1501, %select_n3A_1510, %select_n3A_1519, %select_n3A_1528, %select_n3A_1547, %select_n3A_1556, %select_n3A_1565, %select_n3A_1574, %select_n3A_1503, %select_n3A_1512, %select_n3A_1521, %select_n3A_1530, %select_n3A_1549, %select_n3A_1558, %select_n3A_1567, %select_n3A_1576 : vector<8x128xf32>, vector<8x128xf32>, vector<8x128xf32>, vector<8x128xf32>, vector<8x128xf32>, vector<8x128xf32>, vector<8x128xf32>, vector<8x128xf32>, vector<8x128xi32>, vector<8x128xi32>, vector<8x128xi32>, vector<8x128xi32>, vector<8x128xi32>, vector<8x128xi32>, vector<8x128xi32>, vector<8x128xi32>
    }
    %scan3A_46 = arith.constant 128 : i32
    %lt3A = arith.cmpf olt, %scan3A_45#4, %scan3A_45#0 : vector<8x128xf32>
    %eq3A = arith.cmpf oeq, %scan3A_45#4, %scan3A_45#0 : vector<8x128xf32>
    %lt3A_47 = arith.cmpi slt, %scan3A_45#12, %scan3A_45#8 : vector<8x128xi32>
    %and3A = arith.andi %eq3A, %lt3A_47 : vector<8x128xi1>
    %or3A = arith.ori %lt3A, %and3A : vector<8x128xi1>
    %select_n3A = arith.select %or3A, %scan3A_45#12, %scan3A_45#8 : vector<8x128xi1>, vector<8x128xi32>
    %swap3A = arith.constant 0 : index
    %swap3A_48 = arith.constant 0 : index
    %swap3A_49 = arith.constant 0 : index
    %swap3A_50 = vector.load %arg3[%swap3A, %swap3A_48, %swap3A_49] : memref<4x8x128xi32, #tpu.memory_space<vmem>>, vector<1x8x128xi32>
    %swap3A_51 = vector.shape_cast %swap3A_50 : vector<1x8x128xi32> to vector<8x128xi32>
    %swap3A_52 = vector.shape_cast %select_n3A : vector<8x128xi32> to vector<1x8x128xi32>
    tpu.vector_store %arg3[%swap3A, %swap3A_48, %swap3A_49], %swap3A_52 {strides = array<i32>} : memref<4x8x128xi32, #tpu.memory_space<vmem>>, vector<1x8x128xi32>,
    %lt3A_53 = arith.cmpf olt, %scan3A_45#5, %scan3A_45#1 : vector<8x128xf32>
    %eq3A_54 = arith.cmpf oeq, %scan3A_45#5, %scan3A_45#1 : vector<8x128xf32>
    %lt3A_55 = arith.cmpi slt, %scan3A_45#13, %scan3A_45#9 : vector<8x128xi32>
    %and3A_56 = arith.andi %eq3A_54, %lt3A_55 : vector<8x128xi1>
    %or3A_57 = arith.ori %lt3A_53, %and3A_56 : vector<8x128xi1>
    %select_n3A_58 = arith.select %or3A_57, %scan3A_45#13, %scan3A_45#9 : vector<8x128xi1>, vector<8x128xi32>
    %swap3A_59 = arith.constant 1 : index
    %swap3A_60 = arith.constant 0 : index
    %swap3A_61 = arith.constant 0 : index
    %swap3A_62 = vector.load %arg3[%swap3A_59, %swap3A_60, %swap3A_61] : memref<4x8x128xi32, #tpu.memory_space<vmem>>, vector<1x8x128xi32>
    %swap3A_63 = vector.shape_cast %swap3A_62 : vector<1x8x128xi32> to vector<8x128xi32>
    %swap3A_64 = vector.shape_cast %select_n3A_58 : vector<8x128xi32> to vector<1x8x128xi32>
    tpu.vector_store %arg3[%swap3A_59, %swap3A_60, %swap3A_61], %swap3A_64 {strides = array<i32>} : memref<4x8x128xi32, #tpu.memory_space<vmem>>, vector<1x8x128xi32>,
    %lt3A_65 = arith.cmpf olt, %scan3A_45#6, %scan3A_45#2 : vector<8x128xf32>
    %eq3A_66 = arith.cmpf oeq, %scan3A_45#6, %scan3A_45#2 : vector<8x128xf32>
    %lt3A_67 = arith.cmpi slt, %scan3A_45#14, %scan3A_45#10 : vector<8x128xi32>
    %and3A_68 = arith.andi %eq3A_66, %lt3A_67 : vector<8x128xi1>
    %or3A_69 = arith.ori %lt3A_65, %and3A_68 : vector<8x128xi1>
    %select_n3A_70 = arith.select %or3A_69, %scan3A_45#14, %scan3A_45#10 : vector<8x128xi1>, vector<8x128xi32>
    %swap3A_71 = arith.constant 2 : index
    %swap3A_72 = arith.constant 0 : index
    %swap3A_73 = arith.constant 0 : index
    %swap3A_74 = vector.load %arg3[%swap3A_71, %swap3A_72, %swap3A_73] : memref<4x8x128xi32, #tpu.memory_space<vmem>>, vector<1x8x128xi32>
    %swap3A_75 = vector.shape_cast %swap3A_74 : vector<1x8x128xi32> to vector<8x128xi32>
    %swap3A_76 = vector.shape_cast %select_n3A_70 : vector<8x128xi32> to vector<1x8x128xi32>
    tpu.vector_store %arg3[%swap3A_71, %swap3A_72, %swap3A_73], %swap3A_76 {strides = array<i32>} : memref<4x8x128xi32, #tpu.memory_space<vmem>>, vector<1x8x128xi32>,
    %lt3A_77 = arith.cmpf olt, %scan3A_45#7, %scan3A_45#3 : vector<8x128xf32>
    %eq3A_78 = arith.cmpf oeq, %scan3A_45#7, %scan3A_45#3 : vector<8x128xf32>
    %lt3A_79 = arith.cmpi slt, %scan3A_45#15, %scan3A_45#11 : vector<8x128xi32>
    %and3A_80 = arith.andi %eq3A_78, %lt3A_79 : vector<8x128xi1>
    %or3A_81 = arith.ori %lt3A_77, %and3A_80 : vector<8x128xi1>
    %select_n3A_82 = arith.select %or3A_81, %scan3A_45#15, %scan3A_45#11 : vector<8x128xi1>, vector<8x128xi32>
    %swap3A_83 = arith.constant 3 : index
    %swap3A_84 = arith.constant 0 : index
    %swap3A_85 = arith.constant 0 : index
    %swap3A_86 = vector.load %arg3[%swap3A_83, %swap3A_84, %swap3A_85] : memref<4x8x128xi32, #tpu.memory_space<vmem>>, vector<1x8x128xi32>
    %swap3A_87 = vector.shape_cast %swap3A_86 : vector<1x8x128xi32> to vector<8x128xi32>
    %swap3A_88 = vector.shape_cast %select_n3A_82 : vector<8x128xi32> to vector<1x8x128xi32>
    tpu.vector_store %arg3[%swap3A_83, %swap3A_84, %swap3A_85], %swap3A_88 {strides = array<i32>} : memref<4x8x128xi32, #tpu.memory_space<vmem>>, vector<1x8x128xi32>,
    return
  }
}

</mosaic_0001>

<sc_bundles>
// kernel: kernel.4.cloned.1.call-start
scs
__scs_entry_jumppad:
0x0: {  	(pc) =	sbr.rel $0x88, $3  }
0x1: {  	(tag) =	ssettag $0x0;
	lr =	simm.s32 $0x1  }
0x2: {  	[smem:$0x3F9E] =	sst lr;
	_ =	strace $0xD0000000  }
0x3: {  	_ = 	snop  }
0x4: {  	_ = 	snop  }
0x5: {  	_ = 	snop  }
0x6: {  	_ = 	snop  }
0x7: {  	_ = 	snop  }
__scs_overlays_trampoline_lowered:
0x8: {  	[smem:$0x3FAD] =	sst s0  }
0x9: {  	[smem:$0x3FAE] =	sst s1  }
0xa: {  	[smem:$0x3FAF] =	sst s2  }
0xb: {  	[smem:$0x3FB0] =	sst s3  }
0xc: {  	[smem:$0x3FB1] =	sst s4  }
0xd: {  	[smem:$0x3FB2] =	sst s5  }
0xe: {  	[smem:$0x3FB3] =	sst s6  }
0xf: {  	[smem:$0x3FB4] =	sst s7  }
0x10: {  	[smem:$0x3FB5] =	sst s8  }
0x11: {  	[smem:$0x3FB6] =	sst s9;
	s0 =	simm.s32 @!p0 $0x0  }
0x12: {  	s1 =	sld [smem:$0x3F9C];
	s0 =	simm.s32 @p0 $0x1  }
0x13: {  	[smem:$0x3FB7] =	sst s0;
	s0 =	simm.s32 @!p1 $0x0  }
0x14: {  	s2 =	sld [smem:$0x3F9B];
	s0 =	simm.s32 @p1 $0x1  }
0x15: {  	[smem:$0x3FB8] =	sst s0;
	s0 =	simm.s32 @!p2 $0x0  }
0x16: {  	s3 =	sld [smem:$0x3FDB];
	s0 =	simm.s32 @p2 $0x1  }
0x17: {  	s4 =	simm.s32 $0x1BF5;
	[smem:$0x3FBA] =	sst s0  }
0x18: {  	s0 =	sld [smem:$0x3F9D];
	_ =	swait.ge [sflag:s4], $0x0  }
0x19: {  	s7 =	sld [smem:$0x3F9E]  }
0x1a: {  	s8 =	sadd.s32 $0xFFFFE003, lr  }
0x1b: {  	s9 =	sadd.s32 $0xFFFFFEF7, lr;
	s5 =	simm.s32 $0xFFFFFFFF;
	p2 =	slt.u32 s8, $0xFFFFF086  }
0x1c: {  	p1 =	slt.u32 s9, $0xF7A;
	s5 =	simm.s32 @!p2 $0x0  }
0x1d: {  	s5 =	simm.s32 @p1 $0x1;
	p0 =	seq.s32 s7, s2  }
0x1e: {  	s7 =	smul.u32 @!p0 $0xF7A, s2;
	p2 =	seq.s32 @!p0 s5, $0x0  }
0x1f: {  	s9 =	smul.u32 $0xF7A, s1;
	s8 =	simm.s32 @!p0 $0x1BF5;
	p2 =	por !p2, p0  }
0x20: {  	[sflag:s8] =	ssyncset.s32 @!p0 $0xFFFFF086;
	s6 =	sadd.s32 @!p0 s3, s7;
	s7 =	simm.s32 @!p0 $0x108  }
0x21: {  	s3 =	sadd.s32 s3, s9;
	s6 =	sadd.s32 @!p0 $0x88, s6;
	s7 =	simm.s32 @p2 $0x1082  }
0x22: {  	[simem:s7], [sflag:s8] =	dma.local @!p0 [hbm:s6], $0xF7A  }
0x23: {  	s9 =	sor.u32 $0xD0000000, s2;
	s6 =	simm.s32 $0x108;
	_ =	swait.ge @!p0 [sflag:s8], $0x0  }
0x24: {  	s3 =	sadd.s32 $0x88, s3;
	s6 =	simm.s32 @!p1 $0x1082;
	[sflag:s4] =	ssyncset.s32 $0xFFFFF086  }
0x25: {  	[simem:s6], [sflag:s4] =	dma.local [hbm:s3], $0xF7A  }
0x26: {  	[smem:$0x3F9E] =	sst s1;
	(tag) =	ssettag s2;
	_ =	strace s9  }
0x27: {  	s1 =	sld [smem:$0x3FAE]  }
0x28: {  	s2 =	sld [smem:$0x3FAF]  }
0x29: {  	s4 =	sld [smem:$0x3FB1]  }
0x2a: {  	p0 =	seq.s32 s5, $0x0;
	s5 =	sld [smem:$0x3FB2]  }
0x2b: {  	s6 =	sld [smem:$0x3FB3]  }
0x2c: {  	s7 =	sld [smem:$0x3FB4]  }
0x2d: {  	s3 =	simm.s32 $0x108;
	s8 =	sld [smem:$0x3FB5]  }
0x2e: {  	s3 =	simm.s32 @!p0 $0x1082;
	s9 =	sld [smem:$0x3FB6]  }
0x2f: {  	lr =	sadd.s32 s0, s3;
	s0 =	sld [smem:$0x3FAD]  }
0x30: {  	s3 =	sld [smem:$0x3FB0]  }
0x31: {  	[smem:$0x3FB9] =	sst s10  }
0x32: {  	s10 =	sld [smem:$0x3FB7];
	_ =	sdelay $0x3  }
0x33: {  	p0 =	seq.s32 s10, $0x1;
	s10 =	sld [smem:$0x3FB9];
	_ =	sdelay $0x3  }
0x34: {  	[smem:$0x3FB9] =	sst s10  }
0x35: {  	s10 =	sld [smem:$0x3FB8];
	_ =	sdelay $0x3  }
0x36: {  	p1 =	seq.s32 s10, $0x1;
	s10 =	sld [smem:$0x3FB9];
	_ =	sdelay $0x3  }
0x37: {  	[smem:$0x3FB9] =	sst s10  }
0x38: {  	s10 =	sld [smem:$0x3FBA]  }
0x39: {  	_ = 	snop;
	(pc) =	sbr.ind lr, $3  }
0x3a: {  	_ = 	snop  }
0x3b: {  	_ = 	snop  }
0x3c: {  	p2 =	seq.s32 s10, $0x1;
	s10 =	sld [smem:$0x3FB9]  }
0x3d: {  	_ =	shalt  }
0x3e: {  	_ =	shalt  }
0x3f: {  	_ =	shalt  }
0x40: {  	_ =	shalt  }
0x41: {  	_ =	shalt  }
0x42: {  	_ =	shalt  }
0x43: {  	_ =	shalt  }
0x44: {  	_ =	shalt  }
0x45: {  	_ =	shalt  }
0x46: {  	_ =	shalt  }
0x47: {  	_ =	shalt  }
0x48: {  	_ =	shalt  }
0x49: {  	_ =	shalt  }
0x4a: {  	_ =	shalt  }
0x4b: {  	_ =	shalt  }
0x4c: {  	_ =	shalt  }
0x4d: {  	_ =	shalt  }
0x4e: {  	_ =	shalt  }
0x4f: {  	_ =	shalt  }
0x50: {  	_ =	shalt  }
0x51: {  	_ =	shalt  }
0x52: {  	_ =	shalt  }
0x53: {  	_ =	shalt  }
0x54: {  	_ =	shalt  }
0x55: {  	_ =	shalt  }
0x56: {  	_ =	shalt  }
0x57: {  	_ =	shalt  }
0x58: {  	_ =	shalt  }
0x59: {  	_ =	shalt  }
0x5a: {  	_ =	shalt  }
0x5b: {  	_ =	shalt  }
0x5c: {  	_ =	shalt  }
0x5d: {  	_ =	shalt  }
0x5e: {  	_ =	shalt  }
0x5f: {  	_ =	shalt  }
0x60: {  	_ =	shalt  }
0x61: {  	_ =	shalt  }
0x62: {  	_ =	shalt  }
0x63: {  	_ =	shalt  }
0x64: {  	_ =	shalt  }
0x65: {  	_ =	shalt  }
0x66: {  	_ =	shalt  }
0x67: {  	_ =	shalt  }
0x68: {  	_ =	shalt  }
0x69: {  	_ =	shalt  }
0x6a: {  	_ =	shalt  }
0x6b: {  	_ =	shalt  }
0x6c: {  	_ =	shalt  }
0x6d: {  	_ =	shalt  }
0x6e: {  	_ =	shalt  }
0x6f: {  	_ =	shalt  }
0x70: {  	_ =	shalt  }
0x71: {  	_ =	shalt  }
0x72: {  	_ =	shalt  }
0x73: {  	_ =	shalt  }
0x74: {  	_ =	shalt  }
0x75: {  	_ =	shalt  }
0x76: {  	_ =	shalt  }
0x77: {  	_ =	shalt  }
0x78: {  	_ =	shalt  }
0x79: {  	_ =	shalt  }
0x7a: {  	_ =	shalt  }
0x7b: {  	_ =	shalt  }
0x7c: {  	_ =	shalt  }
0x7d: {  	_ =	shalt  }
0x7e: {  	_ =	shalt  }
0x7f: {  	_ =	shalt  }
0x80: {  	_ =	shalt  }
0x81: {  	_ =	shalt  }
0x82: {  	_ =	shalt  }
0x83: {  	_ =	shalt  }
0x84: {  	_ =	shalt  }
0x85: {  	_ =	shalt  }
0x86: {  	_ =	shalt  }
0x87: {  	_ =	shalt  }
.Lfunc_end0:
.L_simem_size_0:
called_computation_lowered:
.L_overlay_start_0:
0x88: {  	s2 =	sld [smem:$0x3FD9]  }
0x89: {  	s3 =	sld [smem:$0x3FFE];
	_ =	sdelay $0x1  }
0x8a: {  	s1 =	srdreg.scid  }
0x8b: {  	s0 =	sand.u32 $0x1, s1  }
0x8c: {  	s17 =	sshll.u32 s0, $0xA;
	s2 =	sadd.s32 s3, s2  }
0x8d: {  	s2 =	sadd.s32 s2, s17  }
0x8e: {  	[smem:$0x3FC5] =	sst s2  }
0x8f: {  	_ = 	snop  }
0x90: {  	s2 =	sld [smem:$0x3FC8]  }
0x91: {  	s18 =	sld [smem:$0x3FD0];
	(tm) =	ssettm $0x1  }
0x92: {  	s4 =	sld [smem:$0x3FFB];
	_ =	sdelay $0x3  }
0x93: {  	_ =	strace s4  }
0x94: {  	s4 =	sld [smem:$0x3FFC];
	_ =	sdelay $0x3  }
0x95: {  	_ =	strace s4  }
0x96: {  	s4 =	sld [smem:$0x3FFD];
	_ =	sdelay $0x3  }
0x97: {  	_ =	strace s4  }
0x98: {  	_ =	strace $0x8FFFFFFF  }
0x99: {  	s19 =	sld [smem:$0x3FDB];
	_ =	sdelay $0x1  }
0x9a: {  	s5 =	simm.s32 $_scs_section_size  }
0x9b: {  	s6 =	simm.s32 $_size__tile_overlayer_lowered;
	s7 =	simm.s32 $_tile_overlayer_lowered  }
0x9c: {  	s22 =	simm.s32 $0x1BFF;
	s21 =	sshll.u32 s7, $0x1;
	s4 =	sadd.s32 s5, s19  }
0x9d: {  	s8 =	simm.s32 $0x0;
	s20 =	sshll.u32 s6, $0x1;
	s6 =	sadd.s32 s21, s4  }
0x9e: {  	[timem:s8], [sflag:s22] =	dma.local [hbm:s6], s20  }
0x9f: {  	_ =	swait.ge [sflag:s22], s20  }
0xa0: {  	s5 =	ssub.s32 $0x0, s20;
	[sflag:s22] =	ssyncset.done $0x0  }
0xa1: {  	[sflag:s22] =	ssyncadd.s32 s5;
	_ =	sdelay $0x1  }
0xa2: {  	s23 =	simm.s32 $0x1B8B  }
0xa3: {  	_ =	swait.ge [sflag:s23], $0x1  }
0xa4: {  	[sflag:s23] =	ssyncset.done $0x0  }
0xa5: {  	s25 =	simm.s32 $0x1B8E;
	s24 =	sld [smem:$0x3FFE];
	[sflag:s23] =	ssyncadd.s32 $0xFFFFFFFF  }
0xa6: {  	s26 =	simm.s32 $execute0_lowered;
	[smem:$0x3FD2] =	sst s25  }
0xa7: {  	s6 =	sshll.u32 s26, $0x1;
	_ =	strace $0x80000046;
	[dreg:$0x1] =	wrdreg $0xFFFFFFFF  }
0xa8: {  	s28 =	simm.s32 $_size_execute0_lowered;
	s4 =	sadd.s32 s4, s6;
	[dreg:$0x0] =	wrdreg $0x0  }
0xa9: {  	s6 =	sshll.u32 s28, $0x1;
	[dreg:$0x2] =	wrdreg s4  }
0xaa: {  	[dreg:$0x3] =	wrdreg s6  }
0xab: {  	[dreg:$0x4] =	wrdreg $0xC0  }
0xac: {  	_ =	task [dreg:s8], $0x5FFFF  }
0xad: {  	[dreg:$0x1] =	wrdreg $0xFFFFFFFF  }
0xae: {  	[dreg:$0x0] =	wrdreg $0x60  }
0xaf: {  	[dreg:$0x2] =	wrdreg s2  }
0xb0: {  	[dreg:$0x3] =	wrdreg s24  }
0xb1: {  	[dreg:$0x4] =	wrdreg s18  }
0xb2: {  	[dreg:$0x5] =	wrdreg $0x9  }
0xb3: {  	_ =	task.clear_ibuf [dreg:s8], $0x6FFFF;
	_ =	strace $0x90000046  }
0xb4: {  	s29 =	simm.s32 $0x9;
	_ =	strace $0x80000048  }
0xb5: {  	_ =	swait.ge [sflag:s29], $0x1  }
0xb6: {  	[sflag:s29] =	ssyncadd.s32 $0xFFFFFFFF  }
0xb7: {  	_ =	strace $0x90000048  }
0xb8: {  	_ =	sfence  }
0xb9: {  	s30 =	sld [smem:$0x0];
	_ =	sdelay $0x2  }
0xba: {  	s31 =	sshll.u32 s1, $0xD;
	s1 =	sshrl.u32 s1, $0x2  }
0xbb: {  	s3 =	sand.u32 $0x4000, s31;
	s1 =	sadd.s32 s1, s30  }
0xbc: {  	s0 =	sor.u32 s3, s0;
	s1 =	sshll.u32 s1, $0x11  }
0xbd: {  	s0 =	sor.u32 s1, s0  }
0xbe: {  	s0 =	sadd.s32 $0x8F2B, s0  }
0xbf: {  	[sflag:s0] =	ssyncadd.remote.s32 $0x1  }
0xc0: {  	_ =	sfence.sel $0xFFFF  }
0xc1: {  	[dreg:$0x0] =	wrdreg $0xFFFFFFFF;
	(pc) =	sbr.abs _section_cstart, $3  }
0xc2: {  	[dreg:$0x1] =	wrdreg $0xFFFFFFFF  }
0xc3: {  	_ =	task.clear_ibuf [dreg:s8], $0x2FFFF;
	_ =	strace $0x9FFFFFFF  }
0xc4: {  	(tm) =	ssettm $0x7FFFFFFF  }
0xc5: {  	_ =	shalt  }
tec
execute0_lowered:
.L_overlay_start_1:
0x0: {  	(tag) =	ssettag $0x1  }
0x1: {  	s0 =	rddreg [dreg:$0x0]  }
0x2: {  	s2 =	rddreg [dreg:$0x1]  }
0x3: {  	s12 =	rddreg [dreg:$0x2];
	s1 =	simm.s32 $0x0;
	s3 =	srdreg.scid  }
0x4: {  	s20 =	stileid.u32;
	s18 =	simm.s32 $0x400;
	s19 =	simm.s32 $0x1000  }
0x5: {  	s28 =	simm.s32 $0x8000;
	s29 =	simm.s32 $0x2;
	s30 =	simm.s32 $0x0  }
0x6: {  	[smem:$0x7FF] =	sst s1;
	s4 =	sand.u32 $0x1, s3;
	s3 =	sadd.s32 $0xA00, s2  }
0x7: {  	s6 =	sshll.u32 s20, $0xF;
	s13 =	sshll.u32 s20, $0x10;
	s17 =	sadd.s32 $0x1000, s12  }
0x8: {  	s20 =	simm.s32 $0x2000;
	s21 =	sshll.u32 s4, $0x9;
	s4 =	ssub.s32 $0x2, s4  }
0x9: {  	_ =	strace $0x80000047;
	s9 =	sor.u32 $0x80, s21;
	s5 =	sshrl.u32 s4, $0x1  }
0xa: {  	s7 =	sor.u32 s21, s6;
	s10 =	sor.u32 $0x100, s21;
	s11 =	sor.u32 $0x180, s21  }
0xb: {  	s2 =	sor.u32 s21, s13;
	s21 =	simm.s32 $0x3000;
	s8 =	sor.u32 s6, s9  }
0xc: {  	s16 =	ssub.s32 s4, s5;
	s22 =	sshrl.u32 s7, $0x3;
	s24 =	sor.u32 s6, s10  }
0xd: {  	s25 =	sor.u32 s6, s11;
	s2 =	sshrl.u32 s2, $0x3;
	s31 =	sor.u32 s13, s9  }
0xe: {  	s10 =	sor.u32 s13, s10;
	s11 =	sor.u32 s13, s11;
	s23 =	sshrl.u32 s8, $0x3  }
0xf: {  	s4 =	sadd.s32 s0, s22;
	s7 =	sshrl.u32 s24, $0x3;
	s26 =	sshrl.u32 s25, $0x3  }
0x10: {  	s8 =	sadd.s32 s12, s2;
	s14 =	sshrl.u32 s10, $0x3;
	s15 =	sshrl.u32 s11, $0x3  }
0x11: {  	s16 =	smax.u32 s16, $0x1;
	s22 =	simm.s32 $0x4000;
	s24 =	simm.s32 $0x5000  }
0x12: {  	s25 =	simm.s32 $0x6000;
	s5 =	sadd.s32 s0, s23;
	s6 =	sadd.s32 s0, s7  }
0x13: {  	s7 =	sadd.s32 s0, s26;
	s0 =	sshrl.u32 s31, $0x3;
	s10 =	sadd.s32 s12, s14  }
0x14: {  	s11 =	sadd.s32 s12, s15;
	s14 =	sadd.s32 s14, s17;
	s15 =	sadd.s32 s15, s17  }
0x15: {  	s23 =	simm.s32 $0x1;
	s26 =	simm.s32 $0x7000;
	s9 =	sadd.s32 s12, s0  }
0x16: {  	s12 =	sadd.s32 s2, s17;
	s13 =	sadd.s32 s0, s17;
	s17 =	simm.s32 $0x80  }
.LBB2_1:
0x17: {  	s0 =	simm.s32 $0x0  }
0x18: {  	[tilespmem:s0], [sflag:$0x1] =	stream.linear.gather [hbm4b:s3+s0], $0x1000, $0x38;
	[tilespmem:$0x9000] =	vst v63  }
0x19: {  	_ = 	snop  }
0x1a: {  	[tilespmem:s19], [sflag:$0x1] =	stream.strided.gather [hbm4b:s4+s17], $0x1000, s18, s17, $0x38;
	[tilespmem:$0x9000] =	vst v63  }
0x1b: {  	_ = 	snop  }
0x1c: {  	[tilespmem:s20], [sflag:$0x1] =	stream.strided.gather [hbm4b:s5+s17], $0x1000, s18, s17, $0x38;
	[tilespmem:$0x9000] =	vst v63  }
0x1d: {  	_ = 	snop  }
0x1e: {  	[tilespmem:s21], [sflag:$0x1] =	stream.strided.gather [hbm4b:s6+s17], $0x1000, s18, s17, $0x38;
	[tilespmem:$0x9000] =	vst v63  }
0x1f: {  	_ = 	snop  }
0x20: {  	[tilespmem:s22], [sflag:$0x1] =	stream.strided.gather [hbm4b:s7+s17], $0x1000, s18, s17, $0x38;
	[tilespmem:$0x9000] =	vst v63  }
0x21: {  	_ =	swait.ge [sflag:s23], $0x1000  }
0x22: {  	[sflag:s23] =	ssyncset.done $0x0  }
0x23: {  	[sflag:s23] =	ssyncadd.s32 $0xFFFFF000  }
0x24: {  	_ =	swait.ge [sflag:s23], $0x1000  }
0x25: {  	[sflag:s23] =	ssyncset.done $0x0  }
0x26: {  	[sflag:s23] =	ssyncadd.s32 $0xFFFFF000  }
0x27: {  	_ =	swait.ge [sflag:s23], $0x1000  }
0x28: {  	[sflag:s23] =	ssyncset.done $0x0  }
0x29: {  	[sflag:s23] =	ssyncadd.s32 $0xFFFFF000  }
0x2a: {  	_ =	swait.ge [sflag:s23], $0x1000  }
0x2b: {  	[sflag:s23] =	ssyncset.done $0x0  }
0x2c: {  	[sflag:s23] =	ssyncadd.s32 $0xFFFFF000  }
0x2d: {  	_ =	swait.ge [sflag:s23], $0x1000  }
0x2e: {  	[sflag:s23] =	ssyncset.done $0x0  }
0x2f: {  	[sflag:s23] =	ssyncadd.s32 $0xFFFFF000  }
0x30: {  	[hbm4b:s8+s17] =	stream.strided.scatter [tilespmem:s19], [sflag:$0x2], $0x1000, s18, s17, $0x38;
	[tilespmem:$0x9000] =	vst v63  }
0x31: {  	_ = 	snop  }
0x32: {  	[hbm4b:s9+s17] =	stream.strided.scatter [tilespmem:s20], [sflag:$0x2], $0x1000, s18, s17, $0x38;
	[tilespmem:$0x9000] =	vst v63  }
0x33: {  	_ = 	snop  }
0x34: {  	[hbm4b:s10+s17] =	stream.strided.scatter [tilespmem:s21], [sflag:$0x2], $0x1000, s18, s17, $0x38;
	[tilespmem:$0x9000] =	vst v63  }
0x35: {  	s31 =	simm.s32 $0x7010;
	s2 =	simm.s32 $0x0;
	s0 =	simm.s32 $0x20  }
0x36: {  	[hbm4b:s11+s17] =	stream.strided.scatter [tilespmem:s22], [sflag:$0x2], $0x1000, s18, s17, $0x38;
	[tilespmem:$0x9000] =	vst v63  }
.LBB2_2:
0x37: {  	v0 =	vld [tilespmem:s0+$0xFFFFFFE0];
	_ =	sdelay $0x7  }
0x38: {  	v1 =	vld.idx.msk [tilespmem:v0+s19+$0x0], $0xffff  }
0x39: {  	v2 =	vadd.s32 $0x1000, v0;
	_ =	sdelay $0x3  }
0x3a: {  	[tilespmem:s31+$0xFFFFDFF0] =	vst v1  }
0x3b: {  	v1 =	vld.idx.msk [tilespmem:v2+s19+$0x0], $0xffff  }
0x3c: {  	v57 =	vadd.s32 $0x2000, v0;
	_ =	sdelay $0x2  }
0x3d: {  	s1 =	sand.u32 $0xFC0, s2  }
0x3e: {  	[tilespmem:s1+$0x6000] =	vst v1  }
0x3f: {  	v1 =	vld.idx.msk [tilespmem:v57+s19+$0x0], $0xffff  }
0x40: {  	v0 =	vadd.s32 $0x3000, v0;
	_ =	sdelay $0x3  }
0x41: {  	[tilespmem:s1+$0x7000] =	vst v1  }
0x42: {  	v0 =	vld.idx.msk [tilespmem:v0+s19+$0x0], $0xffff;
	_ =	sdelay $0x4  }
0x43: {  	[tilespmem:s1+$0x8000] =	vst v0  }
0x44: {  	v0 =	vld [tilespmem:s0+$0xFFFFFFF0];
	_ =	sdelay $0x7  }
0x45: {  	v1 =	vld.idx.msk [tilespmem:v0+s19+$0x0], $0xffff  }
0x46: {  	v58 =	vadd.s32 $0x1000, v0;
	_ =	sdelay $0x3  }
0x47: {  	[tilespmem:s31+$0xFFFFE000] =	vst v1  }
0x48: {  	v1 =	vld.idx.msk [tilespmem:v58+s19+$0x0], $0xffff  }
0x49: {  	v59 =	vadd.s32 $0x2000, v0;
	_ =	sdelay $0x3  }
0x4a: {  	[tilespmem:s31+$0xFFFFF000] =	vst v1  }
0x4b: {  	v1 =	vld.idx.msk [tilespmem:v59+s19+$0x0], $0xffff  }
0x4c: {  	v0 =	vadd.s32 $0x3000, v0;
	_ =	sdelay $0x3  }
0x4d: {  	[tilespmem:s31+$0x0] =	vst v1  }
0x4e: {  	v0 =	vld.idx.msk [tilespmem:v0+s19+$0x0], $0xffff;
	_ =	sdelay $0x4  }
0x4f: {  	[tilespmem:s31+$0x1000] =	vst v0  }
0x50: {  	v0 =	vld [tilespmem:s0+$0x0];
	_ =	sdelay $0x7  }
0x51: {  	v1 =	vld.idx.msk [tilespmem:v0+s19+$0x0], $0xffff  }
0x52: {  	v60 =	vadd.s32 $0x1000, v0;
	_ =	sdelay $0x3  }
0x53: {  	[tilespmem:s31+$0xFFFFE010] =	vst v1  }
0x54: {  	v1 =	vld.idx.msk [tilespmem:v60+s19+$0x0], $0xffff  }
0x55: {  	v61 =	vadd.s32 $0x2000, v0;
	_ =	sdelay $0x3  }
0x56: {  	[tilespmem:s31+$0xFFFFF010] =	vst v1  }
0x57: {  	v1 =	vld.idx.msk [tilespmem:v61+s19+$0x0], $0xffff  }
0x58: {  	v0 =	vadd.s32 $0x3000, v0;
	_ =	sdelay $0x3  }
0x59: {  	[tilespmem:s31+$0x10] =	vst v1  }
0x5a: {  	v0 =	vld.idx.msk [tilespmem:v0+s19+$0x0], $0xffff;
	_ =	sdelay $0x4  }
0x5b: {  	[tilespmem:s31+$0x1010] =	vst v0  }
0x5c: {  	v0 =	vld [tilespmem:s0+$0x10];
	_ =	sdelay $0x7  }
0x5d: {  	v1 =	vld.idx.msk [tilespmem:v0+s19+$0x0], $0xffff  }
0x5e: {  	v62 =	vadd.s32 $0x1000, v0;
	_ =	sdelay $0x3  }
0x5f: {  	[tilespmem:s31+$0xFFFFE020] =	vst v1  }
0x60: {  	v1 =	vld.idx.msk [tilespmem:v62+s19+$0x0], $0xffff  }
0x61: {  	v63 =	vadd.s32 $0x2000, v0;
	_ =	sdelay $0x3  }
0x62: {  	[tilespmem:s31+$0xFFFFF020] =	vst v1  }
0x63: {  	v1 =	vld.idx.msk [tilespmem:v63+s19+$0x0], $0xffff  }
0x64: {  	v0 =	vadd.s32 $0x3000, v0;
	_ =	sdelay $0x3  }
0x65: {  	[tilespmem:s31+$0x20] =	vst v1  }
0x66: {  	p0 =	sne.s32 s2, $0xFC0;
	v0 =	vld.idx.msk [tilespmem:v0+s19+$0x0], $0xffff  }
.Ltmp0:
0x67: {  	_ = 	snop;
	(pc) =	sbr.rel @p0 .LBB2_2-.Ltmp0, $2  }
0x68: {  	_ =	sdelay $0x2  }
0x69: {  	s2 =	sadd.s32 $0x40, s2;
	s0 =	sadd.s32 $0x40, s0;
	[tilespmem:s31+$0x1020] =	vst v0;
	s31 =	sadd.s32 $0x40, s31  }
0x6a: {  	[hbm4b:s12+s17] =	stream.strided.scatter [tilespmem:s24], [sflag:$0x1], $0x1000, s18, s17, $0x38;
	[tilespmem:$0x9000] =	vst v63  }
0x6b: {  	_ = 	snop  }
0x6c: {  	[hbm4b:s13+s17] =	stream.strided.scatter [tilespmem:s25], [sflag:$0x1], $0x1000, s18, s17, $0x38;
	[tilespmem:$0x9000] =	vst v63  }
0x6d: {  	_ = 	snop  }
0x6e: {  	[hbm4b:s14+s17] =	stream.strided.scatter [tilespmem:s26], [sflag:$0x1], $0x1000, s18, s17, $0x38;
	[tilespmem:$0x9000] =	vst v63  }
0x6f: {  	_ = 	snop  }
0x70: {  	[hbm4b:s15+s17] =	stream.strided.scatter [tilespmem:s28], [sflag:$0x1], $0x1000, s18, s17, $0x38;
	[tilespmem:$0x9000] =	vst v63  }
0x71: {  	_ =	swait.ge [sflag:s23], $0x1000  }
0x72: {  	[sflag:s23] =	ssyncset.done $0x0  }
0x73: {  	[sflag:s23] =	ssyncadd.s32 $0xFFFFF000  }
0x74: {  	_ =	swait.ge [sflag:s23], $0x1000  }
0x75: {  	[sflag:s23] =	ssyncset.done $0x0  }
0x76: {  	[sflag:s23] =	ssyncadd.s32 $0xFFFFF000  }
0x77: {  	_ =	swait.ge [sflag:s23], $0x1000  }
0x78: {  	[sflag:s23] =	ssyncset.done $0x0  }
0x79: {  	[sflag:s23] =	ssyncadd.s32 $0xFFFFF000  }
0x7a: {  	_ =	swait.ge [sflag:s23], $0x1000  }
0x7b: {  	[sflag:s23] =	ssyncset.done $0x0  }
0x7c: {  	[sflag:s23] =	ssyncadd.s32 $0xFFFFF000  }
0x7d: {  	_ =	swait.ge [sflag:s29], $0x1000  }
0x7e: {  	[sflag:s29] =	ssyncset.done $0x0  }
0x7f: {  	[sflag:s29] =	ssyncadd.s32 $0xFFFFF000  }
0x80: {  	_ =	swait.ge [sflag:s29], $0x1000  }
0x81: {  	[sflag:s29] =	ssyncset.done $0x0  }
0x82: {  	s30 =	sadd.s32 $0x1, s30;
	[sflag:s29] =	ssyncadd.s32 $0xFFFFF000  }
0x83: {  	p0 =	sne.s32 s30, s16;
	_ =	swait.ge [sflag:s29], $0x1000  }
.Ltmp1:
0x84: {  	[sflag:s29] =	ssyncset.done $0x0;
	(pc) =	sbr.rel @p0 .LBB2_1-.Ltmp1, $4  }
0x85: {  	[sflag:s29] =	ssyncadd.s32 $0xFFFFF000  }
0x86: {  	_ =	swait.ge [sflag:s29], $0x1000  }
0x87: {  	[sflag:s29] =	ssyncset.done $0x0  }
0x88: {  	[sflag:s29] =	ssyncadd.s32 $0xFFFFF000  }
0x89: {  	_ =	sfence.sel $0x180000  }
0x8a: {  	[bflag:$0x0] =	sbarrier.arrive $0xFFFF  }
0x8b: {  	_ =	strace $0x90000047  }
0x8c: {  	s0 =	stileid.u32;
	[bflag:$0x2] =	sbarrier.arrive $0xFFFF  }
0x8d: {  	p0 =	sne.s32 s0, $0x0;
	s0 =	rddreg [dreg:$0x3]  }
0x8e: {  	s0 =	sadd.s32 @!p0 $0x100000, s0  }
0x8f: {  	[sflag:s0] =	ssyncadd.tile.s32 @!p0 $0x1;
	_ =	shalt  }
.Lfunc_end2:
_tile_overlayer_lowered:
.L_overlay_start_2:
0x90: {  	(tag) =	ssettag $0x2  }
0x91: {  	s0 =	rddreg [dreg:$0x0];
	s2 =	stileid.u32  }
0x92: {  	s1 =	rddreg [dreg:$0x1];
	p0 =	sne.s32 s2, $0x0  }
0x93: {  	s3 =	rddreg [dreg:$0x2];
	[bflag:$0x3] =	sbarrier.arrive $0xFFFF;
	s2 =	simm.s32 @!p0 $0x1C03  }
0x94: {  	[timem:s3], [sflag:s2] =	dma.local @!p0 [hbm:s0], s1  }
0x95: {  	s0 =	simm.s32 @!p0 $0x3  }
0x96: {  	_ =	swait.ge @!p0 [sflag:s0], s1  }
0x97: {  	s1 =	ssub.s32 @!p0 $0x0, s1;
	[sflag:s0] =	ssyncset.done @!p0 $0x0  }
0x98: {  	[sflag:s0] =	ssyncadd.s32 @!p0 s1  }
0x99: {  	[bflag:$0x3] =	sbarrier.arrive $0xFFFF  }
0x9a: {  	_ =	shalt  }

</sc_bundles>
